<compile_context>
chip_gen: v7x
topology: tpu7x:2x2x1
jax: 0.10.2.dev20260603
libtpu: 0.0.44.dev20260713+nightly
codegen_flags: <defaults>
</compile_context>

<pallas_src>
import functools

import jax
import jax.numpy as jnp
from jax import lax
from jax.experimental import pallas as pl
from jax.experimental.pallas import tpu as pltpu
from jax.experimental.pallas import tpu_sc as plsc

N = 10000
E = 320000
NET = 4
D_IN = 128
H = 64

NPAD = 10240
EPAD = 327680
EPT = EPAD // 16
RPT = NPAD // 16
NROW = EPAD // 128
RWT = NROW // 16
DUMP = N
KB1 = 512
KB2 = 2048
BR = 2048
NB = NPAD // BR

_MESH = plsc.VectorSubcoreMesh(core_axis_name="c", subcore_axis_name="s",
                               num_cores=2, num_subcores=16)
_SC_PARAMS = pltpu.CompilerParams(use_tc_tiling_on_sc=False)
_SC_REG_PARAMS = pltpu.CompilerParams(use_tc_tiling_on_sc=False,
                                      needs_layout_passes=False)



def _make_sc_reg(with_gather):
    scratch = [
        pltpu.VMEM((EPT,), jnp.int32),
        pltpu.VMEM((NPAD,), jnp.float32),
    ]
    if with_gather:
        scratch += [
            pltpu.VMEM((EPT,), jnp.int32),
            pltpu.VMEM((NPAD,), jnp.float32),
        ]

    def body(refs):
        if with_gather:
            zd, srcu, dstu, out, didxl, acc, sidxl, zloc = refs
        else:
            dstu, out, didxl, acc = refs
        c = lax.axis_index("c")
        s = lax.axis_index("s")
        ones = jnp.full((16,), 1.0, jnp.float32)
        zeros = jnp.zeros((16,), jnp.float32)
        for nl in range(2):
            net = 2 * c + nl
            ebase = net * EPAD + s * EPT
            pltpu.sync_copy(dstu.at[pl.ds(ebase, EPT)], didxl)
            if with_gather:
                pltpu.sync_copy(srcu.at[pl.ds(ebase, EPT)], sidxl)
                pltpu.sync_copy(zd.at[pl.ds(net * NPAD, NPAD)], zloc)

            def zz(i, _):
                acc[pl.ds(i * 16, 16)] = zeros
                return 0
            lax.fori_loop(0, NPAD // 16, zz, 0)

            def ed(i, _):
                d16 = didxl[pl.ds(i * 16, 16)]
                if with_gather:
                    v16 = plsc.load_gather(zloc, [sidxl[pl.ds(i * 16, 16)]])
                else:
                    v16 = ones
                plsc.addupdate_scatter(acc, [d16], v16)
                return 0
            lax.fori_loop(0, EPT // 16, ed, 0)
            pltpu.sync_copy(
                acc, out.at[pl.ds((net * 16 + s) * NPAD, NPAD)])

    if with_gather:
        def kern(zd, srcu, dstu, out, didxl, acc, sidxl, zloc):
            body((zd, srcu, dstu, out, didxl, acc, sidxl, zloc))
    else:
        def kern(dstu, out, didxl, acc):
            body((dstu, out, didxl, acc))

    return functools.partial(
        pl.kernel,
        out_type=jax.ShapeDtypeStruct((NET * 16 * NPAD,), jnp.float32),
        mesh=_MESH,
        compiler_params=_SC_REG_PARAMS,
        scratch_types=scratch,
    )(kern)


_sc_deg = _make_sc_reg(False)
_sc_agg1 = _make_sc_reg(True)


def _make_sc_agg(width, kb):
    nrow_b = kb // 128
    nbatch = EPT // kb
    npair = nbatch // 2

    @functools.partial(
        pl.kernel,
        out_type=jax.ShapeDtypeStruct((NET * NPAD, width), jnp.float32),
        mesh=_MESH,
        compiler_params=_SC_PARAMS,
        scratch_types=[
            pltpu.VMEM((kb,), jnp.int32),
            pltpu.VMEM((kb,), jnp.int32),
            pltpu.VMEM((nrow_b, 128), jnp.int32),
            pltpu.VMEM((nrow_b, 128), jnp.int32),
            pltpu.VMEM((kb, width), jnp.float32),
            pltpu.VMEM((kb, width), jnp.float32),
            pltpu.VMEM_SHARED((NPAD, width), jnp.float32),
            pltpu.SemaphoreType.DMA,
            pltpu.SemaphoreType.DMA,
            pltpu.SemaphoreType.DMA,
            pltpu.SemaphoreType.DMA,
        ],
    )
    def _sc_agg(z, srcg, dst3, zrows, out, sidx0, sidx1, didx0, didx1,
                rows0, rows1, acc, gs0, gs1, ss0, ss1):
        c = lax.axis_index("c")
        s = lax.axis_index("s")
        slots = ((sidx0, didx0, rows0, gs0, ss0),
                 (sidx1, didx1, rows1, gs1, ss1))

        for nl in range(2):
            net = 2 * c + nl
            pltpu.sync_copy(zrows, acc.at[pl.ds(s * RPT, RPT)])
            plsc.subcore_barrier()
            ebase = net * EPAD + s * EPT
            rbase = net * NROW + s * RWT

            pltpu.sync_copy(srcg.at[pl.ds(ebase, kb)], sidx0)
            pltpu.async_copy(z.at[sidx0], rows0, gs0)

            def pair(p, _):
                for k in range(2):
                    b = 2 * p + k
                    sidx, didx, rows, gsem, _ = slots[k]
                    osidx, _, orows, ogsem, _ = slots[1 - k]
                    @pl.when(b + 1 < nbatch)
                    def _():
                        pltpu.sync_copy(
                            srcg.at[pl.ds(ebase + (b + 1) * kb, kb)], osidx)
                        pltpu.async_copy(z.at[osidx], orows, ogsem)
                    pltpu.make_async_copy(z.at[sidx], rows, gsem).wait()
                    pltpu.sync_copy(
                        dst3.at[pl.ds(rbase + b * nrow_b, nrow_b)], didx)
                    for j in range(nrow_b):
                        pltpu.sync_copy(rows.at[pl.ds(j * 128, 128)],
                                        acc.at[didx.at[j]], add=True)
                return 0
            lax.fori_loop(0, npair, pair, 0)
            plsc.subcore_barrier()
            pltpu.sync_copy(acc.at[pl.ds(s * RPT, RPT)],
                            out.at[pl.ds(net * NPAD + s * RPT, RPT)])
            plsc.subcore_barrier()

    return _sc_agg


_sc_agg64 = _make_sc_agg(H, KB1)



def _tc_b0_body(f_ref, w1_ref, y_ref):
    y_ref[...] = jnp.dot(f_ref[...], w1_ref[...],
                         preferred_element_type=jnp.float32)


def _tc_b0(flatten_p, W1cat):
    return pl.pallas_call(
        _tc_b0_body,
        grid=(NB,),
        in_specs=[
            pl.BlockSpec((BR, D_IN), lambda j: (j, 0)),
            pl.BlockSpec((D_IN, NET * H), lambda j: (0, 0)),
        ],
        out_specs=pl.BlockSpec((BR, NET * H), lambda j: (j, 0)),
        out_shape=jax.ShapeDtypeStruct((NPAD, NET * H), jnp.float32),
    )(flatten_p, W1cat)


def _tc_b1_body(y_ref, deg_ref, z_ref, dinv_ref, s1_ref):
    for n in range(NET):
        dv = lax.rsqrt(jnp.sum(deg_ref[n], axis=0) + 2.0)
        y = y_ref[:, n * H:(n + 1) * H]
        z_ref[n] = dv[:, None] * y
        dinv_ref[n, 0] = dv
        s1_ref[n] = (2.0 * dv * dv)[:, None] * y


def _tc_b1(y1, deg):
    return pl.pallas_call(
        _tc_b1_body,
        grid=(NB,),
        in_specs=[
            pl.BlockSpec((BR, NET * H), lambda j: (j, 0)),
            pl.BlockSpec((NET, 16, BR), lambda j: (0, 0, j)),
        ],
        out_specs=[
            pl.BlockSpec((NET, BR, H), lambda j: (0, j, 0)),
            pl.BlockSpec((NET, 1, BR), lambda j: (0, 0, j)),
            pl.BlockSpec((NET, BR, H), lambda j: (0, j, 0)),
        ],
        out_shape=[
            jax.ShapeDtypeStruct((NET, NPAD, H), jnp.float32),
            jax.ShapeDtypeStruct((NET, 1, NPAD), jnp.float32),
            jax.ShapeDtypeStruct((NET, NPAD, H), jnp.float32),
        ],
    )(y1, deg)


def _x_block(agg_ref, dinv_ref, s1_ref, b1_ref):
    dv = dinv_ref[0, 0]
    x = dv[:, None] * agg_ref[0] + s1_ref[0] + b1_ref[0, 0][None, :]
    return jnp.maximum(x, 0.0), dv


def _tc_c1_body(agg_ref, dinv_ref, s1_ref, b1_ref, sum1_ref, sum2_ref):
    j = pl.program_id(1)
    x, _ = _x_block(agg_ref, dinv_ref, s1_ref, b1_ref)
    rows = lax.broadcasted_iota(jnp.int32, (BR, 1), 0) + j * BR
    mask = (rows < N).astype(jnp.float32)
    xm = x * mask

    @pl.when(j == 0)
    def _():
        sum1_ref[...] = jnp.zeros_like(sum1_ref)
        sum2_ref[...] = jnp.zeros_like(sum2_ref)

    sum1_ref[0, 0] += jnp.sum(xm, axis=0)
    sum2_ref[0, 0] += jnp.sum(xm * x, axis=0)


def _tc_c1(agg, dinv, self1, b1r):
    return pl.pallas_call(
        _tc_c1_body,
        grid=(NET, NB),
        in_specs=[
            pl.BlockSpec((1, BR, H), lambda i, j: (i, j, 0)),
            pl.BlockSpec((1, 1, BR), lambda i, j: (i, 0, j)),
            pl.BlockSpec((1, BR, H), lambda i, j: (i, j, 0)),
            pl.BlockSpec((1, 1, H), lambda i, j: (i, 0, 0)),
        ],
        out_specs=[
            pl.BlockSpec((1, 1, H), lambda i, j: (i, 0, 0)),
            pl.BlockSpec((1, 1, H), lambda i, j: (i, 0, 0)),
        ],
        out_shape=[
            jax.ShapeDtypeStruct((NET, 1, H), jnp.float32),
            jax.ShapeDtypeStruct((NET, 1, H), jnp.float32),
        ],
    )(agg, dinv, self1, b1r)


def _tc_c2_body(agg_ref, dinv_ref, s1_ref, b1_ref, g_ref, be_ref, w2_ref,
                sum1_ref, sum2_ref, zd_ref, sd_ref):
    x, dv = _x_block(agg_ref, dinv_ref, s1_ref, b1_ref)
    mean = sum1_ref[0, 0] / float(N)
    var = sum2_ref[0, 0] / float(N) - mean * mean
    scale = lax.rsqrt(var + 1e-5) * g_ref[0, 0]
    xbn = (x - mean[None, :]) * scale[None, :] + be_ref[0, 0][None, :]
    xd = jnp.dot(xbn, w2_ref[0], preferred_element_type=jnp.float32)
    zd_ref[0] = dv[:, None] * xd
    sd_ref[0] = (2.0 * dv * dv)[:, None] * xd


def _tc_c2(agg, dinv, self1, b1r, gr, ber, w2d, sum1, sum2):
    return pl.pallas_call(
        _tc_c2_body,
        grid=(NET, NB),
        in_specs=[
            pl.BlockSpec((1, BR, H), lambda i, j: (i, j, 0)),
            pl.BlockSpec((1, 1, BR), lambda i, j: (i, 0, j)),
            pl.BlockSpec((1, BR, H), lambda i, j: (i, j, 0)),
            pl.BlockSpec((1, 1, H), lambda i, j: (i, 0, 0)),
            pl.BlockSpec((1, 1, H), lambda i, j: (i, 0, 0)),
            pl.BlockSpec((1, 1, H), lambda i, j: (i, 0, 0)),
            pl.BlockSpec((1, H, 8), lambda i, j: (i, 0, 0)),
            pl.BlockSpec((1, 1, H), lambda i, j: (i, 0, 0)),
            pl.BlockSpec((1, 1, H), lambda i, j: (i, 0, 0)),
        ],
        out_specs=[
            pl.BlockSpec((1, BR, 8), lambda i, j: (i, j, 0)),
            pl.BlockSpec((1, BR, 8), lambda i, j: (i, j, 0)),
        ],
        out_shape=[
            jax.ShapeDtypeStruct((NET, NPAD, 8), jnp.float32),
            jax.ShapeDtypeStruct((NET, NPAD, 8), jnp.float32),
        ],
    )(agg, dinv, self1, b1r, gr, ber, w2d, sum1, sum2)


def _tc_d_body(aggdp_ref, sd_ref, dinv_ref, b2d_ref, moet_ref, gwt_ref,
               gb_ref, out_ref):
    aggd_ref = jnp.sum(aggdp_ref[...], axis=1)
    wl = jnp.dot(gwt_ref[...], moet_ref[...],
                 preferred_element_type=jnp.float32) + gb_ref[...]
    nid = lax.broadcasted_iota(jnp.int32, (8, 1), 0)
    wl = jnp.where(nid < NET, wl, -1e30)
    wm = jnp.max(wl, axis=0, keepdims=True)
    we = jnp.exp(wl - wm)
    w = (we / jnp.sum(we, axis=0, keepdims=True))[0:NET]

    d = dinv_ref[...] * aggd_ref[...] + sd_ref[...] + b2d_ref[...]
    t = jnp.log(1.0 + jnp.exp(-jnp.abs(d)))
    lp1 = jnp.minimum(d, 0.0) - t
    lp0 = -jnp.maximum(d, 0.0) - t
    r0 = jnp.sum(w * lp0, axis=0, keepdims=True)
    r1 = jnp.sum(w * lp1, axis=0, keepdims=True)
    q0 = jnp.sum(w * jnp.exp(lp0), axis=0, keepdims=True)
    q1 = jnp.sum(w * jnp.exp(lp1), axis=0, keepdims=True)
    out_ref[...] = jnp.concatenate(
        [r0, r1, q0, q1, jnp.zeros((4, w.shape[1]), jnp.float32)], axis=0)


def _tc_d(aggd, selfd, dinv2, b2d, moeT, gWT8, gb8):
    return pl.pallas_call(
        _tc_d_body,
        out_shape=jax.ShapeDtypeStruct((8, NPAD), jnp.float32),
    )(aggd, selfd, dinv2, b2d, moeT, gWT8, gb8)



def kernel(features, moe_features, networks, flatten, W1, b1, gamma, beta,
           W2, b2, gW, gb):
    f32 = jnp.float32
    src = networks[:, 0, :].astype(jnp.int32)
    dst = networks[:, 1, :].astype(jnp.int32)
    pad = EPAD - E
    srcp = jnp.pad(src, ((0, 0), (0, pad)), constant_values=DUMP)
    dstp = jnp.pad(dst, ((0, 0), (0, pad)), constant_values=DUMP)
    srcg = (srcp
            + (jnp.arange(NET, dtype=jnp.int32) * NPAD)[:, None]).reshape(-1)
    dst3 = dstp.reshape(NET * NROW, 128)
    flatten_p = jnp.pad(flatten, ((0, NPAD - N), (0, 0)))
    moeT = jnp.pad(moe_features, ((0, NPAD - N), (0, 0))).T
    w2d = (W2[:, :, 1] - W2[:, :, 0]).reshape(NET, H, 1)
    w2d = jnp.pad(w2d, ((0, 0), (0, 0), (0, 7)))
    b2d = (b2[:, 1] - b2[:, 0]).reshape(NET, 1)
    gWT8 = jnp.pad(gW.T, ((0, 4), (0, 0)))
    gb8 = jnp.pad(gb, (0, 4)).reshape(8, 1)
    zeros64 = jnp.zeros((RPT, H), f32)
    srcu = srcp.reshape(-1)
    dstu = dstp.reshape(-1)

    W1cat = W1.transpose(1, 0, 2).reshape(D_IN, NET * H)
    y1 = _tc_b0(flatten_p, W1cat)
    deg = _sc_deg(dstu).reshape(NET, 16, NPAD)
    z3, dinv, self1 = _tc_b1(y1, deg)
    agg1 = _sc_agg64(z3.reshape(NET * NPAD, H), srcg, dst3, zeros64)
    agg1 = agg1.reshape(NET, NPAD, H)
    b1r = b1.reshape(NET, 1, H)
    sum1, sum2 = _tc_c1(agg1, dinv, self1, b1r)
    zd, sd = _tc_c2(agg1, dinv, self1, b1r, gamma.reshape(NET, 1, H),
                    beta.reshape(NET, 1, H), w2d, sum1, sum2)
    zdflat = zd[:, :, 0].reshape(NET * NPAD)
    aggdp = _sc_agg1(zdflat, srcu, dstu).reshape(NET, 16, NPAD)
    outd = _tc_d(aggdp, sd[:, :, 0], dinv.reshape(NET, NPAD), b2d, moeT,
                 gWT8, gb8)
    return (jnp.stack([outd[0, :N], outd[1, :N]], axis=1),
            jnp.stack([outd[2, :N], outd[3, :N]], axis=1))

# --- scband reference (transcript-rebuilt; emitter-appended) ---
"""Pipeline reference for scband-deep-nd-st-29033978921059 (READ-ONLY COPY).

The authoritative reference and input builder live on the scoring server;
editing this copy changes nothing except your own understanding.
"""

import jax, jax.numpy as jnp
import numpy as np

N = 10000
E = 320000
NET = 4
D_IN = 128
H = 64


def gcn_conv(x, src, dst, W, b, n):
    # GCNConv with improved=True: A_hat = A + 2I, D_hat from A_hat
    x = x @ W
    deg = jax.ops.segment_sum(jnp.ones(src.shape[0], x.dtype), dst, num_segments=n) + 2.0
    dinv = jax.lax.rsqrt(deg)
    norm = dinv[src] * dinv[dst]
    agg = jax.ops.segment_sum(x[src] * norm[:, None], dst, num_segments=n)
    agg = agg + x * (2.0 * dinv * dinv)[:, None]
    return agg + b


def batch_norm(x, gamma, beta):
    # BatchNorm1d with track_running_stats=False -> always batch stats (biased var)
    mean = jnp.mean(x, axis=0)
    var = jnp.mean((x - mean) ** 2, axis=0)
    return (x - mean) * jax.lax.rsqrt(var + 1e-5) * gamma + beta


def setup_inputs(seed: int = 0):
    key = jax.random.key(seed)
    ks = jax.random.split(key, 8)
    features = jax.random.normal(ks[0], (N, D_IN), dtype=jnp.float32)
    moe_features = jax.random.normal(ks[1], (N, D_IN), dtype=jnp.float32)
    flatten = jax.random.normal(ks[2], (N, D_IN), dtype=jnp.float32)
    networks = jax.random.randint(ks[3], (NET, 2, E), 0, N)
    W1 = jax.random.normal(ks[4], (NET, D_IN, H), dtype=jnp.float32) * 0.05
    b1 = jnp.zeros((NET, H), dtype=jnp.float32)
    gamma = jnp.ones((NET, H), dtype=jnp.float32)
    beta = jnp.zeros((NET, H), dtype=jnp.float32)
    W2 = jax.random.normal(ks[5], (NET, H, 2), dtype=jnp.float32) * 0.05
    b2 = jnp.zeros((NET, 2), dtype=jnp.float32)
    gW = jax.random.normal(ks[6], (D_IN, NET), dtype=jnp.float32) * 0.05
    gb = jnp.zeros((NET,), dtype=jnp.float32)
    return {"features": features, "moe_features": moe_features, "networks": networks,
            "flatten": flatten, "W1": W1, "b1": b1, "gamma": gamma, "beta": beta,
            "W2": W2, "b2": b2, "gW": gW, "gb": gb}


def reference(features, moe_features, networks, flatten, W1, b1, gamma, beta, W2, b2, gW, gb):
    n = features.shape[0]
    log1, log0, p1, p0 = [], [], [], []
    for i in range(NET):
        src = networks[i, 0]
        dst = networks[i, 1]
        x = gcn_conv(flatten, src, dst, W1[i], b1[i], n)
        x = jax.nn.relu(x)
        x = batch_norm(x, gamma[i], beta[i])
        x = gcn_conv(x, src, dst, W2[i], b2[i], n)
        lp = jax.nn.log_softmax(x, axis=1)
        pp = jax.nn.softmax(x, axis=1)
        log1.append(lp[:, 1])
        log0.append(lp[:, 0])
        p1.append(pp[:, 1])
        p0.append(pp[:, 0])
    weights = jax.nn.softmax(moe_features @ gW + gb, axis=1)
    extended = jnp.stack(log1, axis=1)
    extended2 = jnp.stack(log0, axis=1)
    results = jnp.sum(weights * extended, axis=1)
    results2 = jnp.sum(weights * extended2, axis=1)
    ep = jnp.stack(p1, axis=1)
    ep2 = jnp.stack(p0, axis=1)
    results_probabilities = jnp.sum(weights * ep, axis=1)
    results_probabilities2 = jnp.sum(weights * ep2, axis=1)
    results_concat = jnp.stack([results2, results], axis=1)
    results_probs_concat = jnp.stack([results_probabilities2, results_probabilities], axis=1)
    return (results_concat, results_probs_concat)

if __name__ == "__main__":
    import jax
    _d = setup_inputs()
    print(jax.jit(kernel)(*tuple(_d.values())))

</pallas_src>

<mosaic_0001>
#map = affine_map<(d0, d1) -> (0)>
module attributes {stable_mosaic.version = 14 : i64} {
  func.func @kern(%arg0: i32, %arg1: i32, %arg2: memref<40960xf32, #tpu.memory_space<hbm>>, %arg3: memref<1310720xi32, #tpu.memory_space<hbm>>, %arg4: memref<1310720xi32, #tpu.memory_space<hbm>>, %arg5: memref<655360xf32, #tpu.memory_space<hbm>>, %arg6: memref<20480xi32, #tpu.memory_space<vmem>>, %arg7: memref<10240xf32, #tpu.memory_space<vmem>>, %arg8: memref<20480xi32, #tpu.memory_space<vmem>>, %arg9: memref<10240xf32, #tpu.memory_space<vmem>>) attributes {dimension_semantics = [#tpu.dimension_semantics<core_parallel>, #tpu.dimension_semantics<subcore_parallel>], iteration_bounds = array<i64: 2, 16>, scalar_prefetch = 0 : i64, scratch_operands = 4 : i64, tpu.core_type = #tpu.core_type<sc_vector_subcore>, window_params = [{transform_indices = #map}, {transform_indices = #map}, {transform_indices = #map}, {transform_indices = #map}]} {
    %broadcast_in_dim3A = arith.constant 1.000000e+00 : f32
    %broadcast_in_dim3A_0 = vector.broadcast %broadcast_in_dim3A : f32 to vector<16xf32>
    %broadcast_in_dim3A_1 = arith.constant 0.000000e+00 : f32
    %broadcast_in_dim3A_2 = vector.broadcast %broadcast_in_dim3A_1 : f32 to vector<16xf32>
    %mul3A = arith.constant 2 : i32
    %mul3A_3 = arith.muli %mul3A, %arg0 : i32
    %add3A = arith.constant 0 : i32
    %add3A_4 = arith.addi %mul3A_3, %add3A : i32
    %mul3A_5 = arith.constant 327680 : i32
    %mul3A_6 = arith.muli %add3A_4, %mul3A_5 : i32
    %mul3A_7 = arith.constant 20480 : i32
    %mul3A_8 = arith.muli %arg1, %mul3A_7 : i32
    %add3A_9 = arith.addi %mul3A_6, %mul3A_8 : i32
    "tpu.region"() ({
      %run_scoped3A = tpu.sem_alloc : memref<!tpu.dma_semaphore, #tpu.memory_space<semaphore_mem>>
      %dma_start3A = tpu.memref_slice %arg4[%add3A_9] : memref<1310720xi32, #tpu.memory_space<hbm>> -> memref<20480xi32, #tpu.memory_space<hbm>>
      %dma_start3A_60 = tpu.memref_slice %arg4[%add3A_9] : memref<1310720xi32, #tpu.memory_space<hbm>> -> memref<20480xi32, #tpu.memory_space<hbm>>
      tpu.enqueue_dma source(%dma_start3A_60 : memref<20480xi32, #tpu.memory_space<hbm>>) target(%arg6 : memref<20480xi32, #tpu.memory_space<vmem>>) target_semaphore(%run_scoped3A : memref<!tpu.dma_semaphore, #tpu.memory_space<semaphore_mem>>)
      %dma_wait3A = tpu.memref_slice %arg4[%add3A_9] : memref<1310720xi32, #tpu.memory_space<hbm>> -> memref<20480xi32, #tpu.memory_space<hbm>>
      %dma_wait3A_61 = tpu.memref_slice %arg4[%add3A_9] : memref<1310720xi32, #tpu.memory_space<hbm>> -> memref<20480xi32, #tpu.memory_space<hbm>>
      tpu.wait_dma2 semaphore(%run_scoped3A : memref<!tpu.dma_semaphore, #tpu.memory_space<semaphore_mem>>) src(%dma_wait3A_61 : memref<20480xi32, #tpu.memory_space<hbm>>) dst(%arg6 : memref<20480xi32, #tpu.memory_space<vmem>>)
      tpu.yield
    }) : () -> ()
    "tpu.region"() ({
      %run_scoped3A = tpu.sem_alloc : memref<!tpu.dma_semaphore, #tpu.memory_space<semaphore_mem>>
      %dma_start3A = tpu.memref_slice %arg3[%add3A_9] : memref<1310720xi32, #tpu.memory_space<hbm>> -> memref<20480xi32, #tpu.memory_space<hbm>>
      %dma_start3A_60 = tpu.memref_slice %arg3[%add3A_9] : memref<1310720xi32, #tpu.memory_space<hbm>> -> memref<20480xi32, #tpu.memory_space<hbm>>
      tpu.enqueue_dma source(%dma_start3A_60 : memref<20480xi32, #tpu.memory_space<hbm>>) target(%arg8 : memref<20480xi32, #tpu.memory_space<vmem>>) target_semaphore(%run_scoped3A : memref<!tpu.dma_semaphore, #tpu.memory_space<semaphore_mem>>)
      %dma_wait3A = tpu.memref_slice %arg3[%add3A_9] : memref<1310720xi32, #tpu.memory_space<hbm>> -> memref<20480xi32, #tpu.memory_space<hbm>>
      %dma_wait3A_61 = tpu.memref_slice %arg3[%add3A_9] : memref<1310720xi32, #tpu.memory_space<hbm>> -> memref<20480xi32, #tpu.memory_space<hbm>>
      tpu.wait_dma2 semaphore(%run_scoped3A : memref<!tpu.dma_semaphore, #tpu.memory_space<semaphore_mem>>) src(%dma_wait3A_61 : memref<20480xi32, #tpu.memory_space<hbm>>) dst(%arg8 : memref<20480xi32, #tpu.memory_space<vmem>>)
      tpu.yield
    }) : () -> ()
    %mul3A_10 = arith.constant 10240 : i32
    %mul3A_11 = arith.muli %add3A_4, %mul3A_10 : i32
    "tpu.region"() ({
      %run_scoped3A = tpu.sem_alloc : memref<!tpu.dma_semaphore, #tpu.memory_space<semaphore_mem>>
      %dma_start3A = tpu.memref_slice %arg2[%mul3A_11] : memref<40960xf32, #tpu.memory_space<hbm>> -> memref<10240xf32, #tpu.memory_space<hbm>>
      %dma_start3A_60 = tpu.memref_slice %arg2[%mul3A_11] : memref<40960xf32, #tpu.memory_space<hbm>> -> memref<10240xf32, #tpu.memory_space<hbm>>
      tpu.enqueue_dma source(%dma_start3A_60 : memref<10240xf32, #tpu.memory_space<hbm>>) target(%arg9 : memref<10240xf32, #tpu.memory_space<vmem>>) target_semaphore(%run_scoped3A : memref<!tpu.dma_semaphore, #tpu.memory_space<semaphore_mem>>)
      %dma_wait3A = tpu.memref_slice %arg2[%mul3A_11] : memref<40960xf32, #tpu.memory_space<hbm>> -> memref<10240xf32, #tpu.memory_space<hbm>>
      %dma_wait3A_61 = tpu.memref_slice %arg2[%mul3A_11] : memref<40960xf32, #tpu.memory_space<hbm>> -> memref<10240xf32, #tpu.memory_space<hbm>>
      tpu.wait_dma2 semaphore(%run_scoped3A : memref<!tpu.dma_semaphore, #tpu.memory_space<semaphore_mem>>) src(%dma_wait3A_61 : memref<10240xf32, #tpu.memory_space<hbm>>) dst(%arg9 : memref<10240xf32, #tpu.memory_space<vmem>>)
      tpu.yield
    }) : () -> ()
    %scan3A = arith.constant 0 : i32
    %scan3A_12 = arith.constant 0 : i32
    %scan3A_13 = arith.constant 640 : i32
    %scan3A_14 = arith.addi %scan3A_12, %scan3A_13 : i32
    %scan3A_15 = arith.constant 1 : i32
    %scan3A_16 = scf.for %scan3A_60 = %scan3A_12 to %scan3A_14 step %scan3A_15 iter_args(%scan3A_61 = %scan3A) -> (i32)  : i32 {
      %mul3A_62 = arith.constant 16 : i32
      %mul3A_63 = arith.muli %scan3A_60, %mul3A_62 : i32
      %swap3A = arith.index_cast %mul3A_63 : i32 to index
      %swap3A_64 = tpu.vector_load %arg7[%swap3A] {strides = array<i32>} : memref<10240xf32, #tpu.memory_space<vmem>>, vector<16xf32>,
      tpu.vector_store %arg7[%swap3A], %broadcast_in_dim3A_2 {strides = array<i32>} : memref<10240xf32, #tpu.memory_space<vmem>>, vector<16xf32>,
      %scan3A_65 = arith.constant 0 : i32
      scf.yield %scan3A_65 : i32
    }
    %scan3A_17 = arith.constant 640 : i32
    %scan3A_18 = arith.constant 0 : i32
    %scan3A_19 = arith.constant 0 : i32
    %scan3A_20 = arith.constant 1280 : i32
    %scan3A_21 = arith.addi %scan3A_19, %scan3A_20 : i32
    %scan3A_22 = arith.constant 1 : i32
    %scan3A_23 = scf.for %scan3A_60 = %scan3A_19 to %scan3A_21 step %scan3A_22 iter_args(%scan3A_61 = %scan3A_18) -> (i32)  : i32 {
      %mul3A_62 = arith.constant 16 : i32
      %mul3A_63 = arith.muli %scan3A_60, %mul3A_62 : i32
      %get3A = arith.index_cast %mul3A_63 : i32 to index
      %get3A_64 = tpu.vector_load %arg6[%get3A] {strides = array<i32>} : memref<20480xi32, #tpu.memory_space<vmem>>, vector<16xi32>,
      %mul3A_65 = arith.constant 16 : i32
      %mul3A_66 = arith.muli %scan3A_60, %mul3A_65 : i32
      %get3A_67 = arith.index_cast %mul3A_66 : i32 to index
      %get3A_68 = tpu.vector_load %arg8[%get3A_67] {strides = array<i32>} : memref<20480xi32, #tpu.memory_space<vmem>>, vector<16xi32>,
      %gather3A = tpu.vector_load_idx %arg9[%get3A_68] : memref<10240xf32, #tpu.memory_space<vmem>>[vector<16xi32>], vector<16xf32>,
      tpu.vector_store_idx %arg7[%get3A_64], %gather3A {add = true} : memref<10240xf32, #tpu.memory_space<vmem>>[vector<16xi32>], vector<16xf32>,
      %scan3A_69 = arith.constant 0 : i32
      scf.yield %scan3A_69 : i32
    }
    %scan3A_24 = arith.constant 1280 : i32
    %mul3A_25 = arith.constant 16 : i32
    %mul3A_26 = arith.muli %add3A_4, %mul3A_25 : i32
    %add3A_27 = arith.addi %mul3A_26, %arg1 : i32
    %mul3A_28 = arith.constant 10240 : i32
    %mul3A_29 = arith.muli %add3A_27, %mul3A_28 : i32
    "tpu.region"() ({
      %run_scoped3A = tpu.sem_alloc : memref<!tpu.dma_semaphore, #tpu.memory_space<semaphore_mem>>
      %dma_start3A = tpu.memref_slice %arg5[%mul3A_29] : memref<655360xf32, #tpu.memory_space<hbm>> -> memref<10240xf32, #tpu.memory_space<hbm>>
      %dma_start3A_60 = tpu.memref_slice %arg5[%mul3A_29] : memref<655360xf32, #tpu.memory_space<hbm>> -> memref<10240xf32, #tpu.memory_space<hbm>>
      tpu.enqueue_dma source(%arg7 : memref<10240xf32, #tpu.memory_space<vmem>>) target(%dma_start3A_60 : memref<10240xf32, #tpu.memory_space<hbm>>) target_semaphore(%run_scoped3A : memref<!tpu.dma_semaphore, #tpu.memory_space<semaphore_mem>>)
      %dma_wait3A = tpu.memref_slice %arg5[%mul3A_29] : memref<655360xf32, #tpu.memory_space<hbm>> -> memref<10240xf32, #tpu.memory_space<hbm>>
      %dma_wait3A_61 = tpu.memref_slice %arg5[%mul3A_29] : memref<655360xf32, #tpu.memory_space<hbm>> -> memref<10240xf32, #tpu.memory_space<hbm>>
      tpu.wait_dma2 semaphore(%run_scoped3A : memref<!tpu.dma_semaphore, #tpu.memory_space<semaphore_mem>>) src(%arg7 : memref<10240xf32, #tpu.memory_space<vmem>>) dst(%dma_wait3A_61 : memref<10240xf32, #tpu.memory_space<hbm>>)
      tpu.yield
    }) : () -> ()
    %mul3A_30 = arith.constant 2 : i32
    %mul3A_31 = arith.muli %mul3A_30, %arg0 : i32
    %add3A_32 = arith.constant 1 : i32
    %add3A_33 = arith.addi %mul3A_31, %add3A_32 : i32
    %mul3A_34 = arith.constant 327680 : i32
    %mul3A_35 = arith.muli %add3A_33, %mul3A_34 : i32
    %mul3A_36 = arith.constant 20480 : i32
    %mul3A_37 = arith.muli %arg1, %mul3A_36 : i32
    %add3A_38 = arith.addi %mul3A_35, %mul3A_37 : i32
    "tpu.region"() ({
      %run_scoped3A = tpu.sem_alloc : memref<!tpu.dma_semaphore, #tpu.memory_space<semaphore_mem>>
      %dma_start3A = tpu.memref_slice %arg4[%add3A_38] : memref<1310720xi32, #tpu.memory_space<hbm>> -> memref<20480xi32, #tpu.memory_space<hbm>>
      %dma_start3A_60 = tpu.memref_slice %arg4[%add3A_38] : memref<1310720xi32, #tpu.memory_space<hbm>> -> memref<20480xi32, #tpu.memory_space<hbm>>
      tpu.enqueue_dma source(%dma_start3A_60 : memref<20480xi32, #tpu.memory_space<hbm>>) target(%arg6 : memref<20480xi32, #tpu.memory_space<vmem>>) target_semaphore(%run_scoped3A : memref<!tpu.dma_semaphore, #tpu.memory_space<semaphore_mem>>)
      %dma_wait3A = tpu.memref_slice %arg4[%add3A_38] : memref<1310720xi32, #tpu.memory_space<hbm>> -> memref<20480xi32, #tpu.memory_space<hbm>>
      %dma_wait3A_61 = tpu.memref_slice %arg4[%add3A_38] : memref<1310720xi32, #tpu.memory_space<hbm>> -> memref<20480xi32, #tpu.memory_space<hbm>>
      tpu.wait_dma2 semaphore(%run_scoped3A : memref<!tpu.dma_semaphore, #tpu.memory_space<semaphore_mem>>) src(%dma_wait3A_61 : memref<20480xi32, #tpu.memory_space<hbm>>) dst(%arg6 : memref<20480xi32, #tpu.memory_space<vmem>>)
      tpu.yield
    }) : () -> ()
    "tpu.region"() ({
      %run_scoped3A = tpu.sem_alloc : memref<!tpu.dma_semaphore, #tpu.memory_space<semaphore_mem>>
      %dma_start3A = tpu.memref_slice %arg3[%add3A_38] : memref<1310720xi32, #tpu.memory_space<hbm>> -> memref<20480xi32, #tpu.memory_space<hbm>>
      %dma_start3A_60 = tpu.memref_slice %arg3[%add3A_38] : memref<1310720xi32, #tpu.memory_space<hbm>> -> memref<20480xi32, #tpu.memory_space<hbm>>
      tpu.enqueue_dma source(%dma_start3A_60 : memref<20480xi32, #tpu.memory_space<hbm>>) target(%arg8 : memref<20480xi32, #tpu.memory_space<vmem>>) target_semaphore(%run_scoped3A : memref<!tpu.dma_semaphore, #tpu.memory_space<semaphore_mem>>)
      %dma_wait3A = tpu.memref_slice %arg3[%add3A_38] : memref<1310720xi32, #tpu.memory_space<hbm>> -> memref<20480xi32, #tpu.memory_space<hbm>>
      %dma_wait3A_61 = tpu.memref_slice %arg3[%add3A_38] : memref<1310720xi32, #tpu.memory_space<hbm>> -> memref<20480xi32, #tpu.memory_space<hbm>>
      tpu.wait_dma2 semaphore(%run_scoped3A : memref<!tpu.dma_semaphore, #tpu.memory_space<semaphore_mem>>) src(%dma_wait3A_61 : memref<20480xi32, #tpu.memory_space<hbm>>) dst(%arg8 : memref<20480xi32, #tpu.memory_space<vmem>>)
      tpu.yield
    }) : () -> ()
    %mul3A_39 = arith.constant 10240 : i32
    %mul3A_40 = arith.muli %add3A_33, %mul3A_39 : i32
    "tpu.region"() ({
      %run_scoped3A = tpu.sem_alloc : memref<!tpu.dma_semaphore, #tpu.memory_space<semaphore_mem>>
      %dma_start3A = tpu.memref_slice %arg2[%mul3A_40] : memref<40960xf32, #tpu.memory_space<hbm>> -> memref<10240xf32, #tpu.memory_space<hbm>>
      %dma_start3A_60 = tpu.memref_slice %arg2[%mul3A_40] : memref<40960xf32, #tpu.memory_space<hbm>> -> memref<10240xf32, #tpu.memory_space<hbm>>
      tpu.enqueue_dma source(%dma_start3A_60 : memref<10240xf32, #tpu.memory_space<hbm>>) target(%arg9 : memref<10240xf32, #tpu.memory_space<vmem>>) target_semaphore(%run_scoped3A : memref<!tpu.dma_semaphore, #tpu.memory_space<semaphore_mem>>)
      %dma_wait3A = tpu.memref_slice %arg2[%mul3A_40] : memref<40960xf32, #tpu.memory_space<hbm>> -> memref<10240xf32, #tpu.memory_space<hbm>>
      %dma_wait3A_61 = tpu.memref_slice %arg2[%mul3A_40] : memref<40960xf32, #tpu.memory_space<hbm>> -> memref<10240xf32, #tpu.memory_space<hbm>>
      tpu.wait_dma2 semaphore(%run_scoped3A : memref<!tpu.dma_semaphore, #tpu.memory_space<semaphore_mem>>) src(%dma_wait3A_61 : memref<10240xf32, #tpu.memory_space<hbm>>) dst(%arg9 : memref<10240xf32, #tpu.memory_space<vmem>>)
      tpu.yield
    }) : () -> ()
    %scan3A_41 = arith.constant 0 : i32
    %scan3A_42 = arith.constant 0 : i32
    %scan3A_43 = arith.constant 640 : i32
    %scan3A_44 = arith.addi %scan3A_42, %scan3A_43 : i32
    %scan3A_45 = arith.constant 1 : i32
    %scan3A_46 = scf.for %scan3A_60 = %scan3A_42 to %scan3A_44 step %scan3A_45 iter_args(%scan3A_61 = %scan3A_41) -> (i32)  : i32 {
      %mul3A_62 = arith.constant 16 : i32
      %mul3A_63 = arith.muli %scan3A_60, %mul3A_62 : i32
      %swap3A = arith.index_cast %mul3A_63 : i32 to index
      %swap3A_64 = tpu.vector_load %arg7[%swap3A] {strides = array<i32>} : memref<10240xf32, #tpu.memory_space<vmem>>, vector<16xf32>,
      tpu.vector_store %arg7[%swap3A], %broadcast_in_dim3A_2 {strides = array<i32>} : memref<10240xf32, #tpu.memory_space<vmem>>, vector<16xf32>,
      %scan3A_65 = arith.constant 0 : i32
      scf.yield %scan3A_65 : i32
    }
    %scan3A_47 = arith.constant 640 : i32
    %scan3A_48 = arith.constant 0 : i32
    %scan3A_49 = arith.constant 0 : i32
    %scan3A_50 = arith.constant 1280 : i32
    %scan3A_51 = arith.addi %scan3A_49, %scan3A_50 : i32
    %scan3A_52 = arith.constant 1 : i32
    %scan3A_53 = scf.for %scan3A_60 = %scan3A_49 to %scan3A_51 step %scan3A_52 iter_args(%scan3A_61 = %scan3A_48) -> (i32)  : i32 {
      %mul3A_62 = arith.constant 16 : i32
      %mul3A_63 = arith.muli %scan3A_60, %mul3A_62 : i32
      %get3A = arith.index_cast %mul3A_63 : i32 to index
      %get3A_64 = tpu.vector_load %arg6[%get3A] {strides = array<i32>} : memref<20480xi32, #tpu.memory_space<vmem>>, vector<16xi32>,
      %mul3A_65 = arith.constant 16 : i32
      %mul3A_66 = arith.muli %scan3A_60, %mul3A_65 : i32
      %get3A_67 = arith.index_cast %mul3A_66 : i32 to index
      %get3A_68 = tpu.vector_load %arg8[%get3A_67] {strides = array<i32>} : memref<20480xi32, #tpu.memory_space<vmem>>, vector<16xi32>,
      %gather3A = tpu.vector_load_idx %arg9[%get3A_68] : memref<10240xf32, #tpu.memory_space<vmem>>[vector<16xi32>], vector<16xf32>,
      tpu.vector_store_idx %arg7[%get3A_64], %gather3A {add = true} : memref<10240xf32, #tpu.memory_space<vmem>>[vector<16xi32>], vector<16xf32>,
      %scan3A_69 = arith.constant 0 : i32
      scf.yield %scan3A_69 : i32
    }
    %scan3A_54 = arith.constant 1280 : i32
    %mul3A_55 = arith.constant 16 : i32
    %mul3A_56 = arith.muli %add3A_33, %mul3A_55 : i32
    %add3A_57 = arith.addi %mul3A_56, %arg1 : i32
    %mul3A_58 = arith.constant 10240 : i32
    %mul3A_59 = arith.muli %add3A_57, %mul3A_58 : i32
    "tpu.region"() ({
      %run_scoped3A = tpu.sem_alloc : memref<!tpu.dma_semaphore, #tpu.memory_space<semaphore_mem>>
      %dma_start3A = tpu.memref_slice %arg5[%mul3A_59] : memref<655360xf32, #tpu.memory_space<hbm>> -> memref<10240xf32, #tpu.memory_space<hbm>>
      %dma_start3A_60 = tpu.memref_slice %arg5[%mul3A_59] : memref<655360xf32, #tpu.memory_space<hbm>> -> memref<10240xf32, #tpu.memory_space<hbm>>
      tpu.enqueue_dma source(%arg7 : memref<10240xf32, #tpu.memory_space<vmem>>) target(%dma_start3A_60 : memref<10240xf32, #tpu.memory_space<hbm>>) target_semaphore(%run_scoped3A : memref<!tpu.dma_semaphore, #tpu.memory_space<semaphore_mem>>)
      %dma_wait3A = tpu.memref_slice %arg5[%mul3A_59] : memref<655360xf32, #tpu.memory_space<hbm>> -> memref<10240xf32, #tpu.memory_space<hbm>>
      %dma_wait3A_61 = tpu.memref_slice %arg5[%mul3A_59] : memref<655360xf32, #tpu.memory_space<hbm>> -> memref<10240xf32, #tpu.memory_space<hbm>>
      tpu.wait_dma2 semaphore(%run_scoped3A : memref<!tpu.dma_semaphore, #tpu.memory_space<semaphore_mem>>) src(%arg7 : memref<10240xf32, #tpu.memory_space<vmem>>) dst(%dma_wait3A_61 : memref<10240xf32, #tpu.memory_space<hbm>>)
      tpu.yield
    }) : () -> ()
    return
  }
}

#map = affine_map<(d0, d1) -> (0)>
module attributes {stable_mosaic.version = 14 : i64} {
  func.func @kern(%arg0: i32, %arg1: i32, %arg2: memref<1310720xi32, #tpu.memory_space<hbm>>, %arg3: memref<655360xf32, #tpu.memory_space<hbm>>, %arg4: memref<20480xi32, #tpu.memory_space<vmem>>, %arg5: memref<10240xf32, #tpu.memory_space<vmem>>) attributes {dimension_semantics = [#tpu.dimension_semantics<core_parallel>, #tpu.dimension_semantics<subcore_parallel>], iteration_bounds = array<i64: 2, 16>, scalar_prefetch = 0 : i64, scratch_operands = 2 : i64, tpu.core_type = #tpu.core_type<sc_vector_subcore>, window_params = [{transform_indices = #map}, {transform_indices = #map}]} {
    %broadcast_in_dim3A = arith.constant 1.000000e+00 : f32
    %broadcast_in_dim3A_0 = vector.broadcast %broadcast_in_dim3A : f32 to vector<16xf32>
    %broadcast_in_dim3A_1 = arith.constant 0.000000e+00 : f32
    %broadcast_in_dim3A_2 = vector.broadcast %broadcast_in_dim3A_1 : f32 to vector<16xf32>
    %mul3A = arith.constant 2 : i32
    %mul3A_3 = arith.muli %mul3A, %arg0 : i32
    %add3A = arith.constant 0 : i32
    %add3A_4 = arith.addi %mul3A_3, %add3A : i32
    %mul3A_5 = arith.constant 327680 : i32
    %mul3A_6 = arith.muli %add3A_4, %mul3A_5 : i32
    %mul3A_7 = arith.constant 20480 : i32
    %mul3A_8 = arith.muli %arg1, %mul3A_7 : i32
    %add3A_9 = arith.addi %mul3A_6, %mul3A_8 : i32
    "tpu.region"() ({
      %run_scoped3A = tpu.sem_alloc : memref<!tpu.dma_semaphore, #tpu.memory_space<semaphore_mem>>
      %dma_start3A = tpu.memref_slice %arg2[%add3A_9] : memref<1310720xi32, #tpu.memory_space<hbm>> -> memref<20480xi32, #tpu.memory_space<hbm>>
      %dma_start3A_56 = tpu.memref_slice %arg2[%add3A_9] : memref<1310720xi32, #tpu.memory_space<hbm>> -> memref<20480xi32, #tpu.memory_space<hbm>>
      tpu.enqueue_dma source(%dma_start3A_56 : memref<20480xi32, #tpu.memory_space<hbm>>) target(%arg4 : memref<20480xi32, #tpu.memory_space<vmem>>) target_semaphore(%run_scoped3A : memref<!tpu.dma_semaphore, #tpu.memory_space<semaphore_mem>>)
      %dma_wait3A = tpu.memref_slice %arg2[%add3A_9] : memref<1310720xi32, #tpu.memory_space<hbm>> -> memref<20480xi32, #tpu.memory_space<hbm>>
      %dma_wait3A_57 = tpu.memref_slice %arg2[%add3A_9] : memref<1310720xi32, #tpu.memory_space<hbm>> -> memref<20480xi32, #tpu.memory_space<hbm>>
      tpu.wait_dma2 semaphore(%run_scoped3A : memref<!tpu.dma_semaphore, #tpu.memory_space<semaphore_mem>>) src(%dma_wait3A_57 : memref<20480xi32, #tpu.memory_space<hbm>>) dst(%arg4 : memref<20480xi32, #tpu.memory_space<vmem>>)
      tpu.yield
    }) : () -> ()
    %scan3A = arith.constant 0 : i32
    %scan3A_10 = arith.constant 0 : i32
    %scan3A_11 = arith.constant 640 : i32
    %scan3A_12 = arith.addi %scan3A_10, %scan3A_11 : i32
    %scan3A_13 = arith.constant 1 : i32
    %scan3A_14 = scf.for %scan3A_56 = %scan3A_10 to %scan3A_12 step %scan3A_13 iter_args(%scan3A_57 = %scan3A) -> (i32)  : i32 {
      %mul3A_58 = arith.constant 16 : i32
      %mul3A_59 = arith.muli %scan3A_56, %mul3A_58 : i32
      %swap3A = arith.index_cast %mul3A_59 : i32 to index
      %swap3A_60 = tpu.vector_load %arg5[%swap3A] {strides = array<i32>} : memref<10240xf32, #tpu.memory_space<vmem>>, vector<16xf32>,
      tpu.vector_store %arg5[%swap3A], %broadcast_in_dim3A_2 {strides = array<i32>} : memref<10240xf32, #tpu.memory_space<vmem>>, vector<16xf32>,
      %scan3A_61 = arith.constant 0 : i32
      scf.yield %scan3A_61 : i32
    }
    %scan3A_15 = arith.constant 640 : i32
    %scan3A_16 = arith.constant 0 : i32
    %scan3A_17 = arith.constant 0 : i32
    %scan3A_18 = arith.constant 1280 : i32
    %scan3A_19 = arith.addi %scan3A_17, %scan3A_18 : i32
    %scan3A_20 = arith.constant 1 : i32
    %scan3A_21 = scf.for %scan3A_56 = %scan3A_17 to %scan3A_19 step %scan3A_20 iter_args(%scan3A_57 = %scan3A_16) -> (i32)  : i32 {
      %mul3A_58 = arith.constant 16 : i32
      %mul3A_59 = arith.muli %scan3A_56, %mul3A_58 : i32
      %get3A = arith.index_cast %mul3A_59 : i32 to index
      %get3A_60 = tpu.vector_load %arg4[%get3A] {strides = array<i32>} : memref<20480xi32, #tpu.memory_space<vmem>>, vector<16xi32>,
      tpu.vector_store_idx %arg5[%get3A_60], %broadcast_in_dim3A_0 {add = true} : memref<10240xf32, #tpu.memory_space<vmem>>[vector<16xi32>], vector<16xf32>,
      %scan3A_61 = arith.constant 0 : i32
      scf.yield %scan3A_61 : i32
    }
    %scan3A_22 = arith.constant 1280 : i32
    %mul3A_23 = arith.constant 16 : i32
    %mul3A_24 = arith.muli %add3A_4, %mul3A_23 : i32
    %add3A_25 = arith.addi %mul3A_24, %arg1 : i32
    %mul3A_26 = arith.constant 10240 : i32
    %mul3A_27 = arith.muli %add3A_25, %mul3A_26 : i32
    "tpu.region"() ({
      %run_scoped3A = tpu.sem_alloc : memref<!tpu.dma_semaphore, #tpu.memory_space<semaphore_mem>>
      %dma_start3A = tpu.memref_slice %arg3[%mul3A_27] : memref<655360xf32, #tpu.memory_space<hbm>> -> memref<10240xf32, #tpu.memory_space<hbm>>
      %dma_start3A_56 = tpu.memref_slice %arg3[%mul3A_27] : memref<655360xf32, #tpu.memory_space<hbm>> -> memref<10240xf32, #tpu.memory_space<hbm>>
      tpu.enqueue_dma source(%arg5 : memref<10240xf32, #tpu.memory_space<vmem>>) target(%dma_start3A_56 : memref<10240xf32, #tpu.memory_space<hbm>>) target_semaphore(%run_scoped3A : memref<!tpu.dma_semaphore, #tpu.memory_space<semaphore_mem>>)
      %dma_wait3A = tpu.memref_slice %arg3[%mul3A_27] : memref<655360xf32, #tpu.memory_space<hbm>> -> memref<10240xf32, #tpu.memory_space<hbm>>
      %dma_wait3A_57 = tpu.memref_slice %arg3[%mul3A_27] : memref<655360xf32, #tpu.memory_space<hbm>> -> memref<10240xf32, #tpu.memory_space<hbm>>
      tpu.wait_dma2 semaphore(%run_scoped3A : memref<!tpu.dma_semaphore, #tpu.memory_space<semaphore_mem>>) src(%arg5 : memref<10240xf32, #tpu.memory_space<vmem>>) dst(%dma_wait3A_57 : memref<10240xf32, #tpu.memory_space<hbm>>)
      tpu.yield
    }) : () -> ()
    %mul3A_28 = arith.constant 2 : i32
    %mul3A_29 = arith.muli %mul3A_28, %arg0 : i32
    %add3A_30 = arith.constant 1 : i32
    %add3A_31 = arith.addi %mul3A_29, %add3A_30 : i32
    %mul3A_32 = arith.constant 327680 : i32
    %mul3A_33 = arith.muli %add3A_31, %mul3A_32 : i32
    %mul3A_34 = arith.constant 20480 : i32
    %mul3A_35 = arith.muli %arg1, %mul3A_34 : i32
    %add3A_36 = arith.addi %mul3A_33, %mul3A_35 : i32
    "tpu.region"() ({
      %run_scoped3A = tpu.sem_alloc : memref<!tpu.dma_semaphore, #tpu.memory_space<semaphore_mem>>
      %dma_start3A = tpu.memref_slice %arg2[%add3A_36] : memref<1310720xi32, #tpu.memory_space<hbm>> -> memref<20480xi32, #tpu.memory_space<hbm>>
      %dma_start3A_56 = tpu.memref_slice %arg2[%add3A_36] : memref<1310720xi32, #tpu.memory_space<hbm>> -> memref<20480xi32, #tpu.memory_space<hbm>>
      tpu.enqueue_dma source(%dma_start3A_56 : memref<20480xi32, #tpu.memory_space<hbm>>) target(%arg4 : memref<20480xi32, #tpu.memory_space<vmem>>) target_semaphore(%run_scoped3A : memref<!tpu.dma_semaphore, #tpu.memory_space<semaphore_mem>>)
      %dma_wait3A = tpu.memref_slice %arg2[%add3A_36] : memref<1310720xi32, #tpu.memory_space<hbm>> -> memref<20480xi32, #tpu.memory_space<hbm>>
      %dma_wait3A_57 = tpu.memref_slice %arg2[%add3A_36] : memref<1310720xi32, #tpu.memory_space<hbm>> -> memref<20480xi32, #tpu.memory_space<hbm>>
      tpu.wait_dma2 semaphore(%run_scoped3A : memref<!tpu.dma_semaphore, #tpu.memory_space<semaphore_mem>>) src(%dma_wait3A_57 : memref<20480xi32, #tpu.memory_space<hbm>>) dst(%arg4 : memref<20480xi32, #tpu.memory_space<vmem>>)
      tpu.yield
    }) : () -> ()
    %scan3A_37 = arith.constant 0 : i32
    %scan3A_38 = arith.constant 0 : i32
    %scan3A_39 = arith.constant 640 : i32
    %scan3A_40 = arith.addi %scan3A_38, %scan3A_39 : i32
    %scan3A_41 = arith.constant 1 : i32
    %scan3A_42 = scf.for %scan3A_56 = %scan3A_38 to %scan3A_40 step %scan3A_41 iter_args(%scan3A_57 = %scan3A_37) -> (i32)  : i32 {
      %mul3A_58 = arith.constant 16 : i32
      %mul3A_59 = arith.muli %scan3A_56, %mul3A_58 : i32
      %swap3A = arith.index_cast %mul3A_59 : i32 to index
      %swap3A_60 = tpu.vector_load %arg5[%swap3A] {strides = array<i32>} : memref<10240xf32, #tpu.memory_space<vmem>>, vector<16xf32>,
      tpu.vector_store %arg5[%swap3A], %broadcast_in_dim3A_2 {strides = array<i32>} : memref<10240xf32, #tpu.memory_space<vmem>>, vector<16xf32>,
      %scan3A_61 = arith.constant 0 : i32
      scf.yield %scan3A_61 : i32
    }
    %scan3A_43 = arith.constant 640 : i32
    %scan3A_44 = arith.constant 0 : i32
    %scan3A_45 = arith.constant 0 : i32
    %scan3A_46 = arith.constant 1280 : i32
    %scan3A_47 = arith.addi %scan3A_45, %scan3A_46 : i32
    %scan3A_48 = arith.constant 1 : i32
    %scan3A_49 = scf.for %scan3A_56 = %scan3A_45 to %scan3A_47 step %scan3A_48 iter_args(%scan3A_57 = %scan3A_44) -> (i32)  : i32 {
      %mul3A_58 = arith.constant 16 : i32
      %mul3A_59 = arith.muli %scan3A_56, %mul3A_58 : i32
      %get3A = arith.index_cast %mul3A_59 : i32 to index
      %get3A_60 = tpu.vector_load %arg4[%get3A] {strides = array<i32>} : memref<20480xi32, #tpu.memory_space<vmem>>, vector<16xi32>,
      tpu.vector_store_idx %arg5[%get3A_60], %broadcast_in_dim3A_0 {add = true} : memref<10240xf32, #tpu.memory_space<vmem>>[vector<16xi32>], vector<16xf32>,
      %scan3A_61 = arith.constant 0 : i32
      scf.yield %scan3A_61 : i32
    }
    %scan3A_50 = arith.constant 1280 : i32
    %mul3A_51 = arith.constant 16 : i32
    %mul3A_52 = arith.muli %add3A_31, %mul3A_51 : i32
    %add3A_53 = arith.addi %mul3A_52, %arg1 : i32
    %mul3A_54 = arith.constant 10240 : i32
    %mul3A_55 = arith.muli %add3A_53, %mul3A_54 : i32
    "tpu.region"() ({
      %run_scoped3A = tpu.sem_alloc : memref<!tpu.dma_semaphore, #tpu.memory_space<semaphore_mem>>
      %dma_start3A = tpu.memref_slice %arg3[%mul3A_55] : memref<655360xf32, #tpu.memory_space<hbm>> -> memref<10240xf32, #tpu.memory_space<hbm>>
      %dma_start3A_56 = tpu.memref_slice %arg3[%mul3A_55] : memref<655360xf32, #tpu.memory_space<hbm>> -> memref<10240xf32, #tpu.memory_space<hbm>>
      tpu.enqueue_dma source(%arg5 : memref<10240xf32, #tpu.memory_space<vmem>>) target(%dma_start3A_56 : memref<10240xf32, #tpu.memory_space<hbm>>) target_semaphore(%run_scoped3A : memref<!tpu.dma_semaphore, #tpu.memory_space<semaphore_mem>>)
      %dma_wait3A = tpu.memref_slice %arg3[%mul3A_55] : memref<655360xf32, #tpu.memory_space<hbm>> -> memref<10240xf32, #tpu.memory_space<hbm>>
      %dma_wait3A_57 = tpu.memref_slice %arg3[%mul3A_55] : memref<655360xf32, #tpu.memory_space<hbm>> -> memref<10240xf32, #tpu.memory_space<hbm>>
      tpu.wait_dma2 semaphore(%run_scoped3A : memref<!tpu.dma_semaphore, #tpu.memory_space<semaphore_mem>>) src(%arg5 : memref<10240xf32, #tpu.memory_space<vmem>>) dst(%dma_wait3A_57 : memref<10240xf32, #tpu.memory_space<hbm>>)
      tpu.yield
    }) : () -> ()
    return
  }
}

#map = affine_map<(d0, d1) -> (0, 0)>
#map1 = affine_map<(d0, d1) -> (0)>
module attributes {stable_mosaic.version = 14 : i64} {
  func.func @_sc_agg(%arg0: i32, %arg1: i32, %arg2: memref<40960x64xf32, #tpu.memory_space<hbm>>, %arg3: memref<1310720xi32, #tpu.memory_space<hbm>>, %arg4: memref<10240x128xi32, #tpu.memory_space<hbm>>, %arg5: memref<640x64xf32, #tpu.memory_space<hbm>>, %arg6: memref<40960x64xf32, #tpu.memory_space<hbm>>, %arg7: memref<512xi32, #tpu.memory_space<vmem>>, %arg8: memref<512xi32, #tpu.memory_space<vmem>>, %arg9: memref<4x128xi32, #tpu.memory_space<vmem>>, %arg10: memref<4x128xi32, #tpu.memory_space<vmem>>, %arg11: memref<512x64xf32, #tpu.memory_space<vmem>>, %arg12: memref<512x64xf32, #tpu.memory_space<vmem>>, %arg13: memref<10240x64xf32, #tpu.memory_space<vmem_shared>>, %arg14: memref<!tpu.dma_semaphore, #tpu.memory_space<semaphore_mem>>, %arg15: memref<!tpu.dma_semaphore, #tpu.memory_space<semaphore_mem>>, %arg16: memref<!tpu.dma_semaphore, #tpu.memory_space<semaphore_mem>>, %arg17: memref<!tpu.dma_semaphore, #tpu.memory_space<semaphore_mem>>) attributes {dimension_semantics = [#tpu.dimension_semantics<core_parallel>, #tpu.dimension_semantics<subcore_parallel>], iteration_bounds = array<i64: 2, 16>, scalar_prefetch = 0 : i64, scratch_operands = 11 : i64, tpu.core_type = #tpu.core_type<sc_vector_subcore>, window_params = [{transform_indices = #map}, {transform_indices = #map1}, {transform_indices = #map}, {transform_indices = #map}, {transform_indices = #map}]} {
    %mul3A = arith.constant 2 : i32
    %mul3A_0 = arith.muli %mul3A, %arg0 : i32
    %add3A = arith.constant 0 : i32
    %add3A_1 = arith.addi %mul3A_0, %add3A : i32
    %mul3A_2 = arith.constant 640 : i32
    %mul3A_3 = arith.muli %arg1, %mul3A_2 : i32
    "tpu.region"() ({
      %run_scoped3A = tpu.sem_alloc : memref<!tpu.dma_semaphore, #tpu.memory_space<semaphore_mem>>
      %dma_start3A_67 = arith.constant 0 : i32
      %dma_start3A_68 = tpu.memref_slice %arg13[%mul3A_3, %dma_start3A_67] : memref<10240x64xf32, #tpu.memory_space<vmem_shared>> -> memref<640x64xf32, #tpu.memory_space<vmem_shared>>
      tpu.enqueue_dma source(%arg5 : memref<640x64xf32, #tpu.memory_space<hbm>>) target(%dma_start3A_68 : memref<640x64xf32, #tpu.memory_space<vmem_shared>>) target_semaphore(%run_scoped3A : memref<!tpu.dma_semaphore, #tpu.memory_space<semaphore_mem>>)
      %dma_wait3A = arith.constant 0 : i32
      %dma_wait3A_69 = tpu.memref_slice %arg13[%mul3A_3, %dma_wait3A] : memref<10240x64xf32, #tpu.memory_space<vmem_shared>> -> memref<640x64xf32, #tpu.memory_space<vmem_shared>>
      tpu.wait_dma2 semaphore(%run_scoped3A : memref<!tpu.dma_semaphore, #tpu.memory_space<semaphore_mem>>) src(%arg5 : memref<640x64xf32, #tpu.memory_space<hbm>>) dst(%dma_wait3A_69 : memref<640x64xf32, #tpu.memory_space<vmem_shared>>)
      tpu.yield
    }) : () -> ()
    %barrier3A = arith.constant 0 : index
    tpu.barrier barrier_id(%barrier3A)
    %mul3A_4 = arith.constant 327680 : i32
    %mul3A_5 = arith.muli %add3A_1, %mul3A_4 : i32
    %mul3A_6 = arith.constant 20480 : i32
    %mul3A_7 = arith.muli %arg1, %mul3A_6 : i32
    %add3A_8 = arith.addi %mul3A_5, %mul3A_7 : i32
    %mul3A_9 = arith.constant 2560 : i32
    %mul3A_10 = arith.muli %add3A_1, %mul3A_9 : i32
    %mul3A_11 = arith.constant 160 : i32
    %mul3A_12 = arith.muli %arg1, %mul3A_11 : i32
    %add3A_13 = arith.addi %mul3A_10, %mul3A_12 : i32
    "tpu.region"() ({
      %run_scoped3A = tpu.sem_alloc : memref<!tpu.dma_semaphore, #tpu.memory_space<semaphore_mem>>
      %dma_start3A_67 = tpu.memref_slice %arg3[%add3A_8] : memref<1310720xi32, #tpu.memory_space<hbm>> -> memref<512xi32, #tpu.memory_space<hbm>>
      %dma_start3A_68 = tpu.memref_slice %arg3[%add3A_8] : memref<1310720xi32, #tpu.memory_space<hbm>> -> memref<512xi32, #tpu.memory_space<hbm>>
      tpu.enqueue_dma source(%dma_start3A_68 : memref<512xi32, #tpu.memory_space<hbm>>) target(%arg7 : memref<512xi32, #tpu.memory_space<vmem>>) target_semaphore(%run_scoped3A : memref<!tpu.dma_semaphore, #tpu.memory_space<semaphore_mem>>)
      %dma_wait3A = tpu.memref_slice %arg3[%add3A_8] : memref<1310720xi32, #tpu.memory_space<hbm>> -> memref<512xi32, #tpu.memory_space<hbm>>
      %dma_wait3A_69 = tpu.memref_slice %arg3[%add3A_8] : memref<1310720xi32, #tpu.memory_space<hbm>> -> memref<512xi32, #tpu.memory_space<hbm>>
      tpu.wait_dma2 semaphore(%run_scoped3A : memref<!tpu.dma_semaphore, #tpu.memory_space<semaphore_mem>>) src(%dma_wait3A_69 : memref<512xi32, #tpu.memory_space<hbm>>) dst(%arg7 : memref<512xi32, #tpu.memory_space<vmem>>)
      tpu.yield
    }) : () -> ()
    %dma_start3A = arith.constant 0 : i32
    %dma_start3A_14 = arith.constant 0 : i32
    %dma_start3A_15 = tpu.memref_slice %arg2[%dma_start3A, %dma_start3A_14] : memref<40960x64xf32, #tpu.memory_space<hbm>> -> memref<40960x64xf32, #tpu.memory_space<hbm>>
    tpu.enqueue_indirect_dma source(%dma_start3A_15 : memref<40960x64xf32, #tpu.memory_space<hbm>>) target(%arg11 : memref<512x64xf32, #tpu.memory_space<vmem>>) offsets(%arg7 : memref<512xi32, #tpu.memory_space<vmem>>) semaphore(%arg14 : memref<!tpu.dma_semaphore, #tpu.memory_space<semaphore_mem>>)
    %scan3A = arith.constant 0 : i32
    %scan3A_16 = arith.constant 0 : i32
    %scan3A_17 = arith.constant 20 : i32
    %scan3A_18 = arith.addi %scan3A_16, %scan3A_17 : i32
    %scan3A_19 = arith.constant 1 : i32
    %scan3A_20 = scf.for %scan3A_67 = %scan3A_16 to %scan3A_18 step %scan3A_19 iter_args(%scan3A_68 = %scan3A) -> (i32)  : i32 {
      %mul3A_69 = arith.constant 2 : i32
      %mul3A_70 = arith.muli %mul3A_69, %scan3A_67 : i32
      %add3A_71 = arith.constant 0 : i32
      %add3A_72 = arith.addi %mul3A_70, %add3A_71 : i32
      %add3A_73 = arith.constant 1 : i32
      %add3A_74 = arith.addi %add3A_72, %add3A_73 : i32
      %lt3A = arith.constant 40 : i32
      %lt3A_75 = arith.cmpi slt, %add3A_74, %lt3A : i32
      %convert_element_type3A = arith.extui %lt3A_75 : i1 to i32
      %cond3A = arith.constant 0 : i32
      %cond3A_76 = arith.cmpi ne, %convert_element_type3A, %cond3A : i32
      scf.if %cond3A_76 {
        %add3A_107 = arith.constant 1 : i32
        %add3A_108 = arith.addi %add3A_72, %add3A_107 : i32
        %mul3A_109 = arith.constant 512 : i32
        %mul3A_110 = arith.muli %add3A_108, %mul3A_109 : i32
        %add3A_111 = arith.addi %add3A_8, %mul3A_110 : i32
        "tpu.region"() ({
          %run_scoped3A_115 = tpu.sem_alloc : memref<!tpu.dma_semaphore, #tpu.memory_space<semaphore_mem>>
          %dma_start3A_116 = tpu.memref_slice %arg3[%add3A_111] : memref<1310720xi32, #tpu.memory_space<hbm>> -> memref<512xi32, #tpu.memory_space<hbm>>
          %dma_start3A_117 = tpu.memref_slice %arg3[%add3A_111] : memref<1310720xi32, #tpu.memory_space<hbm>> -> memref<512xi32, #tpu.memory_space<hbm>>
          tpu.enqueue_dma source(%dma_start3A_117 : memref<512xi32, #tpu.memory_space<hbm>>) target(%arg8 : memref<512xi32, #tpu.memory_space<vmem>>) target_semaphore(%run_scoped3A_115 : memref<!tpu.dma_semaphore, #tpu.memory_space<semaphore_mem>>)
          %dma_wait3A_118 = tpu.memref_slice %arg3[%add3A_111] : memref<1310720xi32, #tpu.memory_space<hbm>> -> memref<512xi32, #tpu.memory_space<hbm>>
          %dma_wait3A_119 = tpu.memref_slice %arg3[%add3A_111] : memref<1310720xi32, #tpu.memory_space<hbm>> -> memref<512xi32, #tpu.memory_space<hbm>>
          tpu.wait_dma2 semaphore(%run_scoped3A_115 : memref<!tpu.dma_semaphore, #tpu.memory_space<semaphore_mem>>) src(%dma_wait3A_119 : memref<512xi32, #tpu.memory_space<hbm>>) dst(%arg8 : memref<512xi32, #tpu.memory_space<vmem>>)
          tpu.yield
        }) : () -> ()
        %dma_start3A_112 = arith.constant 0 : i32
        %dma_start3A_113 = arith.constant 0 : i32
        %dma_start3A_114 = tpu.memref_slice %arg2[%dma_start3A_112, %dma_start3A_113] : memref<40960x64xf32, #tpu.memory_space<hbm>> -> memref<40960x64xf32, #tpu.memory_space<hbm>>
        tpu.enqueue_indirect_dma source(%dma_start3A_114 : memref<40960x64xf32, #tpu.memory_space<hbm>>) target(%arg12 : memref<512x64xf32, #tpu.memory_space<vmem>>) offsets(%arg8 : memref<512xi32, #tpu.memory_space<vmem>>) semaphore(%arg15 : memref<!tpu.dma_semaphore, #tpu.memory_space<semaphore_mem>>)
      } else {
      }
      %dma_wait3A = arith.constant 0 : i32
      %dma_wait3A_77 = arith.constant 0 : i32
      %dma_wait3A_78 = tpu.memref_slice %arg2[%dma_wait3A, %dma_wait3A_77] : memref<40960x64xf32, #tpu.memory_space<hbm>> -> memref<40960x64xf32, #tpu.memory_space<hbm>>
      tpu.wait_indirect_dma semaphore(%arg14 : memref<!tpu.dma_semaphore, #tpu.memory_space<semaphore_mem>>) src(%dma_wait3A_78 : memref<40960x64xf32, #tpu.memory_space<hbm>>) dst(%arg11 : memref<512x64xf32, #tpu.memory_space<vmem>>)
      %mul3A_79 = arith.constant 4 : i32
      %mul3A_80 = arith.muli %add3A_72, %mul3A_79 : i32
      %add3A_81 = arith.addi %add3A_13, %mul3A_80 : i32
      "tpu.region"() ({
        %run_scoped3A_107 = tpu.sem_alloc : memref<!tpu.dma_semaphore, #tpu.memory_space<semaphore_mem>>
        %dma_start3A_108 = arith.constant 0 : i32
        %dma_start3A_109 = tpu.memref_slice %arg4[%add3A_81, %dma_start3A_108] : memref<10240x128xi32, #tpu.memory_space<hbm>> -> memref<4x128xi32, #tpu.memory_space<hbm>>
        %dma_start3A_110 = arith.constant 0 : i32
        %dma_start3A_111 = tpu.memref_slice %arg4[%add3A_81, %dma_start3A_110] : memref<10240x128xi32, #tpu.memory_space<hbm>> -> memref<4x128xi32, #tpu.memory_space<hbm>>
        tpu.enqueue_dma source(%dma_start3A_111 : memref<4x128xi32, #tpu.memory_space<hbm>>) target(%arg9 : memref<4x128xi32, #tpu.memory_space<vmem>>) target_semaphore(%run_scoped3A_107 : memref<!tpu.dma_semaphore, #tpu.memory_space<semaphore_mem>>)
        %dma_wait3A_112 = arith.constant 0 : i32
        %dma_wait3A_113 = tpu.memref_slice %arg4[%add3A_81, %dma_wait3A_112] : memref<10240x128xi32, #tpu.memory_space<hbm>> -> memref<4x128xi32, #tpu.memory_space<hbm>>
        %dma_wait3A_114 = arith.constant 0 : i32
        %dma_wait3A_115 = tpu.memref_slice %arg4[%add3A_81, %dma_wait3A_114] : memref<10240x128xi32, #tpu.memory_space<hbm>> -> memref<4x128xi32, #tpu.memory_space<hbm>>
        tpu.wait_dma2 semaphore(%run_scoped3A_107 : memref<!tpu.dma_semaphore, #tpu.memory_space<semaphore_mem>>) src(%dma_wait3A_115 : memref<4x128xi32, #tpu.memory_space<hbm>>) dst(%arg9 : memref<4x128xi32, #tpu.memory_space<vmem>>)
        tpu.yield
      }) : () -> ()
      %run_scoped3A = arith.constant 0 : i32
      "tpu.region"() ({
        %run_scoped3A_107 = tpu.sem_alloc : memref<!tpu.dma_semaphore, #tpu.memory_space<semaphore_mem>>
        %dma_start3A_108 = arith.constant 0 : i32
        %dma_start3A_109 = arith.constant 0 : i32
        %dma_start3A_110 = tpu.memref_slice %arg11[%dma_start3A_108, %dma_start3A_109] : memref<512x64xf32, #tpu.memory_space<vmem>> -> memref<128x64xf32, #tpu.memory_space<vmem>>
        %dma_start3A_111 = arith.constant 0 : i32
        %dma_start3A_112 = tpu.memref_slice %arg9[%run_scoped3A, %dma_start3A_111] : memref<4x128xi32, #tpu.memory_space<vmem>> -> memref<1x128xi32, #tpu.memory_space<vmem>>
        %dma_start3A_113 = tpu.memref_squeeze %dma_start3A_112 : memref<1x128xi32, #tpu.memory_space<vmem>> -> memref<128xi32, #tpu.memory_space<vmem>>
        %dma_start3A_114 = arith.constant 0 : i32
        %dma_start3A_115 = arith.constant 0 : i32
        %dma_start3A_116 = tpu.memref_slice %arg13[%dma_start3A_114, %dma_start3A_115] : memref<10240x64xf32, #tpu.memory_space<vmem_shared>> -> memref<10240x64xf32, #tpu.memory_space<vmem_shared>>
        tpu.enqueue_indirect_dma source(%dma_start3A_110 : memref<128x64xf32, #tpu.memory_space<vmem>>) target(%dma_start3A_116 : memref<10240x64xf32, #tpu.memory_space<vmem_shared>>) offsets(%dma_start3A_113 : memref<128xi32, #tpu.memory_space<vmem>>) semaphore(%run_scoped3A_107 : memref<!tpu.dma_semaphore, #tpu.memory_space<semaphore_mem>>) {add = true}
        %dma_wait3A_117 = arith.constant 0 : i32
        %dma_wait3A_118 = arith.constant 0 : i32
        %dma_wait3A_119 = tpu.memref_slice %arg11[%dma_wait3A_117, %dma_wait3A_118] : memref<512x64xf32, #tpu.memory_space<vmem>> -> memref<128x64xf32, #tpu.memory_space<vmem>>
        %dma_wait3A_120 = arith.constant 0 : i32
        %dma_wait3A_121 = tpu.memref_slice %arg9[%run_scoped3A, %dma_wait3A_120] : memref<4x128xi32, #tpu.memory_space<vmem>> -> memref<1x128xi32, #tpu.memory_space<vmem>>
        %dma_wait3A_122 = tpu.memref_squeeze %dma_wait3A_121 : memref<1x128xi32, #tpu.memory_space<vmem>> -> memref<128xi32, #tpu.memory_space<vmem>>
        %dma_wait3A_123 = arith.constant 0 : i32
        %dma_wait3A_124 = arith.constant 0 : i32
        %dma_wait3A_125 = tpu.memref_slice %arg13[%dma_wait3A_123, %dma_wait3A_124] : memref<10240x64xf32, #tpu.memory_space<vmem_shared>> -> memref<10240x64xf32, #tpu.memory_space<vmem_shared>>
        tpu.wait_indirect_dma semaphore(%run_scoped3A_107 : memref<!tpu.dma_semaphore, #tpu.memory_space<semaphore_mem>>) src(%dma_wait3A_119 : memref<128x64xf32, #tpu.memory_space<vmem>>) dst(%dma_wait3A_125 : memref<10240x64xf32, #tpu.memory_space<vmem_shared>>)
        tpu.yield
      }) : () -> ()
      %run_scoped3A_82 = arith.constant 1 : i32
      "tpu.region"() ({
        %run_scoped3A_107 = tpu.sem_alloc : memref<!tpu.dma_semaphore, #tpu.memory_space<semaphore_mem>>
        %dma_start3A_108 = arith.constant 128 : i32
        %dma_start3A_109 = arith.constant 0 : i32
        %dma_start3A_110 = tpu.memref_slice %arg11[%dma_start3A_108, %dma_start3A_109] : memref<512x64xf32, #tpu.memory_space<vmem>> -> memref<128x64xf32, #tpu.memory_space<vmem>>
        %dma_start3A_111 = arith.constant 0 : i32
        %dma_start3A_112 = tpu.memref_slice %arg9[%run_scoped3A_82, %dma_start3A_111] : memref<4x128xi32, #tpu.memory_space<vmem>> -> memref<1x128xi32, #tpu.memory_space<vmem>>
        %dma_start3A_113 = tpu.memref_squeeze %dma_start3A_112 : memref<1x128xi32, #tpu.memory_space<vmem>> -> memref<128xi32, #tpu.memory_space<vmem>>
        %dma_start3A_114 = arith.constant 0 : i32
        %dma_start3A_115 = arith.constant 0 : i32
        %dma_start3A_116 = tpu.memref_slice %arg13[%dma_start3A_114, %dma_start3A_115] : memref<10240x64xf32, #tpu.memory_space<vmem_shared>> -> memref<10240x64xf32, #tpu.memory_space<vmem_shared>>
        tpu.enqueue_indirect_dma source(%dma_start3A_110 : memref<128x64xf32, #tpu.memory_space<vmem>>) target(%dma_start3A_116 : memref<10240x64xf32, #tpu.memory_space<vmem_shared>>) offsets(%dma_start3A_113 : memref<128xi32, #tpu.memory_space<vmem>>) semaphore(%run_scoped3A_107 : memref<!tpu.dma_semaphore, #tpu.memory_space<semaphore_mem>>) {add = true}
        %dma_wait3A_117 = arith.constant 128 : i32
        %dma_wait3A_118 = arith.constant 0 : i32
        %dma_wait3A_119 = tpu.memref_slice %arg11[%dma_wait3A_117, %dma_wait3A_118] : memref<512x64xf32, #tpu.memory_space<vmem>> -> memref<128x64xf32, #tpu.memory_space<vmem>>
        %dma_wait3A_120 = arith.constant 0 : i32
        %dma_wait3A_121 = tpu.memref_slice %arg9[%run_scoped3A_82, %dma_wait3A_120] : memref<4x128xi32, #tpu.memory_space<vmem>> -> memref<1x128xi32, #tpu.memory_space<vmem>>
        %dma_wait3A_122 = tpu.memref_squeeze %dma_wait3A_121 : memref<1x128xi32, #tpu.memory_space<vmem>> -> memref<128xi32, #tpu.memory_space<vmem>>
        %dma_wait3A_123 = arith.constant 0 : i32
        %dma_wait3A_124 = arith.constant 0 : i32
        %dma_wait3A_125 = tpu.memref_slice %arg13[%dma_wait3A_123, %dma_wait3A_124] : memref<10240x64xf32, #tpu.memory_space<vmem_shared>> -> memref<10240x64xf32, #tpu.memory_space<vmem_shared>>
        tpu.wait_indirect_dma semaphore(%run_scoped3A_107 : memref<!tpu.dma_semaphore, #tpu.memory_space<semaphore_mem>>) src(%dma_wait3A_119 : memref<128x64xf32, #tpu.memory_space<vmem>>) dst(%dma_wait3A_125 : memref<10240x64xf32, #tpu.memory_space<vmem_shared>>)
        tpu.yield
      }) : () -> ()
      %run_scoped3A_83 = arith.constant 2 : i32
      "tpu.region"() ({
        %run_scoped3A_107 = tpu.sem_alloc : memref<!tpu.dma_semaphore, #tpu.memory_space<semaphore_mem>>
        %dma_start3A_108 = arith.constant 256 : i32
        %dma_start3A_109 = arith.constant 0 : i32
        %dma_start3A_110 = tpu.memref_slice %arg11[%dma_start3A_108, %dma_start3A_109] : memref<512x64xf32, #tpu.memory_space<vmem>> -> memref<128x64xf32, #tpu.memory_space<vmem>>
        %dma_start3A_111 = arith.constant 0 : i32
        %dma_start3A_112 = tpu.memref_slice %arg9[%run_scoped3A_83, %dma_start3A_111] : memref<4x128xi32, #tpu.memory_space<vmem>> -> memref<1x128xi32, #tpu.memory_space<vmem>>
        %dma_start3A_113 = tpu.memref_squeeze %dma_start3A_112 : memref<1x128xi32, #tpu.memory_space<vmem>> -> memref<128xi32, #tpu.memory_space<vmem>>
        %dma_start3A_114 = arith.constant 0 : i32
        %dma_start3A_115 = arith.constant 0 : i32
        %dma_start3A_116 = tpu.memref_slice %arg13[%dma_start3A_114, %dma_start3A_115] : memref<10240x64xf32, #tpu.memory_space<vmem_shared>> -> memref<10240x64xf32, #tpu.memory_space<vmem_shared>>
        tpu.enqueue_indirect_dma source(%dma_start3A_110 : memref<128x64xf32, #tpu.memory_space<vmem>>) target(%dma_start3A_116 : memref<10240x64xf32, #tpu.memory_space<vmem_shared>>) offsets(%dma_start3A_113 : memref<128xi32, #tpu.memory_space<vmem>>) semaphore(%run_scoped3A_107 : memref<!tpu.dma_semaphore, #tpu.memory_space<semaphore_mem>>) {add = true}
        %dma_wait3A_117 = arith.constant 256 : i32
        %dma_wait3A_118 = arith.constant 0 : i32
        %dma_wait3A_119 = tpu.memref_slice %arg11[%dma_wait3A_117, %dma_wait3A_118] : memref<512x64xf32, #tpu.memory_space<vmem>> -> memref<128x64xf32, #tpu.memory_space<vmem>>
        %dma_wait3A_120 = arith.constant 0 : i32
        %dma_wait3A_121 = tpu.memref_slice %arg9[%run_scoped3A_83, %dma_wait3A_120] : memref<4x128xi32, #tpu.memory_space<vmem>> -> memref<1x128xi32, #tpu.memory_space<vmem>>
        %dma_wait3A_122 = tpu.memref_squeeze %dma_wait3A_121 : memref<1x128xi32, #tpu.memory_space<vmem>> -> memref<128xi32, #tpu.memory_space<vmem>>
        %dma_wait3A_123 = arith.constant 0 : i32
        %dma_wait3A_124 = arith.constant 0 : i32
        %dma_wait3A_125 = tpu.memref_slice %arg13[%dma_wait3A_123, %dma_wait3A_124] : memref<10240x64xf32, #tpu.memory_space<vmem_shared>> -> memref<10240x64xf32, #tpu.memory_space<vmem_shared>>
        tpu.wait_indirect_dma semaphore(%run_scoped3A_107 : memref<!tpu.dma_semaphore, #tpu.memory_space<semaphore_mem>>) src(%dma_wait3A_119 : memref<128x64xf32, #tpu.memory_space<vmem>>) dst(%dma_wait3A_125 : memref<10240x64xf32, #tpu.memory_space<vmem_shared>>)
        tpu.yield
      }) : () -> ()
      %run_scoped3A_84 = arith.constant 3 : i32
      "tpu.region"() ({
        %run_scoped3A_107 = tpu.sem_alloc : memref<!tpu.dma_semaphore, #tpu.memory_space<semaphore_mem>>
        %dma_start3A_108 = arith.constant 384 : i32
        %dma_start3A_109 = arith.constant 0 : i32
        %dma_start3A_110 = tpu.memref_slice %arg11[%dma_start3A_108, %dma_start3A_109] : memref<512x64xf32, #tpu.memory_space<vmem>> -> memref<128x64xf32, #tpu.memory_space<vmem>>
        %dma_start3A_111 = arith.constant 0 : i32
        %dma_start3A_112 = tpu.memref_slice %arg9[%run_scoped3A_84, %dma_start3A_111] : memref<4x128xi32, #tpu.memory_space<vmem>> -> memref<1x128xi32, #tpu.memory_space<vmem>>
        %dma_start3A_113 = tpu.memref_squeeze %dma_start3A_112 : memref<1x128xi32, #tpu.memory_space<vmem>> -> memref<128xi32, #tpu.memory_space<vmem>>
        %dma_start3A_114 = arith.constant 0 : i32
        %dma_start3A_115 = arith.constant 0 : i32
        %dma_start3A_116 = tpu.memref_slice %arg13[%dma_start3A_114, %dma_start3A_115] : memref<10240x64xf32, #tpu.memory_space<vmem_shared>> -> memref<10240x64xf32, #tpu.memory_space<vmem_shared>>
        tpu.enqueue_indirect_dma source(%dma_start3A_110 : memref<128x64xf32, #tpu.memory_space<vmem>>) target(%dma_start3A_116 : memref<10240x64xf32, #tpu.memory_space<vmem_shared>>) offsets(%dma_start3A_113 : memref<128xi32, #tpu.memory_space<vmem>>) semaphore(%run_scoped3A_107 : memref<!tpu.dma_semaphore, #tpu.memory_space<semaphore_mem>>) {add = true}
        %dma_wait3A_117 = arith.constant 384 : i32
        %dma_wait3A_118 = arith.constant 0 : i32
        %dma_wait3A_119 = tpu.memref_slice %arg11[%dma_wait3A_117, %dma_wait3A_118] : memref<512x64xf32, #tpu.memory_space<vmem>> -> memref<128x64xf32, #tpu.memory_space<vmem>>
        %dma_wait3A_120 = arith.constant 0 : i32
        %dma_wait3A_121 = tpu.memref_slice %arg9[%run_scoped3A_84, %dma_wait3A_120] : memref<4x128xi32, #tpu.memory_space<vmem>> -> memref<1x128xi32, #tpu.memory_space<vmem>>
        %dma_wait3A_122 = tpu.memref_squeeze %dma_wait3A_121 : memref<1x128xi32, #tpu.memory_space<vmem>> -> memref<128xi32, #tpu.memory_space<vmem>>
        %dma_wait3A_123 = arith.constant 0 : i32
        %dma_wait3A_124 = arith.constant 0 : i32
        %dma_wait3A_125 = tpu.memref_slice %arg13[%dma_wait3A_123, %dma_wait3A_124] : memref<10240x64xf32, #tpu.memory_space<vmem_shared>> -> memref<10240x64xf32, #tpu.memory_space<vmem_shared>>
        tpu.wait_indirect_dma semaphore(%run_scoped3A_107 : memref<!tpu.dma_semaphore, #tpu.memory_space<semaphore_mem>>) src(%dma_wait3A_119 : memref<128x64xf32, #tpu.memory_space<vmem>>) dst(%dma_wait3A_125 : memref<10240x64xf32, #tpu.memory_space<vmem_shared>>)
        tpu.yield
      }) : () -> ()
      %mul3A_85 = arith.constant 2 : i32
      %mul3A_86 = arith.muli %mul3A_85, %scan3A_67 : i32
      %add3A_87 = arith.constant 1 : i32
      %add3A_88 = arith.addi %mul3A_86, %add3A_87 : i32
      %add3A_89 = arith.constant 1 : i32
      %add3A_90 = arith.addi %add3A_88, %add3A_89 : i32
      %lt3A_91 = arith.constant 40 : i32
      %lt3A_92 = arith.cmpi slt, %add3A_90, %lt3A_91 : i32
      %convert_element_type3A_93 = arith.extui %lt3A_92 : i1 to i32
      %cond3A_94 = arith.constant 0 : i32
      %cond3A_95 = arith.cmpi ne, %convert_element_type3A_93, %cond3A_94 : i32
      scf.if %cond3A_95 {
        %add3A_107 = arith.constant 1 : i32
        %add3A_108 = arith.addi %add3A_88, %add3A_107 : i32
        %mul3A_109 = arith.constant 512 : i32
        %mul3A_110 = arith.muli %add3A_108, %mul3A_109 : i32
        %add3A_111 = arith.addi %add3A_8, %mul3A_110 : i32
        "tpu.region"() ({
          %run_scoped3A_115 = tpu.sem_alloc : memref<!tpu.dma_semaphore, #tpu.memory_space<semaphore_mem>>
          %dma_start3A_116 = tpu.memref_slice %arg3[%add3A_111] : memref<1310720xi32, #tpu.memory_space<hbm>> -> memref<512xi32, #tpu.memory_space<hbm>>
          %dma_start3A_117 = tpu.memref_slice %arg3[%add3A_111] : memref<1310720xi32, #tpu.memory_space<hbm>> -> memref<512xi32, #tpu.memory_space<hbm>>
          tpu.enqueue_dma source(%dma_start3A_117 : memref<512xi32, #tpu.memory_space<hbm>>) target(%arg7 : memref<512xi32, #tpu.memory_space<vmem>>) target_semaphore(%run_scoped3A_115 : memref<!tpu.dma_semaphore, #tpu.memory_space<semaphore_mem>>)
          %dma_wait3A_118 = tpu.memref_slice %arg3[%add3A_111] : memref<1310720xi32, #tpu.memory_space<hbm>> -> memref<512xi32, #tpu.memory_space<hbm>>
          %dma_wait3A_119 = tpu.memref_slice %arg3[%add3A_111] : memref<1310720xi32, #tpu.memory_space<hbm>> -> memref<512xi32, #tpu.memory_space<hbm>>
          tpu.wait_dma2 semaphore(%run_scoped3A_115 : memref<!tpu.dma_semaphore, #tpu.memory_space<semaphore_mem>>) src(%dma_wait3A_119 : memref<512xi32, #tpu.memory_space<hbm>>) dst(%arg7 : memref<512xi32, #tpu.memory_space<vmem>>)
          tpu.yield
        }) : () -> ()
        %dma_start3A_112 = arith.constant 0 : i32
        %dma_start3A_113 = arith.constant 0 : i32
        %dma_start3A_114 = tpu.memref_slice %arg2[%dma_start3A_112, %dma_start3A_113] : memref<40960x64xf32, #tpu.memory_space<hbm>> -> memref<40960x64xf32, #tpu.memory_space<hbm>>
        tpu.enqueue_indirect_dma source(%dma_start3A_114 : memref<40960x64xf32, #tpu.memory_space<hbm>>) target(%arg11 : memref<512x64xf32, #tpu.memory_space<vmem>>) offsets(%arg7 : memref<512xi32, #tpu.memory_space<vmem>>) semaphore(%arg14 : memref<!tpu.dma_semaphore, #tpu.memory_space<semaphore_mem>>)
      } else {
      }
      %dma_wait3A_96 = arith.constant 0 : i32
      %dma_wait3A_97 = arith.constant 0 : i32
      %dma_wait3A_98 = tpu.memref_slice %arg2[%dma_wait3A_96, %dma_wait3A_97] : memref<40960x64xf32, #tpu.memory_space<hbm>> -> memref<40960x64xf32, #tpu.memory_space<hbm>>
      tpu.wait_indirect_dma semaphore(%arg15 : memref<!tpu.dma_semaphore, #tpu.memory_space<semaphore_mem>>) src(%dma_wait3A_98 : memref<40960x64xf32, #tpu.memory_space<hbm>>) dst(%arg12 : memref<512x64xf32, #tpu.memory_space<vmem>>)
      %mul3A_99 = arith.constant 4 : i32
      %mul3A_100 = arith.muli %add3A_88, %mul3A_99 : i32
      %add3A_101 = arith.addi %add3A_13, %mul3A_100 : i32
      "tpu.region"() ({
        %run_scoped3A_107 = tpu.sem_alloc : memref<!tpu.dma_semaphore, #tpu.memory_space<semaphore_mem>>
        %dma_start3A_108 = arith.constant 0 : i32
        %dma_start3A_109 = tpu.memref_slice %arg4[%add3A_101, %dma_start3A_108] : memref<10240x128xi32, #tpu.memory_space<hbm>> -> memref<4x128xi32, #tpu.memory_space<hbm>>
        %dma_start3A_110 = arith.constant 0 : i32
        %dma_start3A_111 = tpu.memref_slice %arg4[%add3A_101, %dma_start3A_110] : memref<10240x128xi32, #tpu.memory_space<hbm>> -> memref<4x128xi32, #tpu.memory_space<hbm>>
        tpu.enqueue_dma source(%dma_start3A_111 : memref<4x128xi32, #tpu.memory_space<hbm>>) target(%arg10 : memref<4x128xi32, #tpu.memory_space<vmem>>) target_semaphore(%run_scoped3A_107 : memref<!tpu.dma_semaphore, #tpu.memory_space<semaphore_mem>>)
        %dma_wait3A_112 = arith.constant 0 : i32
        %dma_wait3A_113 = tpu.memref_slice %arg4[%add3A_101, %dma_wait3A_112] : memref<10240x128xi32, #tpu.memory_space<hbm>> -> memref<4x128xi32, #tpu.memory_space<hbm>>
        %dma_wait3A_114 = arith.constant 0 : i32
        %dma_wait3A_115 = tpu.memref_slice %arg4[%add3A_101, %dma_wait3A_114] : memref<10240x128xi32, #tpu.memory_space<hbm>> -> memref<4x128xi32, #tpu.memory_space<hbm>>
        tpu.wait_dma2 semaphore(%run_scoped3A_107 : memref<!tpu.dma_semaphore, #tpu.memory_space<semaphore_mem>>) src(%dma_wait3A_115 : memref<4x128xi32, #tpu.memory_space<hbm>>) dst(%arg10 : memref<4x128xi32, #tpu.memory_space<vmem>>)
        tpu.yield
      }) : () -> ()
      %run_scoped3A_102 = arith.constant 0 : i32
      "tpu.region"() ({
        %run_scoped3A_107 = tpu.sem_alloc : memref<!tpu.dma_semaphore, #tpu.memory_space<semaphore_mem>>
        %dma_start3A_108 = arith.constant 0 : i32
        %dma_start3A_109 = arith.constant 0 : i32
        %dma_start3A_110 = tpu.memref_slice %arg12[%dma_start3A_108, %dma_start3A_109] : memref<512x64xf32, #tpu.memory_space<vmem>> -> memref<128x64xf32, #tpu.memory_space<vmem>>
        %dma_start3A_111 = arith.constant 0 : i32
        %dma_start3A_112 = tpu.memref_slice %arg10[%run_scoped3A_102, %dma_start3A_111] : memref<4x128xi32, #tpu.memory_space<vmem>> -> memref<1x128xi32, #tpu.memory_space<vmem>>
        %dma_start3A_113 = tpu.memref_squeeze %dma_start3A_112 : memref<1x128xi32, #tpu.memory_space<vmem>> -> memref<128xi32, #tpu.memory_space<vmem>>
        %dma_start3A_114 = arith.constant 0 : i32
        %dma_start3A_115 = arith.constant 0 : i32
        %dma_start3A_116 = tpu.memref_slice %arg13[%dma_start3A_114, %dma_start3A_115] : memref<10240x64xf32, #tpu.memory_space<vmem_shared>> -> memref<10240x64xf32, #tpu.memory_space<vmem_shared>>
        tpu.enqueue_indirect_dma source(%dma_start3A_110 : memref<128x64xf32, #tpu.memory_space<vmem>>) target(%dma_start3A_116 : memref<10240x64xf32, #tpu.memory_space<vmem_shared>>) offsets(%dma_start3A_113 : memref<128xi32, #tpu.memory_space<vmem>>) semaphore(%run_scoped3A_107 : memref<!tpu.dma_semaphore, #tpu.memory_space<semaphore_mem>>) {add = true}
        %dma_wait3A_117 = arith.constant 0 : i32
        %dma_wait3A_118 = arith.constant 0 : i32
        %dma_wait3A_119 = tpu.memref_slice %arg12[%dma_wait3A_117, %dma_wait3A_118] : memref<512x64xf32, #tpu.memory_space<vmem>> -> memref<128x64xf32, #tpu.memory_space<vmem>>
        %dma_wait3A_120 = arith.constant 0 : i32
        %dma_wait3A_121 = tpu.memref_slice %arg10[%run_scoped3A_102, %dma_wait3A_120] : memref<4x128xi32, #tpu.memory_space<vmem>> -> memref<1x128xi32, #tpu.memory_space<vmem>>
        %dma_wait3A_122 = tpu.memref_squeeze %dma_wait3A_121 : memref<1x128xi32, #tpu.memory_space<vmem>> -> memref<128xi32, #tpu.memory_space<vmem>>
        %dma_wait3A_123 = arith.constant 0 : i32
        %dma_wait3A_124 = arith.constant 0 : i32
        %dma_wait3A_125 = tpu.memref_slice %arg13[%dma_wait3A_123, %dma_wait3A_124] : memref<10240x64xf32, #tpu.memory_space<vmem_shared>> -> memref<10240x64xf32, #tpu.memory_space<vmem_shared>>
        tpu.wait_indirect_dma semaphore(%run_scoped3A_107 : memref<!tpu.dma_semaphore, #tpu.memory_space<semaphore_mem>>) src(%dma_wait3A_119 : memref<128x64xf32, #tpu.memory_space<vmem>>) dst(%dma_wait3A_125 : memref<10240x64xf32, #tpu.memory_space<vmem_shared>>)
        tpu.yield
      }) : () -> ()
      %run_scoped3A_103 = arith.constant 1 : i32
      "tpu.region"() ({
        %run_scoped3A_107 = tpu.sem_alloc : memref<!tpu.dma_semaphore, #tpu.memory_space<semaphore_mem>>
        %dma_start3A_108 = arith.constant 128 : i32
        %dma_start3A_109 = arith.constant 0 : i32
        %dma_start3A_110 = tpu.memref_slice %arg12[%dma_start3A_108, %dma_start3A_109] : memref<512x64xf32, #tpu.memory_space<vmem>> -> memref<128x64xf32, #tpu.memory_space<vmem>>
        %dma_start3A_111 = arith.constant 0 : i32
        %dma_start3A_112 = tpu.memref_slice %arg10[%run_scoped3A_103, %dma_start3A_111] : memref<4x128xi32, #tpu.memory_space<vmem>> -> memref<1x128xi32, #tpu.memory_space<vmem>>
        %dma_start3A_113 = tpu.memref_squeeze %dma_start3A_112 : memref<1x128xi32, #tpu.memory_space<vmem>> -> memref<128xi32, #tpu.memory_space<vmem>>
        %dma_start3A_114 = arith.constant 0 : i32
        %dma_start3A_115 = arith.constant 0 : i32
        %dma_start3A_116 = tpu.memref_slice %arg13[%dma_start3A_114, %dma_start3A_115] : memref<10240x64xf32, #tpu.memory_space<vmem_shared>> -> memref<10240x64xf32, #tpu.memory_space<vmem_shared>>
        tpu.enqueue_indirect_dma source(%dma_start3A_110 : memref<128x64xf32, #tpu.memory_space<vmem>>) target(%dma_start3A_116 : memref<10240x64xf32, #tpu.memory_space<vmem_shared>>) offsets(%dma_start3A_113 : memref<128xi32, #tpu.memory_space<vmem>>) semaphore(%run_scoped3A_107 : memref<!tpu.dma_semaphore, #tpu.memory_space<semaphore_mem>>) {add = true}
        %dma_wait3A_117 = arith.constant 128 : i32
        %dma_wait3A_118 = arith.constant 0 : i32
        %dma_wait3A_119 = tpu.memref_slice %arg12[%dma_wait3A_117, %dma_wait3A_118] : memref<512x64xf32, #tpu.memory_space<vmem>> -> memref<128x64xf32, #tpu.memory_space<vmem>>
        %dma_wait3A_120 = arith.constant 0 : i32
        %dma_wait3A_121 = tpu.memref_slice %arg10[%run_scoped3A_103, %dma_wait3A_120] : memref<4x128xi32, #tpu.memory_space<vmem>> -> memref<1x128xi32, #tpu.memory_space<vmem>>
        %dma_wait3A_122 = tpu.memref_squeeze %dma_wait3A_121 : memref<1x128xi32, #tpu.memory_space<vmem>> -> memref<128xi32, #tpu.memory_space<vmem>>
        %dma_wait3A_123 = arith.constant 0 : i32
        %dma_wait3A_124 = arith.constant 0 : i32
        %dma_wait3A_125 = tpu.memref_slice %arg13[%dma_wait3A_123, %dma_wait3A_124] : memref<10240x64xf32, #tpu.memory_space<vmem_shared>> -> memref<10240x64xf32, #tpu.memory_space<vmem_shared>>
        tpu.wait_indirect_dma semaphore(%run_scoped3A_107 : memref<!tpu.dma_semaphore, #tpu.memory_space<semaphore_mem>>) src(%dma_wait3A_119 : memref<128x64xf32, #tpu.memory_space<vmem>>) dst(%dma_wait3A_125 : memref<10240x64xf32, #tpu.memory_space<vmem_shared>>)
        tpu.yield
      }) : () -> ()
      %run_scoped3A_104 = arith.constant 2 : i32
      "tpu.region"() ({
        %run_scoped3A_107 = tpu.sem_alloc : memref<!tpu.dma_semaphore, #tpu.memory_space<semaphore_mem>>
        %dma_start3A_108 = arith.constant 256 : i32
        %dma_start3A_109 = arith.constant 0 : i32
        %dma_start3A_110 = tpu.memref_slice %arg12[%dma_start3A_108, %dma_start3A_109] : memref<512x64xf32, #tpu.memory_space<vmem>> -> memref<128x64xf32, #tpu.memory_space<vmem>>
        %dma_start3A_111 = arith.constant 0 : i32
        %dma_start3A_112 = tpu.memref_slice %arg10[%run_scoped3A_104, %dma_start3A_111] : memref<4x128xi32, #tpu.memory_space<vmem>> -> memref<1x128xi32, #tpu.memory_space<vmem>>
        %dma_start3A_113 = tpu.memref_squeeze %dma_start3A_112 : memref<1x128xi32, #tpu.memory_space<vmem>> -> memref<128xi32, #tpu.memory_space<vmem>>
        %dma_start3A_114 = arith.constant 0 : i32
        %dma_start3A_115 = arith.constant 0 : i32
        %dma_start3A_116 = tpu.memref_slice %arg13[%dma_start3A_114, %dma_start3A_115] : memref<10240x64xf32, #tpu.memory_space<vmem_shared>> -> memref<10240x64xf32, #tpu.memory_space<vmem_shared>>
        tpu.enqueue_indirect_dma source(%dma_start3A_110 : memref<128x64xf32, #tpu.memory_space<vmem>>) target(%dma_start3A_116 : memref<10240x64xf32, #tpu.memory_space<vmem_shared>>) offsets(%dma_start3A_113 : memref<128xi32, #tpu.memory_space<vmem>>) semaphore(%run_scoped3A_107 : memref<!tpu.dma_semaphore, #tpu.memory_space<semaphore_mem>>) {add = true}
        %dma_wait3A_117 = arith.constant 256 : i32
        %dma_wait3A_118 = arith.constant 0 : i32
        %dma_wait3A_119 = tpu.memref_slice %arg12[%dma_wait3A_117, %dma_wait3A_118] : memref<512x64xf32, #tpu.memory_space<vmem>> -> memref<128x64xf32, #tpu.memory_space<vmem>>
        %dma_wait3A_120 = arith.constant 0 : i32
        %dma_wait3A_121 = tpu.memref_slice %arg10[%run_scoped3A_104, %dma_wait3A_120] : memref<4x128xi32, #tpu.memory_space<vmem>> -> memref<1x128xi32, #tpu.memory_space<vmem>>
        %dma_wait3A_122 = tpu.memref_squeeze %dma_wait3A_121 : memref<1x128xi32, #tpu.memory_space<vmem>> -> memref<128xi32, #tpu.memory_space<vmem>>
        %dma_wait3A_123 = arith.constant 0 : i32
        %dma_wait3A_124 = arith.constant 0 : i32
        %dma_wait3A_125 = tpu.memref_slice %arg13[%dma_wait3A_123, %dma_wait3A_124] : memref<10240x64xf32, #tpu.memory_space<vmem_shared>> -> memref<10240x64xf32, #tpu.memory_space<vmem_shared>>
        tpu.wait_indirect_dma semaphore(%run_scoped3A_107 : memref<!tpu.dma_semaphore, #tpu.memory_space<semaphore_mem>>) src(%dma_wait3A_119 : memref<128x64xf32, #tpu.memory_space<vmem>>) dst(%dma_wait3A_125 : memref<10240x64xf32, #tpu.memory_space<vmem_shared>>)
        tpu.yield
      }) : () -> ()
      %run_scoped3A_105 = arith.constant 3 : i32
      "tpu.region"() ({
        %run_scoped3A_107 = tpu.sem_alloc : memref<!tpu.dma_semaphore, #tpu.memory_space<semaphore_mem>>
        %dma_start3A_108 = arith.constant 384 : i32
        %dma_start3A_109 = arith.constant 0 : i32
        %dma_start3A_110 = tpu.memref_slice %arg12[%dma_start3A_108, %dma_start3A_109] : memref<512x64xf32, #tpu.memory_space<vmem>> -> memref<128x64xf32, #tpu.memory_space<vmem>>
        %dma_start3A_111 = arith.constant 0 : i32
        %dma_start3A_112 = tpu.memref_slice %arg10[%run_scoped3A_105, %dma_start3A_111] : memref<4x128xi32, #tpu.memory_space<vmem>> -> memref<1x128xi32, #tpu.memory_space<vmem>>
        %dma_start3A_113 = tpu.memref_squeeze %dma_start3A_112 : memref<1x128xi32, #tpu.memory_space<vmem>> -> memref<128xi32, #tpu.memory_space<vmem>>
        %dma_start3A_114 = arith.constant 0 : i32
        %dma_start3A_115 = arith.constant 0 : i32
        %dma_start3A_116 = tpu.memref_slice %arg13[%dma_start3A_114, %dma_start3A_115] : memref<10240x64xf32, #tpu.memory_space<vmem_shared>> -> memref<10240x64xf32, #tpu.memory_space<vmem_shared>>
        tpu.enqueue_indirect_dma source(%dma_start3A_110 : memref<128x64xf32, #tpu.memory_space<vmem>>) target(%dma_start3A_116 : memref<10240x64xf32, #tpu.memory_space<vmem_shared>>) offsets(%dma_start3A_113 : memref<128xi32, #tpu.memory_space<vmem>>) semaphore(%run_scoped3A_107 : memref<!tpu.dma_semaphore, #tpu.memory_space<semaphore_mem>>) {add = true}
        %dma_wait3A_117 = arith.constant 384 : i32
        %dma_wait3A_118 = arith.constant 0 : i32
        %dma_wait3A_119 = tpu.memref_slice %arg12[%dma_wait3A_117, %dma_wait3A_118] : memref<512x64xf32, #tpu.memory_space<vmem>> -> memref<128x64xf32, #tpu.memory_space<vmem>>
        %dma_wait3A_120 = arith.constant 0 : i32
        %dma_wait3A_121 = tpu.memref_slice %arg10[%run_scoped3A_105, %dma_wait3A_120] : memref<4x128xi32, #tpu.memory_space<vmem>> -> memref<1x128xi32, #tpu.memory_space<vmem>>
        %dma_wait3A_122 = tpu.memref_squeeze %dma_wait3A_121 : memref<1x128xi32, #tpu.memory_space<vmem>> -> memref<128xi32, #tpu.memory_space<vmem>>
        %dma_wait3A_123 = arith.constant 0 : i32
        %dma_wait3A_124 = arith.constant 0 : i32
        %dma_wait3A_125 = tpu.memref_slice %arg13[%dma_wait3A_123, %dma_wait3A_124] : memref<10240x64xf32, #tpu.memory_space<vmem_shared>> -> memref<10240x64xf32, #tpu.memory_space<vmem_shared>>
        tpu.wait_indirect_dma semaphore(%run_scoped3A_107 : memref<!tpu.dma_semaphore, #tpu.memory_space<semaphore_mem>>) src(%dma_wait3A_119 : memref<128x64xf32, #tpu.memory_space<vmem>>) dst(%dma_wait3A_125 : memref<10240x64xf32, #tpu.memory_space<vmem_shared>>)
        tpu.yield
      }) : () -> ()
      %scan3A_106 = arith.constant 0 : i32
      scf.yield %scan3A_106 : i32
    }
    %scan3A_21 = arith.constant 20 : i32
    %barrier3A_22 = arith.constant 0 : index
    tpu.barrier barrier_id(%barrier3A_22)
    %mul3A_23 = arith.constant 640 : i32
    %mul3A_24 = arith.muli %arg1, %mul3A_23 : i32
    %mul3A_25 = arith.constant 10240 : i32
    %mul3A_26 = arith.muli %add3A_1, %mul3A_25 : i32
    %mul3A_27 = arith.constant 640 : i32
    %mul3A_28 = arith.muli %arg1, %mul3A_27 : i32
    %add3A_29 = arith.addi %mul3A_26, %mul3A_28 : i32
    "tpu.region"() ({
      %run_scoped3A = tpu.sem_alloc : memref<!tpu.dma_semaphore, #tpu.memory_space<semaphore_mem>>
      %dma_start3A_67 = arith.constant 0 : i32
      %dma_start3A_68 = tpu.memref_slice %arg6[%add3A_29, %dma_start3A_67] : memref<40960x64xf32, #tpu.memory_space<hbm>> -> memref<640x64xf32, #tpu.memory_space<hbm>>
      %dma_start3A_69 = arith.constant 0 : i32
      %dma_start3A_70 = tpu.memref_slice %arg13[%mul3A_24, %dma_start3A_69] : memref<10240x64xf32, #tpu.memory_space<vmem_shared>> -> memref<640x64xf32, #tpu.memory_space<vmem_shared>>
      tpu.enqueue_dma source(%dma_start3A_70 : memref<640x64xf32, #tpu.memory_space<vmem_shared>>) target(%dma_start3A_68 : memref<640x64xf32, #tpu.memory_space<hbm>>) target_semaphore(%run_scoped3A : memref<!tpu.dma_semaphore, #tpu.memory_space<semaphore_mem>>)
      %dma_wait3A = arith.constant 0 : i32
      %dma_wait3A_71 = tpu.memref_slice %arg6[%add3A_29, %dma_wait3A] : memref<40960x64xf32, #tpu.memory_space<hbm>> -> memref<640x64xf32, #tpu.memory_space<hbm>>
      %dma_wait3A_72 = arith.constant 0 : i32
      %dma_wait3A_73 = tpu.memref_slice %arg13[%mul3A_24, %dma_wait3A_72] : memref<10240x64xf32, #tpu.memory_space<vmem_shared>> -> memref<640x64xf32, #tpu.memory_space<vmem_shared>>
      tpu.wait_dma2 semaphore(%run_scoped3A : memref<!tpu.dma_semaphore, #tpu.memory_space<semaphore_mem>>) src(%dma_wait3A_73 : memref<640x64xf32, #tpu.memory_space<vmem_shared>>) dst(%dma_wait3A_71 : memref<640x64xf32, #tpu.memory_space<hbm>>)
      tpu.yield
    }) : () -> ()
    %barrier3A_30 = arith.constant 0 : index
    tpu.barrier barrier_id(%barrier3A_30)
    %mul3A_31 = arith.constant 2 : i32
    %mul3A_32 = arith.muli %mul3A_31, %arg0 : i32
    %add3A_33 = arith.constant 1 : i32
    %add3A_34 = arith.addi %mul3A_32, %add3A_33 : i32
    %mul3A_35 = arith.constant 640 : i32
    %mul3A_36 = arith.muli %arg1, %mul3A_35 : i32
    "tpu.region"() ({
      %run_scoped3A = tpu.sem_alloc : memref<!tpu.dma_semaphore, #tpu.memory_space<semaphore_mem>>
      %dma_start3A_67 = arith.constant 0 : i32
      %dma_start3A_68 = tpu.memref_slice %arg13[%mul3A_36, %dma_start3A_67] : memref<10240x64xf32, #tpu.memory_space<vmem_shared>> -> memref<640x64xf32, #tpu.memory_space<vmem_shared>>
      tpu.enqueue_dma source(%arg5 : memref<640x64xf32, #tpu.memory_space<hbm>>) target(%dma_start3A_68 : memref<640x64xf32, #tpu.memory_space<vmem_shared>>) target_semaphore(%run_scoped3A : memref<!tpu.dma_semaphore, #tpu.memory_space<semaphore_mem>>)
      %dma_wait3A = arith.constant 0 : i32
      %dma_wait3A_69 = tpu.memref_slice %arg13[%mul3A_36, %dma_wait3A] : memref<10240x64xf32, #tpu.memory_space<vmem_shared>> -> memref<640x64xf32, #tpu.memory_space<vmem_shared>>
      tpu.wait_dma2 semaphore(%run_scoped3A : memref<!tpu.dma_semaphore, #tpu.memory_space<semaphore_mem>>) src(%arg5 : memref<640x64xf32, #tpu.memory_space<hbm>>) dst(%dma_wait3A_69 : memref<640x64xf32, #tpu.memory_space<vmem_shared>>)
      tpu.yield
    }) : () -> ()
    %barrier3A_37 = arith.constant 0 : index
    tpu.barrier barrier_id(%barrier3A_37)
    %mul3A_38 = arith.constant 327680 : i32
    %mul3A_39 = arith.muli %add3A_34, %mul3A_38 : i32
    %mul3A_40 = arith.constant 20480 : i32
    %mul3A_41 = arith.muli %arg1, %mul3A_40 : i32
    %add3A_42 = arith.addi %mul3A_39, %mul3A_41 : i32
    %mul3A_43 = arith.constant 2560 : i32
    %mul3A_44 = arith.muli %add3A_34, %mul3A_43 : i32
    %mul3A_45 = arith.constant 160 : i32
    %mul3A_46 = arith.muli %arg1, %mul3A_45 : i32
    %add3A_47 = arith.addi %mul3A_44, %mul3A_46 : i32
    "tpu.region"() ({
      %run_scoped3A = tpu.sem_alloc : memref<!tpu.dma_semaphore, #tpu.memory_space<semaphore_mem>>
      %dma_start3A_67 = tpu.memref_slice %arg3[%add3A_42] : memref<1310720xi32, #tpu.memory_space<hbm>> -> memref<512xi32, #tpu.memory_space<hbm>>
      %dma_start3A_68 = tpu.memref_slice %arg3[%add3A_42] : memref<1310720xi32, #tpu.memory_space<hbm>> -> memref<512xi32, #tpu.memory_space<hbm>>
      tpu.enqueue_dma source(%dma_start3A_68 : memref<512xi32, #tpu.memory_space<hbm>>) target(%arg7 : memref<512xi32, #tpu.memory_space<vmem>>) target_semaphore(%run_scoped3A : memref<!tpu.dma_semaphore, #tpu.memory_space<semaphore_mem>>)
      %dma_wait3A = tpu.memref_slice %arg3[%add3A_42] : memref<1310720xi32, #tpu.memory_space<hbm>> -> memref<512xi32, #tpu.memory_space<hbm>>
      %dma_wait3A_69 = tpu.memref_slice %arg3[%add3A_42] : memref<1310720xi32, #tpu.memory_space<hbm>> -> memref<512xi32, #tpu.memory_space<hbm>>
      tpu.wait_dma2 semaphore(%run_scoped3A : memref<!tpu.dma_semaphore, #tpu.memory_space<semaphore_mem>>) src(%dma_wait3A_69 : memref<512xi32, #tpu.memory_space<hbm>>) dst(%arg7 : memref<512xi32, #tpu.memory_space<vmem>>)
      tpu.yield
    }) : () -> ()
    %dma_start3A_48 = arith.constant 0 : i32
    %dma_start3A_49 = arith.constant 0 : i32
    %dma_start3A_50 = tpu.memref_slice %arg2[%dma_start3A_48, %dma_start3A_49] : memref<40960x64xf32, #tpu.memory_space<hbm>> -> memref<40960x64xf32, #tpu.memory_space<hbm>>
    tpu.enqueue_indirect_dma source(%dma_start3A_50 : memref<40960x64xf32, #tpu.memory_space<hbm>>) target(%arg11 : memref<512x64xf32, #tpu.memory_space<vmem>>) offsets(%arg7 : memref<512xi32, #tpu.memory_space<vmem>>) semaphore(%arg14 : memref<!tpu.dma_semaphore, #tpu.memory_space<semaphore_mem>>)
    %scan3A_51 = arith.constant 0 : i32
    %scan3A_52 = arith.constant 0 : i32
    %scan3A_53 = arith.constant 20 : i32
    %scan3A_54 = arith.addi %scan3A_52, %scan3A_53 : i32
    %scan3A_55 = arith.constant 1 : i32
    %scan3A_56 = scf.for %scan3A_67 = %scan3A_52 to %scan3A_54 step %scan3A_55 iter_args(%scan3A_68 = %scan3A_51) -> (i32)  : i32 {
      %mul3A_69 = arith.constant 2 : i32
      %mul3A_70 = arith.muli %mul3A_69, %scan3A_67 : i32
      %add3A_71 = arith.constant 0 : i32
      %add3A_72 = arith.addi %mul3A_70, %add3A_71 : i32
      %add3A_73 = arith.constant 1 : i32
      %add3A_74 = arith.addi %add3A_72, %add3A_73 : i32
      %lt3A = arith.constant 40 : i32
      %lt3A_75 = arith.cmpi slt, %add3A_74, %lt3A : i32
      %convert_element_type3A = arith.extui %lt3A_75 : i1 to i32
      %cond3A = arith.constant 0 : i32
      %cond3A_76 = arith.cmpi ne, %convert_element_type3A, %cond3A : i32
      scf.if %cond3A_76 {
        %add3A_107 = arith.constant 1 : i32
        %add3A_108 = arith.addi %add3A_72, %add3A_107 : i32
        %mul3A_109 = arith.constant 512 : i32
        %mul3A_110 = arith.muli %add3A_108, %mul3A_109 : i32
        %add3A_111 = arith.addi %add3A_42, %mul3A_110 : i32
        "tpu.region"() ({
          %run_scoped3A_115 = tpu.sem_alloc : memref<!tpu.dma_semaphore, #tpu.memory_space<semaphore_mem>>
          %dma_start3A_116 = tpu.memref_slice %arg3[%add3A_111] : memref<1310720xi32, #tpu.memory_space<hbm>> -> memref<512xi32, #tpu.memory_space<hbm>>
          %dma_start3A_117 = tpu.memref_slice %arg3[%add3A_111] : memref<1310720xi32, #tpu.memory_space<hbm>> -> memref<512xi32, #tpu.memory_space<hbm>>
          tpu.enqueue_dma source(%dma_start3A_117 : memref<512xi32, #tpu.memory_space<hbm>>) target(%arg8 : memref<512xi32, #tpu.memory_space<vmem>>) target_semaphore(%run_scoped3A_115 : memref<!tpu.dma_semaphore, #tpu.memory_space<semaphore_mem>>)
          %dma_wait3A_118 = tpu.memref_slice %arg3[%add3A_111] : memref<1310720xi32, #tpu.memory_space<hbm>> -> memref<512xi32, #tpu.memory_space<hbm>>
          %dma_wait3A_119 = tpu.memref_slice %arg3[%add3A_111] : memref<1310720xi32, #tpu.memory_space<hbm>> -> memref<512xi32, #tpu.memory_space<hbm>>
          tpu.wait_dma2 semaphore(%run_scoped3A_115 : memref<!tpu.dma_semaphore, #tpu.memory_space<semaphore_mem>>) src(%dma_wait3A_119 : memref<512xi32, #tpu.memory_space<hbm>>) dst(%arg8 : memref<512xi32, #tpu.memory_space<vmem>>)
          tpu.yield
        }) : () -> ()
        %dma_start3A_112 = arith.constant 0 : i32
        %dma_start3A_113 = arith.constant 0 : i32
        %dma_start3A_114 = tpu.memref_slice %arg2[%dma_start3A_112, %dma_start3A_113] : memref<40960x64xf32, #tpu.memory_space<hbm>> -> memref<40960x64xf32, #tpu.memory_space<hbm>>
        tpu.enqueue_indirect_dma source(%dma_start3A_114 : memref<40960x64xf32, #tpu.memory_space<hbm>>) target(%arg12 : memref<512x64xf32, #tpu.memory_space<vmem>>) offsets(%arg8 : memref<512xi32, #tpu.memory_space<vmem>>) semaphore(%arg15 : memref<!tpu.dma_semaphore, #tpu.memory_space<semaphore_mem>>)
      } else {
      }
      %dma_wait3A = arith.constant 0 : i32
      %dma_wait3A_77 = arith.constant 0 : i32
      %dma_wait3A_78 = tpu.memref_slice %arg2[%dma_wait3A, %dma_wait3A_77] : memref<40960x64xf32, #tpu.memory_space<hbm>> -> memref<40960x64xf32, #tpu.memory_space<hbm>>
      tpu.wait_indirect_dma semaphore(%arg14 : memref<!tpu.dma_semaphore, #tpu.memory_space<semaphore_mem>>) src(%dma_wait3A_78 : memref<40960x64xf32, #tpu.memory_space<hbm>>) dst(%arg11 : memref<512x64xf32, #tpu.memory_space<vmem>>)
      %mul3A_79 = arith.constant 4 : i32
      %mul3A_80 = arith.muli %add3A_72, %mul3A_79 : i32
      %add3A_81 = arith.addi %add3A_47, %mul3A_80 : i32
      "tpu.region"() ({
        %run_scoped3A_107 = tpu.sem_alloc : memref<!tpu.dma_semaphore, #tpu.memory_space<semaphore_mem>>
        %dma_start3A_108 = arith.constant 0 : i32
        %dma_start3A_109 = tpu.memref_slice %arg4[%add3A_81, %dma_start3A_108] : memref<10240x128xi32, #tpu.memory_space<hbm>> -> memref<4x128xi32, #tpu.memory_space<hbm>>
        %dma_start3A_110 = arith.constant 0 : i32
        %dma_start3A_111 = tpu.memref_slice %arg4[%add3A_81, %dma_start3A_110] : memref<10240x128xi32, #tpu.memory_space<hbm>> -> memref<4x128xi32, #tpu.memory_space<hbm>>
        tpu.enqueue_dma source(%dma_start3A_111 : memref<4x128xi32, #tpu.memory_space<hbm>>) target(%arg9 : memref<4x128xi32, #tpu.memory_space<vmem>>) target_semaphore(%run_scoped3A_107 : memref<!tpu.dma_semaphore, #tpu.memory_space<semaphore_mem>>)
        %dma_wait3A_112 = arith.constant 0 : i32
        %dma_wait3A_113 = tpu.memref_slice %arg4[%add3A_81, %dma_wait3A_112] : memref<10240x128xi32, #tpu.memory_space<hbm>> -> memref<4x128xi32, #tpu.memory_space<hbm>>
        %dma_wait3A_114 = arith.constant 0 : i32
        %dma_wait3A_115 = tpu.memref_slice %arg4[%add3A_81, %dma_wait3A_114] : memref<10240x128xi32, #tpu.memory_space<hbm>> -> memref<4x128xi32, #tpu.memory_space<hbm>>
        tpu.wait_dma2 semaphore(%run_scoped3A_107 : memref<!tpu.dma_semaphore, #tpu.memory_space<semaphore_mem>>) src(%dma_wait3A_115 : memref<4x128xi32, #tpu.memory_space<hbm>>) dst(%arg9 : memref<4x128xi32, #tpu.memory_space<vmem>>)
        tpu.yield
      }) : () -> ()
      %run_scoped3A = arith.constant 0 : i32
      "tpu.region"() ({
        %run_scoped3A_107 = tpu.sem_alloc : memref<!tpu.dma_semaphore, #tpu.memory_space<semaphore_mem>>
        %dma_start3A_108 = arith.constant 0 : i32
        %dma_start3A_109 = arith.constant 0 : i32
        %dma_start3A_110 = tpu.memref_slice %arg11[%dma_start3A_108, %dma_start3A_109] : memref<512x64xf32, #tpu.memory_space<vmem>> -> memref<128x64xf32, #tpu.memory_space<vmem>>
        %dma_start3A_111 = arith.constant 0 : i32
        %dma_start3A_112 = tpu.memref_slice %arg9[%run_scoped3A, %dma_start3A_111] : memref<4x128xi32, #tpu.memory_space<vmem>> -> memref<1x128xi32, #tpu.memory_space<vmem>>
        %dma_start3A_113 = tpu.memref_squeeze %dma_start3A_112 : memref<1x128xi32, #tpu.memory_space<vmem>> -> memref<128xi32, #tpu.memory_space<vmem>>
        %dma_start3A_114 = arith.constant 0 : i32
        %dma_start3A_115 = arith.constant 0 : i32
        %dma_start3A_116 = tpu.memref_slice %arg13[%dma_start3A_114, %dma_start3A_115] : memref<10240x64xf32, #tpu.memory_space<vmem_shared>> -> memref<10240x64xf32, #tpu.memory_space<vmem_shared>>
        tpu.enqueue_indirect_dma source(%dma_start3A_110 : memref<128x64xf32, #tpu.memory_space<vmem>>) target(%dma_start3A_116 : memref<10240x64xf32, #tpu.memory_space<vmem_shared>>) offsets(%dma_start3A_113 : memref<128xi32, #tpu.memory_space<vmem>>) semaphore(%run_scoped3A_107 : memref<!tpu.dma_semaphore, #tpu.memory_space<semaphore_mem>>) {add = true}
        %dma_wait3A_117 = arith.constant 0 : i32
        %dma_wait3A_118 = arith.constant 0 : i32
        %dma_wait3A_119 = tpu.memref_slice %arg11[%dma_wait3A_117, %dma_wait3A_118] : memref<512x64xf32, #tpu.memory_space<vmem>> -> memref<128x64xf32, #tpu.memory_space<vmem>>
        %dma_wait3A_120 = arith.constant 0 : i32
        %dma_wait3A_121 = tpu.memref_slice %arg9[%run_scoped3A, %dma_wait3A_120] : memref<4x128xi32, #tpu.memory_space<vmem>> -> memref<1x128xi32, #tpu.memory_space<vmem>>
        %dma_wait3A_122 = tpu.memref_squeeze %dma_wait3A_121 : memref<1x128xi32, #tpu.memory_space<vmem>> -> memref<128xi32, #tpu.memory_space<vmem>>
        %dma_wait3A_123 = arith.constant 0 : i32
        %dma_wait3A_124 = arith.constant 0 : i32
        %dma_wait3A_125 = tpu.memref_slice %arg13[%dma_wait3A_123, %dma_wait3A_124] : memref<10240x64xf32, #tpu.memory_space<vmem_shared>> -> memref<10240x64xf32, #tpu.memory_space<vmem_shared>>
        tpu.wait_indirect_dma semaphore(%run_scoped3A_107 : memref<!tpu.dma_semaphore, #tpu.memory_space<semaphore_mem>>) src(%dma_wait3A_119 : memref<128x64xf32, #tpu.memory_space<vmem>>) dst(%dma_wait3A_125 : memref<10240x64xf32, #tpu.memory_space<vmem_shared>>)
        tpu.yield
      }) : () -> ()
      %run_scoped3A_82 = arith.constant 1 : i32
      "tpu.region"() ({
        %run_scoped3A_107 = tpu.sem_alloc : memref<!tpu.dma_semaphore, #tpu.memory_space<semaphore_mem>>
        %dma_start3A_108 = arith.constant 128 : i32
        %dma_start3A_109 = arith.constant 0 : i32
        %dma_start3A_110 = tpu.memref_slice %arg11[%dma_start3A_108, %dma_start3A_109] : memref<512x64xf32, #tpu.memory_space<vmem>> -> memref<128x64xf32, #tpu.memory_space<vmem>>
        %dma_start3A_111 = arith.constant 0 : i32
        %dma_start3A_112 = tpu.memref_slice %arg9[%run_scoped3A_82, %dma_start3A_111] : memref<4x128xi32, #tpu.memory_space<vmem>> -> memref<1x128xi32, #tpu.memory_space<vmem>>
        %dma_start3A_113 = tpu.memref_squeeze %dma_start3A_112 : memref<1x128xi32, #tpu.memory_space<vmem>> -> memref<128xi32, #tpu.memory_space<vmem>>
        %dma_start3A_114 = arith.constant 0 : i32
        %dma_start3A_115 = arith.constant 0 : i32
        %dma_start3A_116 = tpu.memref_slice %arg13[%dma_start3A_114, %dma_start3A_115] : memref<10240x64xf32, #tpu.memory_space<vmem_shared>> -> memref<10240x64xf32, #tpu.memory_space<vmem_shared>>
        tpu.enqueue_indirect_dma source(%dma_start3A_110 : memref<128x64xf32, #tpu.memory_space<vmem>>) target(%dma_start3A_116 : memref<10240x64xf32, #tpu.memory_space<vmem_shared>>) offsets(%dma_start3A_113 : memref<128xi32, #tpu.memory_space<vmem>>) semaphore(%run_scoped3A_107 : memref<!tpu.dma_semaphore, #tpu.memory_space<semaphore_mem>>) {add = true}
        %dma_wait3A_117 = arith.constant 128 : i32
        %dma_wait3A_118 = arith.constant 0 : i32
        %dma_wait3A_119 = tpu.memref_slice %arg11[%dma_wait3A_117, %dma_wait3A_118] : memref<512x64xf32, #tpu.memory_space<vmem>> -> memref<128x64xf32, #tpu.memory_space<vmem>>
        %dma_wait3A_120 = arith.constant 0 : i32
        %dma_wait3A_121 = tpu.memref_slice %arg9[%run_scoped3A_82, %dma_wait3A_120] : memref<4x128xi32, #tpu.memory_space<vmem>> -> memref<1x128xi32, #tpu.memory_space<vmem>>
        %dma_wait3A_122 = tpu.memref_squeeze %dma_wait3A_121 : memref<1x128xi32, #tpu.memory_space<vmem>> -> memref<128xi32, #tpu.memory_space<vmem>>
        %dma_wait3A_123 = arith.constant 0 : i32
        %dma_wait3A_124 = arith.constant 0 : i32
        %dma_wait3A_125 = tpu.memref_slice %arg13[%dma_wait3A_123, %dma_wait3A_124] : memref<10240x64xf32, #tpu.memory_space<vmem_shared>> -> memref<10240x64xf32, #tpu.memory_space<vmem_shared>>
        tpu.wait_indirect_dma semaphore(%run_scoped3A_107 : memref<!tpu.dma_semaphore, #tpu.memory_space<semaphore_mem>>) src(%dma_wait3A_119 : memref<128x64xf32, #tpu.memory_space<vmem>>) dst(%dma_wait3A_125 : memref<10240x64xf32, #tpu.memory_space<vmem_shared>>)
        tpu.yield
      }) : () -> ()
      %run_scoped3A_83 = arith.constant 2 : i32
      "tpu.region"() ({
        %run_scoped3A_107 = tpu.sem_alloc : memref<!tpu.dma_semaphore, #tpu.memory_space<semaphore_mem>>
        %dma_start3A_108 = arith.constant 256 : i32
        %dma_start3A_109 = arith.constant 0 : i32
        %dma_start3A_110 = tpu.memref_slice %arg11[%dma_start3A_108, %dma_start3A_109] : memref<512x64xf32, #tpu.memory_space<vmem>> -> memref<128x64xf32, #tpu.memory_space<vmem>>
        %dma_start3A_111 = arith.constant 0 : i32
        %dma_start3A_112 = tpu.memref_slice %arg9[%run_scoped3A_83, %dma_start3A_111] : memref<4x128xi32, #tpu.memory_space<vmem>> -> memref<1x128xi32, #tpu.memory_space<vmem>>
        %dma_start3A_113 = tpu.memref_squeeze %dma_start3A_112 : memref<1x128xi32, #tpu.memory_space<vmem>> -> memref<128xi32, #tpu.memory_space<vmem>>
        %dma_start3A_114 = arith.constant 0 : i32
        %dma_start3A_115 = arith.constant 0 : i32
        %dma_start3A_116 = tpu.memref_slice %arg13[%dma_start3A_114, %dma_start3A_115] : memref<10240x64xf32, #tpu.memory_space<vmem_shared>> -> memref<10240x64xf32, #tpu.memory_space<vmem_shared>>
        tpu.enqueue_indirect_dma source(%dma_start3A_110 : memref<128x64xf32, #tpu.memory_space<vmem>>) target(%dma_start3A_116 : memref<10240x64xf32, #tpu.memory_space<vmem_shared>>) offsets(%dma_start3A_113 : memref<128xi32, #tpu.memory_space<vmem>>) semaphore(%run_scoped3A_107 : memref<!tpu.dma_semaphore, #tpu.memory_space<semaphore_mem>>) {add = true}
        %dma_wait3A_117 = arith.constant 256 : i32
        %dma_wait3A_118 = arith.constant 0 : i32
        %dma_wait3A_119 = tpu.memref_slice %arg11[%dma_wait3A_117, %dma_wait3A_118] : memref<512x64xf32, #tpu.memory_space<vmem>> -> memref<128x64xf32, #tpu.memory_space<vmem>>
        %dma_wait3A_120 = arith.constant 0 : i32
        %dma_wait3A_121 = tpu.memref_slice %arg9[%run_scoped3A_83, %dma_wait3A_120] : memref<4x128xi32, #tpu.memory_space<vmem>> -> memref<1x128xi32, #tpu.memory_space<vmem>>
        %dma_wait3A_122 = tpu.memref_squeeze %dma_wait3A_121 : memref<1x128xi32, #tpu.memory_space<vmem>> -> memref<128xi32, #tpu.memory_space<vmem>>
        %dma_wait3A_123 = arith.constant 0 : i32
        %dma_wait3A_124 = arith.constant 0 : i32
        %dma_wait3A_125 = tpu.memref_slice %arg13[%dma_wait3A_123, %dma_wait3A_124] : memref<10240x64xf32, #tpu.memory_space<vmem_shared>> -> memref<10240x64xf32, #tpu.memory_space<vmem_shared>>
        tpu.wait_indirect_dma semaphore(%run_scoped3A_107 : memref<!tpu.dma_semaphore, #tpu.memory_space<semaphore_mem>>) src(%dma_wait3A_119 : memref<128x64xf32, #tpu.memory_space<vmem>>) dst(%dma_wait3A_125 : memref<10240x64xf32, #tpu.memory_space<vmem_shared>>)
        tpu.yield
      }) : () -> ()
      %run_scoped3A_84 = arith.constant 3 : i32
      "tpu.region"() ({
        %run_scoped3A_107 = tpu.sem_alloc : memref<!tpu.dma_semaphore, #tpu.memory_space<semaphore_mem>>
        %dma_start3A_108 = arith.constant 384 : i32
        %dma_start3A_109 = arith.constant 0 : i32
        %dma_start3A_110 = tpu.memref_slice %arg11[%dma_start3A_108, %dma_start3A_109] : memref<512x64xf32, #tpu.memory_space<vmem>> -> memref<128x64xf32, #tpu.memory_space<vmem>>
        %dma_start3A_111 = arith.constant 0 : i32
        %dma_start3A_112 = tpu.memref_slice %arg9[%run_scoped3A_84, %dma_start3A_111] : memref<4x128xi32, #tpu.memory_space<vmem>> -> memref<1x128xi32, #tpu.memory_space<vmem>>
        %dma_start3A_113 = tpu.memref_squeeze %dma_start3A_112 : memref<1x128xi32, #tpu.memory_space<vmem>> -> memref<128xi32, #tpu.memory_space<vmem>>
        %dma_start3A_114 = arith.constant 0 : i32
        %dma_start3A_115 = arith.constant 0 : i32
        %dma_start3A_116 = tpu.memref_slice %arg13[%dma_start3A_114, %dma_start3A_115] : memref<10240x64xf32, #tpu.memory_space<vmem_shared>> -> memref<10240x64xf32, #tpu.memory_space<vmem_shared>>
        tpu.enqueue_indirect_dma source(%dma_start3A_110 : memref<128x64xf32, #tpu.memory_space<vmem>>) target(%dma_start3A_116 : memref<10240x64xf32, #tpu.memory_space<vmem_shared>>) offsets(%dma_start3A_113 : memref<128xi32, #tpu.memory_space<vmem>>) semaphore(%run_scoped3A_107 : memref<!tpu.dma_semaphore, #tpu.memory_space<semaphore_mem>>) {add = true}
        %dma_wait3A_117 = arith.constant 384 : i32
        %dma_wait3A_118 = arith.constant 0 : i32
        %dma_wait3A_119 = tpu.memref_slice %arg11[%dma_wait3A_117, %dma_wait3A_118] : memref<512x64xf32, #tpu.memory_space<vmem>> -> memref<128x64xf32, #tpu.memory_space<vmem>>
        %dma_wait3A_120 = arith.constant 0 : i32
        %dma_wait3A_121 = tpu.memref_slice %arg9[%run_scoped3A_84, %dma_wait3A_120] : memref<4x128xi32, #tpu.memory_space<vmem>> -> memref<1x128xi32, #tpu.memory_space<vmem>>
        %dma_wait3A_122 = tpu.memref_squeeze %dma_wait3A_121 : memref<1x128xi32, #tpu.memory_space<vmem>> -> memref<128xi32, #tpu.memory_space<vmem>>
        %dma_wait3A_123 = arith.constant 0 : i32
        %dma_wait3A_124 = arith.constant 0 : i32
        %dma_wait3A_125 = tpu.memref_slice %arg13[%dma_wait3A_123, %dma_wait3A_124] : memref<10240x64xf32, #tpu.memory_space<vmem_shared>> -> memref<10240x64xf32, #tpu.memory_space<vmem_shared>>
        tpu.wait_indirect_dma semaphore(%run_scoped3A_107 : memref<!tpu.dma_semaphore, #tpu.memory_space<semaphore_mem>>) src(%dma_wait3A_119 : memref<128x64xf32, #tpu.memory_space<vmem>>) dst(%dma_wait3A_125 : memref<10240x64xf32, #tpu.memory_space<vmem_shared>>)
        tpu.yield
      }) : () -> ()
      %mul3A_85 = arith.constant 2 : i32
      %mul3A_86 = arith.muli %mul3A_85, %scan3A_67 : i32
      %add3A_87 = arith.constant 1 : i32
      %add3A_88 = arith.addi %mul3A_86, %add3A_87 : i32
      %add3A_89 = arith.constant 1 : i32
      %add3A_90 = arith.addi %add3A_88, %add3A_89 : i32
      %lt3A_91 = arith.constant 40 : i32
      %lt3A_92 = arith.cmpi slt, %add3A_90, %lt3A_91 : i32
      %convert_element_type3A_93 = arith.extui %lt3A_92 : i1 to i32
      %cond3A_94 = arith.constant 0 : i32
      %cond3A_95 = arith.cmpi ne, %convert_element_type3A_93, %cond3A_94 : i32
      scf.if %cond3A_95 {
        %add3A_107 = arith.constant 1 : i32
        %add3A_108 = arith.addi %add3A_88, %add3A_107 : i32
        %mul3A_109 = arith.constant 512 : i32
        %mul3A_110 = arith.muli %add3A_108, %mul3A_109 : i32
        %add3A_111 = arith.addi %add3A_42, %mul3A_110 : i32
        "tpu.region"() ({
          %run_scoped3A_115 = tpu.sem_alloc : memref<!tpu.dma_semaphore, #tpu.memory_space<semaphore_mem>>
          %dma_start3A_116 = tpu.memref_slice %arg3[%add3A_111] : memref<1310720xi32, #tpu.memory_space<hbm>> -> memref<512xi32, #tpu.memory_space<hbm>>
          %dma_start3A_117 = tpu.memref_slice %arg3[%add3A_111] : memref<1310720xi32, #tpu.memory_space<hbm>> -> memref<512xi32, #tpu.memory_space<hbm>>
          tpu.enqueue_dma source(%dma_start3A_117 : memref<512xi32, #tpu.memory_space<hbm>>) target(%arg7 : memref<512xi32, #tpu.memory_space<vmem>>) target_semaphore(%run_scoped3A_115 : memref<!tpu.dma_semaphore, #tpu.memory_space<semaphore_mem>>)
          %dma_wait3A_118 = tpu.memref_slice %arg3[%add3A_111] : memref<1310720xi32, #tpu.memory_space<hbm>> -> memref<512xi32, #tpu.memory_space<hbm>>
          %dma_wait3A_119 = tpu.memref_slice %arg3[%add3A_111] : memref<1310720xi32, #tpu.memory_space<hbm>> -> memref<512xi32, #tpu.memory_space<hbm>>
          tpu.wait_dma2 semaphore(%run_scoped3A_115 : memref<!tpu.dma_semaphore, #tpu.memory_space<semaphore_mem>>) src(%dma_wait3A_119 : memref<512xi32, #tpu.memory_space<hbm>>) dst(%arg7 : memref<512xi32, #tpu.memory_space<vmem>>)
          tpu.yield
        }) : () -> ()
        %dma_start3A_112 = arith.constant 0 : i32
        %dma_start3A_113 = arith.constant 0 : i32
        %dma_start3A_114 = tpu.memref_slice %arg2[%dma_start3A_112, %dma_start3A_113] : memref<40960x64xf32, #tpu.memory_space<hbm>> -> memref<40960x64xf32, #tpu.memory_space<hbm>>
        tpu.enqueue_indirect_dma source(%dma_start3A_114 : memref<40960x64xf32, #tpu.memory_space<hbm>>) target(%arg11 : memref<512x64xf32, #tpu.memory_space<vmem>>) offsets(%arg7 : memref<512xi32, #tpu.memory_space<vmem>>) semaphore(%arg14 : memref<!tpu.dma_semaphore, #tpu.memory_space<semaphore_mem>>)
      } else {
      }
      %dma_wait3A_96 = arith.constant 0 : i32
      %dma_wait3A_97 = arith.constant 0 : i32
      %dma_wait3A_98 = tpu.memref_slice %arg2[%dma_wait3A_96, %dma_wait3A_97] : memref<40960x64xf32, #tpu.memory_space<hbm>> -> memref<40960x64xf32, #tpu.memory_space<hbm>>
      tpu.wait_indirect_dma semaphore(%arg15 : memref<!tpu.dma_semaphore, #tpu.memory_space<semaphore_mem>>) src(%dma_wait3A_98 : memref<40960x64xf32, #tpu.memory_space<hbm>>) dst(%arg12 : memref<512x64xf32, #tpu.memory_space<vmem>>)
      %mul3A_99 = arith.constant 4 : i32
      %mul3A_100 = arith.muli %add3A_88, %mul3A_99 : i32
      %add3A_101 = arith.addi %add3A_47, %mul3A_100 : i32
      "tpu.region"() ({
        %run_scoped3A_107 = tpu.sem_alloc : memref<!tpu.dma_semaphore, #tpu.memory_space<semaphore_mem>>
        %dma_start3A_108 = arith.constant 0 : i32
        %dma_start3A_109 = tpu.memref_slice %arg4[%add3A_101, %dma_start3A_108] : memref<10240x128xi32, #tpu.memory_space<hbm>> -> memref<4x128xi32, #tpu.memory_space<hbm>>
        %dma_start3A_110 = arith.constant 0 : i32
        %dma_start3A_111 = tpu.memref_slice %arg4[%add3A_101, %dma_start3A_110] : memref<10240x128xi32, #tpu.memory_space<hbm>> -> memref<4x128xi32, #tpu.memory_space<hbm>>
        tpu.enqueue_dma source(%dma_start3A_111 : memref<4x128xi32, #tpu.memory_space<hbm>>) target(%arg10 : memref<4x128xi32, #tpu.memory_space<vmem>>) target_semaphore(%run_scoped3A_107 : memref<!tpu.dma_semaphore, #tpu.memory_space<semaphore_mem>>)
        %dma_wait3A_112 = arith.constant 0 : i32
        %dma_wait3A_113 = tpu.memref_slice %arg4[%add3A_101, %dma_wait3A_112] : memref<10240x128xi32, #tpu.memory_space<hbm>> -> memref<4x128xi32, #tpu.memory_space<hbm>>
        %dma_wait3A_114 = arith.constant 0 : i32
        %dma_wait3A_115 = tpu.memref_slice %arg4[%add3A_101, %dma_wait3A_114] : memref<10240x128xi32, #tpu.memory_space<hbm>> -> memref<4x128xi32, #tpu.memory_space<hbm>>
        tpu.wait_dma2 semaphore(%run_scoped3A_107 : memref<!tpu.dma_semaphore, #tpu.memory_space<semaphore_mem>>) src(%dma_wait3A_115 : memref<4x128xi32, #tpu.memory_space<hbm>>) dst(%arg10 : memref<4x128xi32, #tpu.memory_space<vmem>>)
        tpu.yield
      }) : () -> ()
      %run_scoped3A_102 = arith.constant 0 : i32
      "tpu.region"() ({
        %run_scoped3A_107 = tpu.sem_alloc : memref<!tpu.dma_semaphore, #tpu.memory_space<semaphore_mem>>
        %dma_start3A_108 = arith.constant 0 : i32
        %dma_start3A_109 = arith.constant 0 : i32
        %dma_start3A_110 = tpu.memref_slice %arg12[%dma_start3A_108, %dma_start3A_109] : memref<512x64xf32, #tpu.memory_space<vmem>> -> memref<128x64xf32, #tpu.memory_space<vmem>>
        %dma_start3A_111 = arith.constant 0 : i32
        %dma_start3A_112 = tpu.memref_slice %arg10[%run_scoped3A_102, %dma_start3A_111] : memref<4x128xi32, #tpu.memory_space<vmem>> -> memref<1x128xi32, #tpu.memory_space<vmem>>
        %dma_start3A_113 = tpu.memref_squeeze %dma_start3A_112 : memref<1x128xi32, #tpu.memory_space<vmem>> -> memref<128xi32, #tpu.memory_space<vmem>>
        %dma_start3A_114 = arith.constant 0 : i32
        %dma_start3A_115 = arith.constant 0 : i32
        %dma_start3A_116 = tpu.memref_slice %arg13[%dma_start3A_114, %dma_start3A_115] : memref<10240x64xf32, #tpu.memory_space<vmem_shared>> -> memref<10240x64xf32, #tpu.memory_space<vmem_shared>>
        tpu.enqueue_indirect_dma source(%dma_start3A_110 : memref<128x64xf32, #tpu.memory_space<vmem>>) target(%dma_start3A_116 : memref<10240x64xf32, #tpu.memory_space<vmem_shared>>) offsets(%dma_start3A_113 : memref<128xi32, #tpu.memory_space<vmem>>) semaphore(%run_scoped3A_107 : memref<!tpu.dma_semaphore, #tpu.memory_space<semaphore_mem>>) {add = true}
        %dma_wait3A_117 = arith.constant 0 : i32
        %dma_wait3A_118 = arith.constant 0 : i32
        %dma_wait3A_119 = tpu.memref_slice %arg12[%dma_wait3A_117, %dma_wait3A_118] : memref<512x64xf32, #tpu.memory_space<vmem>> -> memref<128x64xf32, #tpu.memory_space<vmem>>
        %dma_wait3A_120 = arith.constant 0 : i32
        %dma_wait3A_121 = tpu.memref_slice %arg10[%run_scoped3A_102, %dma_wait3A_120] : memref<4x128xi32, #tpu.memory_space<vmem>> -> memref<1x128xi32, #tpu.memory_space<vmem>>
        %dma_wait3A_122 = tpu.memref_squeeze %dma_wait3A_121 : memref<1x128xi32, #tpu.memory_space<vmem>> -> memref<128xi32, #tpu.memory_space<vmem>>
        %dma_wait3A_123 = arith.constant 0 : i32
        %dma_wait3A_124 = arith.constant 0 : i32
        %dma_wait3A_125 = tpu.memref_slice %arg13[%dma_wait3A_123, %dma_wait3A_124] : memref<10240x64xf32, #tpu.memory_space<vmem_shared>> -> memref<10240x64xf32, #tpu.memory_space<vmem_shared>>
        tpu.wait_indirect_dma semaphore(%run_scoped3A_107 : memref<!tpu.dma_semaphore, #tpu.memory_space<semaphore_mem>>) src(%dma_wait3A_119 : memref<128x64xf32, #tpu.memory_space<vmem>>) dst(%dma_wait3A_125 : memref<10240x64xf32, #tpu.memory_space<vmem_shared>>)
        tpu.yield
      }) : () -> ()
      %run_scoped3A_103 = arith.constant 1 : i32
      "tpu.region"() ({
        %run_scoped3A_107 = tpu.sem_alloc : memref<!tpu.dma_semaphore, #tpu.memory_space<semaphore_mem>>
        %dma_start3A_108 = arith.constant 128 : i32
        %dma_start3A_109 = arith.constant 0 : i32
        %dma_start3A_110 = tpu.memref_slice %arg12[%dma_start3A_108, %dma_start3A_109] : memref<512x64xf32, #tpu.memory_space<vmem>> -> memref<128x64xf32, #tpu.memory_space<vmem>>
        %dma_start3A_111 = arith.constant 0 : i32
        %dma_start3A_112 = tpu.memref_slice %arg10[%run_scoped3A_103, %dma_start3A_111] : memref<4x128xi32, #tpu.memory_space<vmem>> -> memref<1x128xi32, #tpu.memory_space<vmem>>
        %dma_start3A_113 = tpu.memref_squeeze %dma_start3A_112 : memref<1x128xi32, #tpu.memory_space<vmem>> -> memref<128xi32, #tpu.memory_space<vmem>>
        %dma_start3A_114 = arith.constant 0 : i32
        %dma_start3A_115 = arith.constant 0 : i32
        %dma_start3A_116 = tpu.memref_slice %arg13[%dma_start3A_114, %dma_start3A_115] : memref<10240x64xf32, #tpu.memory_space<vmem_shared>> -> memref<10240x64xf32, #tpu.memory_space<vmem_shared>>
        tpu.enqueue_indirect_dma source(%dma_start3A_110 : memref<128x64xf32, #tpu.memory_space<vmem>>) target(%dma_start3A_116 : memref<10240x64xf32, #tpu.memory_space<vmem_shared>>) offsets(%dma_start3A_113 : memref<128xi32, #tpu.memory_space<vmem>>) semaphore(%run_scoped3A_107 : memref<!tpu.dma_semaphore, #tpu.memory_space<semaphore_mem>>) {add = true}
        %dma_wait3A_117 = arith.constant 128 : i32
        %dma_wait3A_118 = arith.constant 0 : i32
        %dma_wait3A_119 = tpu.memref_slice %arg12[%dma_wait3A_117, %dma_wait3A_118] : memref<512x64xf32, #tpu.memory_space<vmem>> -> memref<128x64xf32, #tpu.memory_space<vmem>>
        %dma_wait3A_120 = arith.constant 0 : i32
        %dma_wait3A_121 = tpu.memref_slice %arg10[%run_scoped3A_103, %dma_wait3A_120] : memref<4x128xi32, #tpu.memory_space<vmem>> -> memref<1x128xi32, #tpu.memory_space<vmem>>
        %dma_wait3A_122 = tpu.memref_squeeze %dma_wait3A_121 : memref<1x128xi32, #tpu.memory_space<vmem>> -> memref<128xi32, #tpu.memory_space<vmem>>
        %dma_wait3A_123 = arith.constant 0 : i32
        %dma_wait3A_124 = arith.constant 0 : i32
        %dma_wait3A_125 = tpu.memref_slice %arg13[%dma_wait3A_123, %dma_wait3A_124] : memref<10240x64xf32, #tpu.memory_space<vmem_shared>> -> memref<10240x64xf32, #tpu.memory_space<vmem_shared>>
        tpu.wait_indirect_dma semaphore(%run_scoped3A_107 : memref<!tpu.dma_semaphore, #tpu.memory_space<semaphore_mem>>) src(%dma_wait3A_119 : memref<128x64xf32, #tpu.memory_space<vmem>>) dst(%dma_wait3A_125 : memref<10240x64xf32, #tpu.memory_space<vmem_shared>>)
        tpu.yield
      }) : () -> ()
      %run_scoped3A_104 = arith.constant 2 : i32
      "tpu.region"() ({
        %run_scoped3A_107 = tpu.sem_alloc : memref<!tpu.dma_semaphore, #tpu.memory_space<semaphore_mem>>
        %dma_start3A_108 = arith.constant 256 : i32
        %dma_start3A_109 = arith.constant 0 : i32
        %dma_start3A_110 = tpu.memref_slice %arg12[%dma_start3A_108, %dma_start3A_109] : memref<512x64xf32, #tpu.memory_space<vmem>> -> memref<128x64xf32, #tpu.memory_space<vmem>>
        %dma_start3A_111 = arith.constant 0 : i32
        %dma_start3A_112 = tpu.memref_slice %arg10[%run_scoped3A_104, %dma_start3A_111] : memref<4x128xi32, #tpu.memory_space<vmem>> -> memref<1x128xi32, #tpu.memory_space<vmem>>
        %dma_start3A_113 = tpu.memref_squeeze %dma_start3A_112 : memref<1x128xi32, #tpu.memory_space<vmem>> -> memref<128xi32, #tpu.memory_space<vmem>>
        %dma_start3A_114 = arith.constant 0 : i32
        %dma_start3A_115 = arith.constant 0 : i32
        %dma_start3A_116 = tpu.memref_slice %arg13[%dma_start3A_114, %dma_start3A_115] : memref<10240x64xf32, #tpu.memory_space<vmem_shared>> -> memref<10240x64xf32, #tpu.memory_space<vmem_shared>>
        tpu.enqueue_indirect_dma source(%dma_start3A_110 : memref<128x64xf32, #tpu.memory_space<vmem>>) target(%dma_start3A_116 : memref<10240x64xf32, #tpu.memory_space<vmem_shared>>) offsets(%dma_start3A_113 : memref<128xi32, #tpu.memory_space<vmem>>) semaphore(%run_scoped3A_107 : memref<!tpu.dma_semaphore, #tpu.memory_space<semaphore_mem>>) {add = true}
        %dma_wait3A_117 = arith.constant 256 : i32
        %dma_wait3A_118 = arith.constant 0 : i32
        %dma_wait3A_119 = tpu.memref_slice %arg12[%dma_wait3A_117, %dma_wait3A_118] : memref<512x64xf32, #tpu.memory_space<vmem>> -> memref<128x64xf32, #tpu.memory_space<vmem>>
        %dma_wait3A_120 = arith.constant 0 : i32
        %dma_wait3A_121 = tpu.memref_slice %arg10[%run_scoped3A_104, %dma_wait3A_120] : memref<4x128xi32, #tpu.memory_space<vmem>> -> memref<1x128xi32, #tpu.memory_space<vmem>>
        %dma_wait3A_122 = tpu.memref_squeeze %dma_wait3A_121 : memref<1x128xi32, #tpu.memory_space<vmem>> -> memref<128xi32, #tpu.memory_space<vmem>>
        %dma_wait3A_123 = arith.constant 0 : i32
        %dma_wait3A_124 = arith.constant 0 : i32
        %dma_wait3A_125 = tpu.memref_slice %arg13[%dma_wait3A_123, %dma_wait3A_124] : memref<10240x64xf32, #tpu.memory_space<vmem_shared>> -> memref<10240x64xf32, #tpu.memory_space<vmem_shared>>
        tpu.wait_indirect_dma semaphore(%run_scoped3A_107 : memref<!tpu.dma_semaphore, #tpu.memory_space<semaphore_mem>>) src(%dma_wait3A_119 : memref<128x64xf32, #tpu.memory_space<vmem>>) dst(%dma_wait3A_125 : memref<10240x64xf32, #tpu.memory_space<vmem_shared>>)
        tpu.yield
      }) : () -> ()
      %run_scoped3A_105 = arith.constant 3 : i32
      "tpu.region"() ({
        %run_scoped3A_107 = tpu.sem_alloc : memref<!tpu.dma_semaphore, #tpu.memory_space<semaphore_mem>>
        %dma_start3A_108 = arith.constant 384 : i32
        %dma_start3A_109 = arith.constant 0 : i32
        %dma_start3A_110 = tpu.memref_slice %arg12[%dma_start3A_108, %dma_start3A_109] : memref<512x64xf32, #tpu.memory_space<vmem>> -> memref<128x64xf32, #tpu.memory_space<vmem>>
        %dma_start3A_111 = arith.constant 0 : i32
        %dma_start3A_112 = tpu.memref_slice %arg10[%run_scoped3A_105, %dma_start3A_111] : memref<4x128xi32, #tpu.memory_space<vmem>> -> memref<1x128xi32, #tpu.memory_space<vmem>>
        %dma_start3A_113 = tpu.memref_squeeze %dma_start3A_112 : memref<1x128xi32, #tpu.memory_space<vmem>> -> memref<128xi32, #tpu.memory_space<vmem>>
        %dma_start3A_114 = arith.constant 0 : i32
        %dma_start3A_115 = arith.constant 0 : i32
        %dma_start3A_116 = tpu.memref_slice %arg13[%dma_start3A_114, %dma_start3A_115] : memref<10240x64xf32, #tpu.memory_space<vmem_shared>> -> memref<10240x64xf32, #tpu.memory_space<vmem_shared>>
        tpu.enqueue_indirect_dma source(%dma_start3A_110 : memref<128x64xf32, #tpu.memory_space<vmem>>) target(%dma_start3A_116 : memref<10240x64xf32, #tpu.memory_space<vmem_shared>>) offsets(%dma_start3A_113 : memref<128xi32, #tpu.memory_space<vmem>>) semaphore(%run_scoped3A_107 : memref<!tpu.dma_semaphore, #tpu.memory_space<semaphore_mem>>) {add = true}
        %dma_wait3A_117 = arith.constant 384 : i32
        %dma_wait3A_118 = arith.constant 0 : i32
        %dma_wait3A_119 = tpu.memref_slice %arg12[%dma_wait3A_117, %dma_wait3A_118] : memref<512x64xf32, #tpu.memory_space<vmem>> -> memref<128x64xf32, #tpu.memory_space<vmem>>
        %dma_wait3A_120 = arith.constant 0 : i32
        %dma_wait3A_121 = tpu.memref_slice %arg10[%run_scoped3A_105, %dma_wait3A_120] : memref<4x128xi32, #tpu.memory_space<vmem>> -> memref<1x128xi32, #tpu.memory_space<vmem>>
        %dma_wait3A_122 = tpu.memref_squeeze %dma_wait3A_121 : memref<1x128xi32, #tpu.memory_space<vmem>> -> memref<128xi32, #tpu.memory_space<vmem>>
        %dma_wait3A_123 = arith.constant 0 : i32
        %dma_wait3A_124 = arith.constant 0 : i32
        %dma_wait3A_125 = tpu.memref_slice %arg13[%dma_wait3A_123, %dma_wait3A_124] : memref<10240x64xf32, #tpu.memory_space<vmem_shared>> -> memref<10240x64xf32, #tpu.memory_space<vmem_shared>>
        tpu.wait_indirect_dma semaphore(%run_scoped3A_107 : memref<!tpu.dma_semaphore, #tpu.memory_space<semaphore_mem>>) src(%dma_wait3A_119 : memref<128x64xf32, #tpu.memory_space<vmem>>) dst(%dma_wait3A_125 : memref<10240x64xf32, #tpu.memory_space<vmem_shared>>)
        tpu.yield
      }) : () -> ()
      %scan3A_106 = arith.constant 0 : i32
      scf.yield %scan3A_106 : i32
    }
    %scan3A_57 = arith.constant 20 : i32
    %barrier3A_58 = arith.constant 0 : index
    tpu.barrier barrier_id(%barrier3A_58)
    %mul3A_59 = arith.constant 640 : i32
    %mul3A_60 = arith.muli %arg1, %mul3A_59 : i32
    %mul3A_61 = arith.constant 10240 : i32
    %mul3A_62 = arith.muli %add3A_34, %mul3A_61 : i32
    %mul3A_63 = arith.constant 640 : i32
    %mul3A_64 = arith.muli %arg1, %mul3A_63 : i32
    %add3A_65 = arith.addi %mul3A_62, %mul3A_64 : i32
    "tpu.region"() ({
      %run_scoped3A = tpu.sem_alloc : memref<!tpu.dma_semaphore, #tpu.memory_space<semaphore_mem>>
      %dma_start3A_67 = arith.constant 0 : i32
      %dma_start3A_68 = tpu.memref_slice %arg6[%add3A_65, %dma_start3A_67] : memref<40960x64xf32, #tpu.memory_space<hbm>> -> memref<640x64xf32, #tpu.memory_space<hbm>>
      %dma_start3A_69 = arith.constant 0 : i32
      %dma_start3A_70 = tpu.memref_slice %arg13[%mul3A_60, %dma_start3A_69] : memref<10240x64xf32, #tpu.memory_space<vmem_shared>> -> memref<640x64xf32, #tpu.memory_space<vmem_shared>>
      tpu.enqueue_dma source(%dma_start3A_70 : memref<640x64xf32, #tpu.memory_space<vmem_shared>>) target(%dma_start3A_68 : memref<640x64xf32, #tpu.memory_space<hbm>>) target_semaphore(%run_scoped3A : memref<!tpu.dma_semaphore, #tpu.memory_space<semaphore_mem>>)
      %dma_wait3A = arith.constant 0 : i32
      %dma_wait3A_71 = tpu.memref_slice %arg6[%add3A_65, %dma_wait3A] : memref<40960x64xf32, #tpu.memory_space<hbm>> -> memref<640x64xf32, #tpu.memory_space<hbm>>
      %dma_wait3A_72 = arith.constant 0 : i32
      %dma_wait3A_73 = tpu.memref_slice %arg13[%mul3A_60, %dma_wait3A_72] : memref<10240x64xf32, #tpu.memory_space<vmem_shared>> -> memref<640x64xf32, #tpu.memory_space<vmem_shared>>
      tpu.wait_dma2 semaphore(%run_scoped3A : memref<!tpu.dma_semaphore, #tpu.memory_space<semaphore_mem>>) src(%dma_wait3A_73 : memref<640x64xf32, #tpu.memory_space<vmem_shared>>) dst(%dma_wait3A_71 : memref<640x64xf32, #tpu.memory_space<hbm>>)
      tpu.yield
    }) : () -> ()
    %barrier3A_66 = arith.constant 0 : index
    tpu.barrier barrier_id(%barrier3A_66)
    return
  }
}

module attributes {stable_mosaic.version = 14 : i64} {
  func.func @_tc_b0_body(%arg0: i32, %arg1: memref<2048x128xf32, #tpu.memory_space<vmem>>, %arg2: memref<128x256xf32, #tpu.memory_space<vmem>>, %arg3: memref<2048x256xf32, #tpu.memory_space<vmem>>) attributes {dimension_semantics = [#tpu.dimension_semantics<arbitrary>], iteration_bounds = array<i64: 5>, scalar_prefetch = 0 : i64, scratch_operands = 0 : i64, tpu.core_type = #tpu.core_type<tc>, window_params = [{transform_indices = @transform_0, window_bounds = array<i64: 2048, 128>}, {pipeline_mode = #tpu.pipeline_mode<synchronous>, transform_indices = @transform_1, window_bounds = array<i64: 128, 256>}, {transform_indices = @transform_2, window_bounds = array<i64: 2048, 256>}]} {
    %get3A = arith.constant 0 : index
    %get3A_0 = arith.constant 0 : index
    %get3A_1 = vector.load %arg1[%get3A, %get3A_0] : memref<2048x128xf32, #tpu.memory_space<vmem>>, vector<2048x128xf32>
    %get3A_2 = arith.constant 0 : index
    %get3A_3 = arith.constant 0 : index
    %get3A_4 = vector.load %arg2[%get3A_2, %get3A_3] : memref<128x256xf32, #tpu.memory_space<vmem>>, vector<128x256xf32>
    %dot_general3A = arith.constant dense<0.000000e+00> : vector<2048x256xf32>
    %dot_general3A_5 = tpu.matmul %get3A_1, %get3A_4, %dot_general3A {dimension_numbers = #tpu.dot_dimension_numbers<[1], [0], [0], [1], [0, 0, 1, 1], [], []>, transpose_lhs_hint = false} : vector<2048x128xf32>, vector<128x256xf32>, vector<2048x256xf32> -> vector<2048x256xf32>
    %swap3A = arith.constant 0 : index
    %swap3A_6 = arith.constant 0 : index
    %swap3A_7 = vector.load %arg3[%swap3A, %swap3A_6] : memref<2048x256xf32, #tpu.memory_space<vmem>>, vector<2048x256xf32>
    tpu.vector_store %arg3[%swap3A, %swap3A_6], %dot_general3A_5 {strides = array<i32>} : memref<2048x256xf32, #tpu.memory_space<vmem>>, vector<2048x256xf32>,
    return
  }
  func.func @transform_0(%arg0: i32) -> (i32, i32) {
    %c0_i32 = arith.constant 0 : i32
    %c0_i32_0 = arith.constant 0 : i32
    return %arg0, %c0_i32 : i32, i32
  }
  func.func @transform_1(%arg0: i32) -> (i32, i32) {
    %c0_i32 = arith.constant 0 : i32
    %c0_i32_0 = arith.constant 0 : i32
    %c0_i32_1 = arith.constant 0 : i32
    return %c0_i32, %c0_i32_0 : i32, i32
  }
  func.func @transform_2(%arg0: i32) -> (i32, i32) {
    %c0_i32 = arith.constant 0 : i32
    %c0_i32_0 = arith.constant 0 : i32
    return %arg0, %c0_i32 : i32, i32
  }
}

module attributes {stable_mosaic.version = 14 : i64} {
  func.func @_tc_b1_body(%arg0: i32, %arg1: memref<2048x256xf32, #tpu.memory_space<vmem>>, %arg2: memref<4x16x2048xf32, #tpu.memory_space<vmem>>, %arg3: memref<4x2048x64xf32, #tpu.memory_space<vmem>>, %arg4: memref<4x1x2048xf32, #tpu.memory_space<vmem>>, %arg5: memref<4x2048x64xf32, #tpu.memory_space<vmem>>) attributes {dimension_semantics = [#tpu.dimension_semantics<arbitrary>], iteration_bounds = array<i64: 5>, scalar_prefetch = 0 : i64, scratch_operands = 0 : i64, tpu.core_type = #tpu.core_type<tc>, window_params = [{transform_indices = @transform_0, window_bounds = array<i64: 2048, 256>}, {transform_indices = @transform_1, window_bounds = array<i64: 4, 16, 2048>}, {transform_indices = @transform_2, window_bounds = array<i64: 4, 2048, 64>}, {transform_indices = @transform_3, window_bounds = array<i64: 4, 1, 2048>}, {transform_indices = @transform_4, window_bounds = array<i64: 4, 2048, 64>}]} {
    %get3A = arith.constant 0 : index
    %get3A_0 = arith.constant 0 : index
    %get3A_1 = arith.constant 0 : index
    %get3A_2 = vector.load %arg2[%get3A, %get3A_0, %get3A_1] : memref<4x16x2048xf32, #tpu.memory_space<vmem>>, vector<1x16x2048xf32>
    %get3A_3 = vector.shape_cast %get3A_2 : vector<1x16x2048xf32> to vector<16x2048xf32>
    %reduce_sum3A = arith.constant dense<0.000000e+00> : vector<2048xf32>
    %reduce_sum3A_4 = vector.multi_reduction <add>, %get3A_3, %reduce_sum3A [0] : vector<16x2048xf32> to vector<2048xf32>
    %add3A = arith.constant 2.000000e+00 : f32
    %add3A_5 = vector.broadcast %add3A : f32 to vector<2048xf32>
    %add3A_6 = arith.addf %reduce_sum3A_4, %add3A_5 : vector<2048xf32>
    %rsqrt3A = math.rsqrt %add3A_6 : vector<2048xf32>
    %get3A_7 = arith.constant 0 : index
    %get3A_8 = arith.constant 0 : index
    %get3A_9 = vector.load %arg1[%get3A_7, %get3A_8] : memref<2048x256xf32, #tpu.memory_space<vmem>>, vector<2048x64xf32>
    %broadcast_in_dim3A = vector.shape_cast %rsqrt3A : vector<2048xf32> to vector<2048x1xf32>
    %mul3A = vector.broadcast %broadcast_in_dim3A : vector<2048x1xf32> to vector<2048x64xf32>
    %mul3A_10 = arith.mulf %mul3A, %get3A_9 : vector<2048x64xf32>
    %swap3A = arith.constant 0 : index
    %swap3A_11 = arith.constant 0 : index
    %swap3A_12 = arith.constant 0 : index
    %swap3A_13 = vector.load %arg3[%swap3A, %swap3A_11, %swap3A_12] : memref<4x2048x64xf32, #tpu.memory_space<vmem>>, vector<1x2048x64xf32>
    %swap3A_14 = vector.shape_cast %swap3A_13 : vector<1x2048x64xf32> to vector<2048x64xf32>
    %swap3A_15 = vector.shape_cast %mul3A_10 : vector<2048x64xf32> to vector<1x2048x64xf32>
    tpu.vector_store %arg3[%swap3A, %swap3A_11, %swap3A_12], %swap3A_15 {strides = array<i32>} : memref<4x2048x64xf32, #tpu.memory_space<vmem>>, vector<1x2048x64xf32>,
    %swap3A_16 = arith.constant 0 : index
    %swap3A_17 = arith.constant 0 : index
    %swap3A_18 = arith.constant 0 : index
    %swap3A_19 = vector.load %arg4[%swap3A_16, %swap3A_17, %swap3A_18] : memref<4x1x2048xf32, #tpu.memory_space<vmem>>, vector<1x1x2048xf32>
    %swap3A_20 = vector.shape_cast %swap3A_19 : vector<1x1x2048xf32> to vector<2048xf32>
    %swap3A_21 = vector.shape_cast %rsqrt3A : vector<2048xf32> to vector<1x1x2048xf32>
    tpu.vector_store %arg4[%swap3A_16, %swap3A_17, %swap3A_18], %swap3A_21 {strides = array<i32>} : memref<4x1x2048xf32, #tpu.memory_space<vmem>>, vector<1x1x2048xf32>,
    %mul3A_22 = arith.constant 2.000000e+00 : f32
    %mul3A_23 = vector.broadcast %mul3A_22 : f32 to vector<2048xf32>
    %mul3A_24 = arith.mulf %mul3A_23, %rsqrt3A : vector<2048xf32>
    %mul3A_25 = arith.mulf %mul3A_24, %rsqrt3A : vector<2048xf32>
    %broadcast_in_dim3A_26 = vector.shape_cast %mul3A_25 : vector<2048xf32> to vector<2048x1xf32>
    %mul3A_27 = vector.broadcast %broadcast_in_dim3A_26 : vector<2048x1xf32> to vector<2048x64xf32>
    %mul3A_28 = arith.mulf %mul3A_27, %get3A_9 : vector<2048x64xf32>
    %swap3A_29 = arith.constant 0 : index
    %swap3A_30 = arith.constant 0 : index
    %swap3A_31 = arith.constant 0 : index
    %swap3A_32 = vector.load %arg5[%swap3A_29, %swap3A_30, %swap3A_31] : memref<4x2048x64xf32, #tpu.memory_space<vmem>>, vector<1x2048x64xf32>
    %swap3A_33 = vector.shape_cast %swap3A_32 : vector<1x2048x64xf32> to vector<2048x64xf32>
    %swap3A_34 = vector.shape_cast %mul3A_28 : vector<2048x64xf32> to vector<1x2048x64xf32>
    tpu.vector_store %arg5[%swap3A_29, %swap3A_30, %swap3A_31], %swap3A_34 {strides = array<i32>} : memref<4x2048x64xf32, #tpu.memory_space<vmem>>, vector<1x2048x64xf32>,
    %get3A_35 = arith.constant 1 : index
    %get3A_36 = arith.constant 0 : index
    %get3A_37 = arith.constant 0 : index
    %get3A_38 = vector.load %arg2[%get3A_35, %get3A_36, %get3A_37] : memref<4x16x2048xf32, #tpu.memory_space<vmem>>, vector<1x16x2048xf32>
    %get3A_39 = vector.shape_cast %get3A_38 : vector<1x16x2048xf32> to vector<16x2048xf32>
    %reduce_sum3A_40 = arith.constant dense<0.000000e+00> : vector<2048xf32>
    %reduce_sum3A_41 = vector.multi_reduction <add>, %get3A_39, %reduce_sum3A_40 [0] : vector<16x2048xf32> to vector<2048xf32>
    %add3A_42 = arith.constant 2.000000e+00 : f32
    %add3A_43 = vector.broadcast %add3A_42 : f32 to vector<2048xf32>
    %add3A_44 = arith.addf %reduce_sum3A_41, %add3A_43 : vector<2048xf32>
    %rsqrt3A_45 = math.rsqrt %add3A_44 : vector<2048xf32>
    %get3A_46 = arith.constant 0 : index
    %get3A_47 = arith.constant 64 : index
    %get3A_48 = vector.load %arg1[%get3A_46, %get3A_47] : memref<2048x256xf32, #tpu.memory_space<vmem>>, vector<2048x64xf32>
    %broadcast_in_dim3A_49 = vector.shape_cast %rsqrt3A_45 : vector<2048xf32> to vector<2048x1xf32>
    %mul3A_50 = vector.broadcast %broadcast_in_dim3A_49 : vector<2048x1xf32> to vector<2048x64xf32>
    %mul3A_51 = arith.mulf %mul3A_50, %get3A_48 : vector<2048x64xf32>
    %swap3A_52 = arith.constant 1 : index
    %swap3A_53 = arith.constant 0 : index
    %swap3A_54 = arith.constant 0 : index
    %swap3A_55 = vector.load %arg3[%swap3A_52, %swap3A_53, %swap3A_54] : memref<4x2048x64xf32, #tpu.memory_space<vmem>>, vector<1x2048x64xf32>
    %swap3A_56 = vector.shape_cast %swap3A_55 : vector<1x2048x64xf32> to vector<2048x64xf32>
    %swap3A_57 = vector.shape_cast %mul3A_51 : vector<2048x64xf32> to vector<1x2048x64xf32>
    tpu.vector_store %arg3[%swap3A_52, %swap3A_53, %swap3A_54], %swap3A_57 {strides = array<i32>} : memref<4x2048x64xf32, #tpu.memory_space<vmem>>, vector<1x2048x64xf32>,
    %swap3A_58 = arith.constant 1 : index
    %swap3A_59 = arith.constant 0 : index
    %swap3A_60 = arith.constant 0 : index
    %swap3A_61 = vector.load %arg4[%swap3A_58, %swap3A_59, %swap3A_60] : memref<4x1x2048xf32, #tpu.memory_space<vmem>>, vector<1x1x2048xf32>
    %swap3A_62 = vector.shape_cast %swap3A_61 : vector<1x1x2048xf32> to vector<2048xf32>
    %swap3A_63 = vector.shape_cast %rsqrt3A_45 : vector<2048xf32> to vector<1x1x2048xf32>
    tpu.vector_store %arg4[%swap3A_58, %swap3A_59, %swap3A_60], %swap3A_63 {strides = array<i32>} : memref<4x1x2048xf32, #tpu.memory_space<vmem>>, vector<1x1x2048xf32>,
    %mul3A_64 = arith.constant 2.000000e+00 : f32
    %mul3A_65 = vector.broadcast %mul3A_64 : f32 to vector<2048xf32>
    %mul3A_66 = arith.mulf %mul3A_65, %rsqrt3A_45 : vector<2048xf32>
    %mul3A_67 = arith.mulf %mul3A_66, %rsqrt3A_45 : vector<2048xf32>
    %broadcast_in_dim3A_68 = vector.shape_cast %mul3A_67 : vector<2048xf32> to vector<2048x1xf32>
    %mul3A_69 = vector.broadcast %broadcast_in_dim3A_68 : vector<2048x1xf32> to vector<2048x64xf32>
    %mul3A_70 = arith.mulf %mul3A_69, %get3A_48 : vector<2048x64xf32>
    %swap3A_71 = arith.constant 1 : index
    %swap3A_72 = arith.constant 0 : index
    %swap3A_73 = arith.constant 0 : index
    %swap3A_74 = vector.load %arg5[%swap3A_71, %swap3A_72, %swap3A_73] : memref<4x2048x64xf32, #tpu.memory_space<vmem>>, vector<1x2048x64xf32>
    %swap3A_75 = vector.shape_cast %swap3A_74 : vector<1x2048x64xf32> to vector<2048x64xf32>
    %swap3A_76 = vector.shape_cast %mul3A_70 : vector<2048x64xf32> to vector<1x2048x64xf32>
    tpu.vector_store %arg5[%swap3A_71, %swap3A_72, %swap3A_73], %swap3A_76 {strides = array<i32>} : memref<4x2048x64xf32, #tpu.memory_space<vmem>>, vector<1x2048x64xf32>,
    %get3A_77 = arith.constant 2 : index
    %get3A_78 = arith.constant 0 : index
    %get3A_79 = arith.constant 0 : index
    %get3A_80 = vector.load %arg2[%get3A_77, %get3A_78, %get3A_79] : memref<4x16x2048xf32, #tpu.memory_space<vmem>>, vector<1x16x2048xf32>
    %get3A_81 = vector.shape_cast %get3A_80 : vector<1x16x2048xf32> to vector<16x2048xf32>
    %reduce_sum3A_82 = arith.constant dense<0.000000e+00> : vector<2048xf32>
    %reduce_sum3A_83 = vector.multi_reduction <add>, %get3A_81, %reduce_sum3A_82 [0] : vector<16x2048xf32> to vector<2048xf32>
    %add3A_84 = arith.constant 2.000000e+00 : f32
    %add3A_85 = vector.broadcast %add3A_84 : f32 to vector<2048xf32>
    %add3A_86 = arith.addf %reduce_sum3A_83, %add3A_85 : vector<2048xf32>
    %rsqrt3A_87 = math.rsqrt %add3A_86 : vector<2048xf32>
    %get3A_88 = arith.constant 0 : index
    %get3A_89 = arith.constant 128 : index
    %get3A_90 = vector.load %arg1[%get3A_88, %get3A_89] : memref<2048x256xf32, #tpu.memory_space<vmem>>, vector<2048x64xf32>
    %broadcast_in_dim3A_91 = vector.shape_cast %rsqrt3A_87 : vector<2048xf32> to vector<2048x1xf32>
    %mul3A_92 = vector.broadcast %broadcast_in_dim3A_91 : vector<2048x1xf32> to vector<2048x64xf32>
    %mul3A_93 = arith.mulf %mul3A_92, %get3A_90 : vector<2048x64xf32>
    %swap3A_94 = arith.constant 2 : index
    %swap3A_95 = arith.constant 0 : index
    %swap3A_96 = arith.constant 0 : index
    %swap3A_97 = vector.load %arg3[%swap3A_94, %swap3A_95, %swap3A_96] : memref<4x2048x64xf32, #tpu.memory_space<vmem>>, vector<1x2048x64xf32>
    %swap3A_98 = vector.shape_cast %swap3A_97 : vector<1x2048x64xf32> to vector<2048x64xf32>
    %swap3A_99 = vector.shape_cast %mul3A_93 : vector<2048x64xf32> to vector<1x2048x64xf32>
    tpu.vector_store %arg3[%swap3A_94, %swap3A_95, %swap3A_96], %swap3A_99 {strides = array<i32>} : memref<4x2048x64xf32, #tpu.memory_space<vmem>>, vector<1x2048x64xf32>,
    %swap3A_100 = arith.constant 2 : index
    %swap3A_101 = arith.constant 0 : index
    %swap3A_102 = arith.constant 0 : index
    %swap3A_103 = vector.load %arg4[%swap3A_100, %swap3A_101, %swap3A_102] : memref<4x1x2048xf32, #tpu.memory_space<vmem>>, vector<1x1x2048xf32>
    %swap3A_104 = vector.shape_cast %swap3A_103 : vector<1x1x2048xf32> to vector<2048xf32>
    %swap3A_105 = vector.shape_cast %rsqrt3A_87 : vector<2048xf32> to vector<1x1x2048xf32>
    tpu.vector_store %arg4[%swap3A_100, %swap3A_101, %swap3A_102], %swap3A_105 {strides = array<i32>} : memref<4x1x2048xf32, #tpu.memory_space<vmem>>, vector<1x1x2048xf32>,
    %mul3A_106 = arith.constant 2.000000e+00 : f32
    %mul3A_107 = vector.broadcast %mul3A_106 : f32 to vector<2048xf32>
    %mul3A_108 = arith.mulf %mul3A_107, %rsqrt3A_87 : vector<2048xf32>
    %mul3A_109 = arith.mulf %mul3A_108, %rsqrt3A_87 : vector<2048xf32>
    %broadcast_in_dim3A_110 = vector.shape_cast %mul3A_109 : vector<2048xf32> to vector<2048x1xf32>
    %mul3A_111 = vector.broadcast %broadcast_in_dim3A_110 : vector<2048x1xf32> to vector<2048x64xf32>
    %mul3A_112 = arith.mulf %mul3A_111, %get3A_90 : vector<2048x64xf32>
    %swap3A_113 = arith.constant 2 : index
    %swap3A_114 = arith.constant 0 : index
    %swap3A_115 = arith.constant 0 : index
    %swap3A_116 = vector.load %arg5[%swap3A_113, %swap3A_114, %swap3A_115] : memref<4x2048x64xf32, #tpu.memory_space<vmem>>, vector<1x2048x64xf32>
    %swap3A_117 = vector.shape_cast %swap3A_116 : vector<1x2048x64xf32> to vector<2048x64xf32>
    %swap3A_118 = vector.shape_cast %mul3A_112 : vector<2048x64xf32> to vector<1x2048x64xf32>
    tpu.vector_store %arg5[%swap3A_113, %swap3A_114, %swap3A_115], %swap3A_118 {strides = array<i32>} : memref<4x2048x64xf32, #tpu.memory_space<vmem>>, vector<1x2048x64xf32>,
    %get3A_119 = arith.constant 3 : index
    %get3A_120 = arith.constant 0 : index
    %get3A_121 = arith.constant 0 : index
    %get3A_122 = vector.load %arg2[%get3A_119, %get3A_120, %get3A_121] : memref<4x16x2048xf32, #tpu.memory_space<vmem>>, vector<1x16x2048xf32>
    %get3A_123 = vector.shape_cast %get3A_122 : vector<1x16x2048xf32> to vector<16x2048xf32>
    %reduce_sum3A_124 = arith.constant dense<0.000000e+00> : vector<2048xf32>
    %reduce_sum3A_125 = vector.multi_reduction <add>, %get3A_123, %reduce_sum3A_124 [0] : vector<16x2048xf32> to vector<2048xf32>
    %add3A_126 = arith.constant 2.000000e+00 : f32
    %add3A_127 = vector.broadcast %add3A_126 : f32 to vector<2048xf32>
    %add3A_128 = arith.addf %reduce_sum3A_125, %add3A_127 : vector<2048xf32>
    %rsqrt3A_129 = math.rsqrt %add3A_128 : vector<2048xf32>
    %get3A_130 = arith.constant 0 : index
    %get3A_131 = arith.constant 192 : index
    %get3A_132 = vector.load %arg1[%get3A_130, %get3A_131] : memref<2048x256xf32, #tpu.memory_space<vmem>>, vector<2048x64xf32>
    %broadcast_in_dim3A_133 = vector.shape_cast %rsqrt3A_129 : vector<2048xf32> to vector<2048x1xf32>
    %mul3A_134 = vector.broadcast %broadcast_in_dim3A_133 : vector<2048x1xf32> to vector<2048x64xf32>
    %mul3A_135 = arith.mulf %mul3A_134, %get3A_132 : vector<2048x64xf32>
    %swap3A_136 = arith.constant 3 : index
    %swap3A_137 = arith.constant 0 : index
    %swap3A_138 = arith.constant 0 : index
    %swap3A_139 = vector.load %arg3[%swap3A_136, %swap3A_137, %swap3A_138] : memref<4x2048x64xf32, #tpu.memory_space<vmem>>, vector<1x2048x64xf32>
    %swap3A_140 = vector.shape_cast %swap3A_139 : vector<1x2048x64xf32> to vector<2048x64xf32>
    %swap3A_141 = vector.shape_cast %mul3A_135 : vector<2048x64xf32> to vector<1x2048x64xf32>
    tpu.vector_store %arg3[%swap3A_136, %swap3A_137, %swap3A_138], %swap3A_141 {strides = array<i32>} : memref<4x2048x64xf32, #tpu.memory_space<vmem>>, vector<1x2048x64xf32>,
    %swap3A_142 = arith.constant 3 : index
    %swap3A_143 = arith.constant 0 : index
    %swap3A_144 = arith.constant 0 : index
    %swap3A_145 = vector.load %arg4[%swap3A_142, %swap3A_143, %swap3A_144] : memref<4x1x2048xf32, #tpu.memory_space<vmem>>, vector<1x1x2048xf32>
    %swap3A_146 = vector.shape_cast %swap3A_145 : vector<1x1x2048xf32> to vector<2048xf32>
    %swap3A_147 = vector.shape_cast %rsqrt3A_129 : vector<2048xf32> to vector<1x1x2048xf32>
    tpu.vector_store %arg4[%swap3A_142, %swap3A_143, %swap3A_144], %swap3A_147 {strides = array<i32>} : memref<4x1x2048xf32, #tpu.memory_space<vmem>>, vector<1x1x2048xf32>,
    %mul3A_148 = arith.constant 2.000000e+00 : f32
    %mul3A_149 = vector.broadcast %mul3A_148 : f32 to vector<2048xf32>
    %mul3A_150 = arith.mulf %mul3A_149, %rsqrt3A_129 : vector<2048xf32>
    %mul3A_151 = arith.mulf %mul3A_150, %rsqrt3A_129 : vector<2048xf32>
    %broadcast_in_dim3A_152 = vector.shape_cast %mul3A_151 : vector<2048xf32> to vector<2048x1xf32>
    %mul3A_153 = vector.broadcast %broadcast_in_dim3A_152 : vector<2048x1xf32> to vector<2048x64xf32>
    %mul3A_154 = arith.mulf %mul3A_153, %get3A_132 : vector<2048x64xf32>
    %swap3A_155 = arith.constant 3 : index
    %swap3A_156 = arith.constant 0 : index
    %swap3A_157 = arith.constant 0 : index
    %swap3A_158 = vector.load %arg5[%swap3A_155, %swap3A_156, %swap3A_157] : memref<4x2048x64xf32, #tpu.memory_space<vmem>>, vector<1x2048x64xf32>
    %swap3A_159 = vector.shape_cast %swap3A_158 : vector<1x2048x64xf32> to vector<2048x64xf32>
    %swap3A_160 = vector.shape_cast %mul3A_154 : vector<2048x64xf32> to vector<1x2048x64xf32>
    tpu.vector_store %arg5[%swap3A_155, %swap3A_156, %swap3A_157], %swap3A_160 {strides = array<i32>} : memref<4x2048x64xf32, #tpu.memory_space<vmem>>, vector<1x2048x64xf32>,
    return
  }
  func.func @transform_0(%arg0: i32) -> (i32, i32) {
    %c0_i32 = arith.constant 0 : i32
    %c0_i32_0 = arith.constant 0 : i32
    return %arg0, %c0_i32 : i32, i32
  }
  func.func @transform_1(%arg0: i32) -> (i32, i32, i32) {
    %c0_i32 = arith.constant 0 : i32
    %c0_i32_0 = arith.constant 0 : i32
    %c0_i32_1 = arith.constant 0 : i32
    return %c0_i32, %c0_i32_0, %arg0 : i32, i32, i32
  }
  func.func @transform_2(%arg0: i32) -> (i32, i32, i32) {
    %c0_i32 = arith.constant 0 : i32
    %c0_i32_0 = arith.constant 0 : i32
    %c0_i32_1 = arith.constant 0 : i32
    return %c0_i32, %arg0, %c0_i32_0 : i32, i32, i32
  }
  func.func @transform_3(%arg0: i32) -> (i32, i32, i32) {
    %c0_i32 = arith.constant 0 : i32
    %c0_i32_0 = arith.constant 0 : i32
    %c0_i32_1 = arith.constant 0 : i32
    return %c0_i32, %c0_i32_0, %arg0 : i32, i32, i32
  }
  func.func @transform_4(%arg0: i32) -> (i32, i32, i32) {
    %c0_i32 = arith.constant 0 : i32
    %c0_i32_0 = arith.constant 0 : i32
    %c0_i32_1 = arith.constant 0 : i32
    return %c0_i32, %arg0, %c0_i32_0 : i32, i32, i32
  }
}

module attributes {stable_mosaic.version = 14 : i64} {
  func.func @_tc_c1_body(%arg0: i32, %arg1: i32, %arg2: memref<1x2048x64xf32, #tpu.memory_space<vmem>>, %arg3: memref<1x1x2048xf32, #tpu.memory_space<vmem>>, %arg4: memref<1x2048x64xf32, #tpu.memory_space<vmem>>, %arg5: memref<1x1x64xf32, #tpu.memory_space<vmem>>, %arg6: memref<1x1x64xf32, #tpu.memory_space<vmem>>, %arg7: memref<1x1x64xf32, #tpu.memory_space<vmem>>) attributes {dimension_semantics = [#tpu.dimension_semantics<arbitrary>, #tpu.dimension_semantics<arbitrary>], iteration_bounds = array<i64: 4, 5>, scalar_prefetch = 0 : i64, scratch_operands = 0 : i64, tpu.core_type = #tpu.core_type<tc>, window_params = [{transform_indices = @transform_0, window_bounds = array<i64: 1, 2048, 64>}, {transform_indices = @transform_1, window_bounds = array<i64: 1, 1, 2048>}, {transform_indices = @transform_2, window_bounds = array<i64: 1, 2048, 64>}, {transform_indices = @transform_3, window_bounds = array<i64: 1, 1, 64>}, {transform_indices = @transform_4, window_bounds = array<i64: 1, 1, 64>}, {transform_indices = @transform_5, window_bounds = array<i64: 1, 1, 64>}]} {
    %get3A = arith.constant 0 : index
    %get3A_0 = arith.constant 0 : index
    %get3A_1 = arith.constant 0 : index
    %get3A_2 = vector.load %arg3[%get3A, %get3A_0, %get3A_1] : memref<1x1x2048xf32, #tpu.memory_space<vmem>>, vector<1x1x2048xf32>
    %get3A_3 = vector.shape_cast %get3A_2 : vector<1x1x2048xf32> to vector<2048xf32>
    %broadcast_in_dim3A = vector.shape_cast %get3A_3 : vector<2048xf32> to vector<2048x1xf32>
    %get3A_4 = arith.constant 0 : index
    %get3A_5 = arith.constant 0 : index
    %get3A_6 = arith.constant 0 : index
    %get3A_7 = vector.load %arg2[%get3A_4, %get3A_5, %get3A_6] : memref<1x2048x64xf32, #tpu.memory_space<vmem>>, vector<1x2048x64xf32>
    %get3A_8 = vector.shape_cast %get3A_7 : vector<1x2048x64xf32> to vector<2048x64xf32>
    %mul3A = vector.broadcast %broadcast_in_dim3A : vector<2048x1xf32> to vector<2048x64xf32>
    %mul3A_9 = arith.mulf %mul3A, %get3A_8 : vector<2048x64xf32>
    %get3A_10 = arith.constant 0 : index
    %get3A_11 = arith.constant 0 : index
    %get3A_12 = arith.constant 0 : index
    %get3A_13 = vector.load %arg4[%get3A_10, %get3A_11, %get3A_12] : memref<1x2048x64xf32, #tpu.memory_space<vmem>>, vector<1x2048x64xf32>
    %get3A_14 = vector.shape_cast %get3A_13 : vector<1x2048x64xf32> to vector<2048x64xf32>
    %add3A = arith.addf %mul3A_9, %get3A_14 : vector<2048x64xf32>
    %get3A_15 = arith.constant 0 : index
    %get3A_16 = arith.constant 0 : index
    %get3A_17 = arith.constant 0 : index
    %get3A_18 = vector.load %arg5[%get3A_15, %get3A_16, %get3A_17] : memref<1x1x64xf32, #tpu.memory_space<vmem>>, vector<1x1x64xf32>
    %get3A_19 = vector.shape_cast %get3A_18 : vector<1x1x64xf32> to vector<64xf32>
    %broadcast_in_dim3A_20 = vector.shape_cast %get3A_19 : vector<64xf32> to vector<1x64xf32>
    %add3A_21 = vector.broadcast %broadcast_in_dim3A_20 : vector<1x64xf32> to vector<2048x64xf32>
    %add3A_22 = arith.addf %add3A, %add3A_21 : vector<2048x64xf32>
    %max3A = arith.constant 0.000000e+00 : f32
    %max3A_23 = vector.broadcast %max3A : f32 to vector<2048x64xf32>
    %max3A_24 = arith.maximumf %add3A_22, %max3A_23 : vector<2048x64xf32>
    %iota3A = tpu.iota {dimensions = array<i32: 0>} : vector<2048x1xi32>
    %mul3A_25 = arith.constant 2048 : i32
    %mul3A_26 = arith.muli %arg1, %mul3A_25 : i32
    %add3A_27 = vector.broadcast %mul3A_26 : i32 to vector<2048x1xi32>
    %add3A_28 = arith.addi %iota3A, %add3A_27 : vector<2048x1xi32>
    %lt3A = arith.constant 10000 : i32
    %lt3A_29 = vector.broadcast %lt3A : i32 to vector<2048x1xi32>
    %lt3A_30 = arith.cmpi slt, %add3A_28, %lt3A_29 : vector<2048x1xi32>
    %convert_element_type3A = arith.extui %lt3A_30 : vector<2048x1xi1> to vector<2048x1xi32>
    %convert_element_type3A_31 = arith.sitofp %convert_element_type3A : vector<2048x1xi32> to vector<2048x1xf32>
    %mul3A_32 = vector.broadcast %convert_element_type3A_31 : vector<2048x1xf32> to vector<2048x64xf32>
    %mul3A_33 = arith.mulf %max3A_24, %mul3A_32 : vector<2048x64xf32>
    %eq3A = arith.constant 0 : i32
    %eq3A_34 = arith.cmpi eq, %arg1, %eq3A : i32
    %convert_element_type3A_35 = arith.extui %eq3A_34 : i1 to i32
    %cond3A = arith.constant 0 : i32
    %cond3A_36 = arith.cmpi ne, %convert_element_type3A_35, %cond3A : i32
    scf.if %cond3A_36 {
      %broadcast_in_dim3A_64 = arith.constant 0.000000e+00 : f32
      %broadcast_in_dim3A_65 = vector.broadcast %broadcast_in_dim3A_64 : f32 to vector<1x1x64xf32>
      %swap3A_66 = arith.constant 0 : index
      %swap3A_67 = arith.constant 0 : index
      %swap3A_68 = arith.constant 0 : index
      %swap3A_69 = vector.load %arg6[%swap3A_66, %swap3A_67, %swap3A_68] : memref<1x1x64xf32, #tpu.memory_space<vmem>>, vector<1x1x64xf32>
      tpu.vector_store %arg6[%swap3A_66, %swap3A_67, %swap3A_68], %broadcast_in_dim3A_65 {strides = array<i32>} : memref<1x1x64xf32, #tpu.memory_space<vmem>>, vector<1x1x64xf32>,
      %broadcast_in_dim3A_70 = arith.constant 0.000000e+00 : f32
      %broadcast_in_dim3A_71 = vector.broadcast %broadcast_in_dim3A_70 : f32 to vector<1x1x64xf32>
      %swap3A_72 = arith.constant 0 : index
      %swap3A_73 = arith.constant 0 : index
      %swap3A_74 = arith.constant 0 : index
      %swap3A_75 = vector.load %arg7[%swap3A_72, %swap3A_73, %swap3A_74] : memref<1x1x64xf32, #tpu.memory_space<vmem>>, vector<1x1x64xf32>
      tpu.vector_store %arg7[%swap3A_72, %swap3A_73, %swap3A_74], %broadcast_in_dim3A_71 {strides = array<i32>} : memref<1x1x64xf32, #tpu.memory_space<vmem>>, vector<1x1x64xf32>,
    } else {
    }
    %get3A_37 = arith.constant 0 : index
    %get3A_38 = arith.constant 0 : index
    %get3A_39 = arith.constant 0 : index
    %get3A_40 = vector.load %arg6[%get3A_37, %get3A_38, %get3A_39] : memref<1x1x64xf32, #tpu.memory_space<vmem>>, vector<1x1x64xf32>
    %get3A_41 = vector.shape_cast %get3A_40 : vector<1x1x64xf32> to vector<64xf32>
    %reduce_sum3A = arith.constant dense<0.000000e+00> : vector<64xf32>
    %reduce_sum3A_42 = vector.multi_reduction <add>, %mul3A_33, %reduce_sum3A [0] : vector<2048x64xf32> to vector<64xf32>
    %add3A_43 = arith.addf %get3A_41, %reduce_sum3A_42 : vector<64xf32>
    %swap3A = arith.constant 0 : index
    %swap3A_44 = arith.constant 0 : index
    %swap3A_45 = arith.constant 0 : index
    %swap3A_46 = vector.load %arg6[%swap3A, %swap3A_44, %swap3A_45] : memref<1x1x64xf32, #tpu.memory_space<vmem>>, vector<1x1x64xf32>
    %swap3A_47 = vector.shape_cast %swap3A_46 : vector<1x1x64xf32> to vector<64xf32>
    %swap3A_48 = vector.shape_cast %add3A_43 : vector<64xf32> to vector<1x1x64xf32>
    tpu.vector_store %arg6[%swap3A, %swap3A_44, %swap3A_45], %swap3A_48 {strides = array<i32>} : memref<1x1x64xf32, #tpu.memory_space<vmem>>, vector<1x1x64xf32>,
    %get3A_49 = arith.constant 0 : index
    %get3A_50 = arith.constant 0 : index
    %get3A_51 = arith.constant 0 : index
    %get3A_52 = vector.load %arg7[%get3A_49, %get3A_50, %get3A_51] : memref<1x1x64xf32, #tpu.memory_space<vmem>>, vector<1x1x64xf32>
    %get3A_53 = vector.shape_cast %get3A_52 : vector<1x1x64xf32> to vector<64xf32>
    %mul3A_54 = arith.mulf %mul3A_33, %max3A_24 : vector<2048x64xf32>
    %reduce_sum3A_55 = arith.constant dense<0.000000e+00> : vector<64xf32>
    %reduce_sum3A_56 = vector.multi_reduction <add>, %mul3A_54, %reduce_sum3A_55 [0] : vector<2048x64xf32> to vector<64xf32>
    %add3A_57 = arith.addf %get3A_53, %reduce_sum3A_56 : vector<64xf32>
    %swap3A_58 = arith.constant 0 : index
    %swap3A_59 = arith.constant 0 : index
    %swap3A_60 = arith.constant 0 : index
    %swap3A_61 = vector.load %arg7[%swap3A_58, %swap3A_59, %swap3A_60] : memref<1x1x64xf32, #tpu.memory_space<vmem>>, vector<1x1x64xf32>
    %swap3A_62 = vector.shape_cast %swap3A_61 : vector<1x1x64xf32> to vector<64xf32>
    %swap3A_63 = vector.shape_cast %add3A_57 : vector<64xf32> to vector<1x1x64xf32>
    tpu.vector_store %arg7[%swap3A_58, %swap3A_59, %swap3A_60], %swap3A_63 {strides = array<i32>} : memref<1x1x64xf32, #tpu.memory_space<vmem>>, vector<1x1x64xf32>,
    return
  }
  func.func @transform_0(%arg0: i32, %arg1: i32) -> (i32, i32, i32) {
    %c0_i32 = arith.constant 0 : i32
    %c0_i32_0 = arith.constant 0 : i32
    return %arg0, %arg1, %c0_i32 : i32, i32, i32
  }
  func.func @transform_1(%arg0: i32, %arg1: i32) -> (i32, i32, i32) {
    %c0_i32 = arith.constant 0 : i32
    %c0_i32_0 = arith.constant 0 : i32
    return %arg0, %c0_i32, %arg1 : i32, i32, i32
  }
  func.func @transform_2(%arg0: i32, %arg1: i32) -> (i32, i32, i32) {
    %c0_i32 = arith.constant 0 : i32
    %c0_i32_0 = arith.constant 0 : i32
    return %arg0, %arg1, %c0_i32 : i32, i32, i32
  }
  func.func @transform_3(%arg0: i32, %arg1: i32) -> (i32, i32, i32) {
    %c0_i32 = arith.constant 0 : i32
    %c0_i32_0 = arith.constant 0 : i32
    %c0_i32_1 = arith.constant 0 : i32
    return %arg0, %c0_i32, %c0_i32_0 : i32, i32, i32
  }
  func.func @transform_4(%arg0: i32, %arg1: i32) -> (i32, i32, i32) {
    %c0_i32 = arith.constant 0 : i32
    %c0_i32_0 = arith.constant 0 : i32
    %c0_i32_1 = arith.constant 0 : i32
    return %arg0, %c0_i32, %c0_i32_0 : i32, i32, i32
  }
  func.func @transform_5(%arg0: i32, %arg1: i32) -> (i32, i32, i32) {
    %c0_i32 = arith.constant 0 : i32
    %c0_i32_0 = arith.constant 0 : i32
    %c0_i32_1 = arith.constant 0 : i32
    return %arg0, %c0_i32, %c0_i32_0 : i32, i32, i32
  }
}

module attributes {stable_mosaic.version = 14 : i64} {
  func.func @_tc_c2_body(%arg0: i32, %arg1: i32, %arg2: memref<1x2048x64xf32, #tpu.memory_space<vmem>>, %arg3: memref<1x1x2048xf32, #tpu.memory_space<vmem>>, %arg4: memref<1x2048x64xf32, #tpu.memory_space<vmem>>, %arg5: memref<1x1x64xf32, #tpu.memory_space<vmem>>, %arg6: memref<1x1x64xf32, #tpu.memory_space<vmem>>, %arg7: memref<1x1x64xf32, #tpu.memory_space<vmem>>, %arg8: memref<1x64x8xf32, #tpu.memory_space<vmem>>, %arg9: memref<1x1x64xf32, #tpu.memory_space<vmem>>, %arg10: memref<1x1x64xf32, #tpu.memory_space<vmem>>, %arg11: memref<1x2048x8xf32, #tpu.memory_space<vmem>>, %arg12: memref<1x2048x8xf32, #tpu.memory_space<vmem>>) attributes {dimension_semantics = [#tpu.dimension_semantics<arbitrary>, #tpu.dimension_semantics<arbitrary>], iteration_bounds = array<i64: 4, 5>, scalar_prefetch = 0 : i64, scratch_operands = 0 : i64, tpu.core_type = #tpu.core_type<tc>, window_params = [{transform_indices = @transform_0, window_bounds = array<i64: 1, 2048, 64>}, {transform_indices = @transform_1, window_bounds = array<i64: 1, 1, 2048>}, {transform_indices = @transform_2, window_bounds = array<i64: 1, 2048, 64>}, {transform_indices = @transform_3, window_bounds = array<i64: 1, 1, 64>}, {transform_indices = @transform_4, window_bounds = array<i64: 1, 1, 64>}, {transform_indices = @transform_5, window_bounds = array<i64: 1, 1, 64>}, {transform_indices = @transform_6, window_bounds = array<i64: 1, 64, 8>}, {transform_indices = @transform_7, window_bounds = array<i64: 1, 1, 64>}, {transform_indices = @transform_8, window_bounds = array<i64: 1, 1, 64>}, {transform_indices = @transform_9, window_bounds = array<i64: 1, 2048, 8>}, {transform_indices = @transform_10, window_bounds = array<i64: 1, 2048, 8>}]} {
    %get3A = arith.constant 0 : index
    %get3A_0 = arith.constant 0 : index
    %get3A_1 = arith.constant 0 : index
    %get3A_2 = vector.load %arg3[%get3A, %get3A_0, %get3A_1] : memref<1x1x2048xf32, #tpu.memory_space<vmem>>, vector<1x1x2048xf32>
    %get3A_3 = vector.shape_cast %get3A_2 : vector<1x1x2048xf32> to vector<2048xf32>
    %broadcast_in_dim3A = vector.shape_cast %get3A_3 : vector<2048xf32> to vector<2048x1xf32>
    %get3A_4 = arith.constant 0 : index
    %get3A_5 = arith.constant 0 : index
    %get3A_6 = arith.constant 0 : index
    %get3A_7 = vector.load %arg2[%get3A_4, %get3A_5, %get3A_6] : memref<1x2048x64xf32, #tpu.memory_space<vmem>>, vector<1x2048x64xf32>
    %get3A_8 = vector.shape_cast %get3A_7 : vector<1x2048x64xf32> to vector<2048x64xf32>
    %mul3A = vector.broadcast %broadcast_in_dim3A : vector<2048x1xf32> to vector<2048x64xf32>
    %mul3A_9 = arith.mulf %mul3A, %get3A_8 : vector<2048x64xf32>
    %get3A_10 = arith.constant 0 : index
    %get3A_11 = arith.constant 0 : index
    %get3A_12 = arith.constant 0 : index
    %get3A_13 = vector.load %arg4[%get3A_10, %get3A_11, %get3A_12] : memref<1x2048x64xf32, #tpu.memory_space<vmem>>, vector<1x2048x64xf32>
    %get3A_14 = vector.shape_cast %get3A_13 : vector<1x2048x64xf32> to vector<2048x64xf32>
    %add3A = arith.addf %mul3A_9, %get3A_14 : vector<2048x64xf32>
    %get3A_15 = arith.constant 0 : index
    %get3A_16 = arith.constant 0 : index
    %get3A_17 = arith.constant 0 : index
    %get3A_18 = vector.load %arg5[%get3A_15, %get3A_16, %get3A_17] : memref<1x1x64xf32, #tpu.memory_space<vmem>>, vector<1x1x64xf32>
    %get3A_19 = vector.shape_cast %get3A_18 : vector<1x1x64xf32> to vector<64xf32>
    %broadcast_in_dim3A_20 = vector.shape_cast %get3A_19 : vector<64xf32> to vector<1x64xf32>
    %add3A_21 = vector.broadcast %broadcast_in_dim3A_20 : vector<1x64xf32> to vector<2048x64xf32>
    %add3A_22 = arith.addf %add3A, %add3A_21 : vector<2048x64xf32>
    %max3A = arith.constant 0.000000e+00 : f32
    %max3A_23 = vector.broadcast %max3A : f32 to vector<2048x64xf32>
    %max3A_24 = arith.maximumf %add3A_22, %max3A_23 : vector<2048x64xf32>
    %get3A_25 = arith.constant 0 : index
    %get3A_26 = arith.constant 0 : index
    %get3A_27 = arith.constant 0 : index
    %get3A_28 = vector.load %arg9[%get3A_25, %get3A_26, %get3A_27] : memref<1x1x64xf32, #tpu.memory_space<vmem>>, vector<1x1x64xf32>
    %get3A_29 = vector.shape_cast %get3A_28 : vector<1x1x64xf32> to vector<64xf32>
    %div3A = arith.constant 1.000000e+04 : f32
    %div3A_30 = vector.broadcast %div3A : f32 to vector<64xf32>
    %div3A_31 = arith.divf %get3A_29, %div3A_30 : vector<64xf32>
    %get3A_32 = arith.constant 0 : index
    %get3A_33 = arith.constant 0 : index
    %get3A_34 = arith.constant 0 : index
    %get3A_35 = vector.load %arg10[%get3A_32, %get3A_33, %get3A_34] : memref<1x1x64xf32, #tpu.memory_space<vmem>>, vector<1x1x64xf32>
    %get3A_36 = vector.shape_cast %get3A_35 : vector<1x1x64xf32> to vector<64xf32>
    %div3A_37 = arith.constant 1.000000e+04 : f32
    %div3A_38 = vector.broadcast %div3A_37 : f32 to vector<64xf32>
    %div3A_39 = arith.divf %get3A_36, %div3A_38 : vector<64xf32>
    %mul3A_40 = arith.mulf %div3A_31, %div3A_31 : vector<64xf32>
    %sub3A = arith.subf %div3A_39, %mul3A_40 : vector<64xf32>
    %add3A_41 = arith.constant 9.99999974E-6 : f32
    %add3A_42 = vector.broadcast %add3A_41 : f32 to vector<64xf32>
    %add3A_43 = arith.addf %sub3A, %add3A_42 : vector<64xf32>
    %rsqrt3A = math.rsqrt %add3A_43 : vector<64xf32>
    %get3A_44 = arith.constant 0 : index
    %get3A_45 = arith.constant 0 : index
    %get3A_46 = arith.constant 0 : index
    %get3A_47 = vector.load %arg6[%get3A_44, %get3A_45, %get3A_46] : memref<1x1x64xf32, #tpu.memory_space<vmem>>, vector<1x1x64xf32>
    %get3A_48 = vector.shape_cast %get3A_47 : vector<1x1x64xf32> to vector<64xf32>
    %mul3A_49 = arith.mulf %rsqrt3A, %get3A_48 : vector<64xf32>
    %broadcast_in_dim3A_50 = vector.shape_cast %div3A_31 : vector<64xf32> to vector<1x64xf32>
    %sub3A_51 = vector.broadcast %broadcast_in_dim3A_50 : vector<1x64xf32> to vector<2048x64xf32>
    %sub3A_52 = arith.subf %max3A_24, %sub3A_51 : vector<2048x64xf32>
    %broadcast_in_dim3A_53 = vector.shape_cast %mul3A_49 : vector<64xf32> to vector<1x64xf32>
    %mul3A_54 = vector.broadcast %broadcast_in_dim3A_53 : vector<1x64xf32> to vector<2048x64xf32>
    %mul3A_55 = arith.mulf %sub3A_52, %mul3A_54 : vector<2048x64xf32>
    %get3A_56 = arith.constant 0 : index
    %get3A_57 = arith.constant 0 : index
    %get3A_58 = arith.constant 0 : index
    %get3A_59 = vector.load %arg7[%get3A_56, %get3A_57, %get3A_58] : memref<1x1x64xf32, #tpu.memory_space<vmem>>, vector<1x1x64xf32>
    %get3A_60 = vector.shape_cast %get3A_59 : vector<1x1x64xf32> to vector<64xf32>
    %broadcast_in_dim3A_61 = vector.shape_cast %get3A_60 : vector<64xf32> to vector<1x64xf32>
    %add3A_62 = vector.broadcast %broadcast_in_dim3A_61 : vector<1x64xf32> to vector<2048x64xf32>
    %add3A_63 = arith.addf %mul3A_55, %add3A_62 : vector<2048x64xf32>
    %get3A_64 = arith.constant 0 : index
    %get3A_65 = arith.constant 0 : index
    %get3A_66 = arith.constant 0 : index
    %get3A_67 = vector.load %arg8[%get3A_64, %get3A_65, %get3A_66] : memref<1x64x8xf32, #tpu.memory_space<vmem>>, vector<1x64x8xf32>
    %get3A_68 = vector.shape_cast %get3A_67 : vector<1x64x8xf32> to vector<64x8xf32>
    %dot_general3A = arith.constant dense<0.000000e+00> : vector<2048x8xf32>
    %dot_general3A_69 = tpu.matmul %add3A_63, %get3A_68, %dot_general3A {dimension_numbers = #tpu.dot_dimension_numbers<[1], [0], [0], [1], [0, 0, 1, 1], [], []>, transpose_lhs_hint = false} : vector<2048x64xf32>, vector<64x8xf32>, vector<2048x8xf32> -> vector<2048x8xf32>
    %broadcast_in_dim3A_70 = vector.shape_cast %get3A_3 : vector<2048xf32> to vector<2048x1xf32>
    %mul3A_71 = vector.broadcast %broadcast_in_dim3A_70 : vector<2048x1xf32> to vector<2048x8xf32>
    %mul3A_72 = arith.mulf %mul3A_71, %dot_general3A_69 : vector<2048x8xf32>
    %swap3A = arith.constant 0 : index
    %swap3A_73 = arith.constant 0 : index
    %swap3A_74 = arith.constant 0 : index
    %swap3A_75 = vector.load %arg11[%swap3A, %swap3A_73, %swap3A_74] : memref<1x2048x8xf32, #tpu.memory_space<vmem>>, vector<1x2048x8xf32>
    %swap3A_76 = vector.shape_cast %swap3A_75 : vector<1x2048x8xf32> to vector<2048x8xf32>
    %swap3A_77 = vector.shape_cast %mul3A_72 : vector<2048x8xf32> to vector<1x2048x8xf32>
    tpu.vector_store %arg11[%swap3A, %swap3A_73, %swap3A_74], %swap3A_77 {strides = array<i32>} : memref<1x2048x8xf32, #tpu.memory_space<vmem>>, vector<1x2048x8xf32>,
    %mul3A_78 = arith.constant 2.000000e+00 : f32
    %mul3A_79 = vector.broadcast %mul3A_78 : f32 to vector<2048xf32>
    %mul3A_80 = arith.mulf %mul3A_79, %get3A_3 : vector<2048xf32>
    %mul3A_81 = arith.mulf %mul3A_80, %get3A_3 : vector<2048xf32>
    %broadcast_in_dim3A_82 = vector.shape_cast %mul3A_81 : vector<2048xf32> to vector<2048x1xf32>
    %mul3A_83 = vector.broadcast %broadcast_in_dim3A_82 : vector<2048x1xf32> to vector<2048x8xf32>
    %mul3A_84 = arith.mulf %mul3A_83, %dot_general3A_69 : vector<2048x8xf32>
    %swap3A_85 = arith.constant 0 : index
    %swap3A_86 = arith.constant 0 : index
    %swap3A_87 = arith.constant 0 : index
    %swap3A_88 = vector.load %arg12[%swap3A_85, %swap3A_86, %swap3A_87] : memref<1x2048x8xf32, #tpu.memory_space<vmem>>, vector<1x2048x8xf32>
    %swap3A_89 = vector.shape_cast %swap3A_88 : vector<1x2048x8xf32> to vector<2048x8xf32>
    %swap3A_90 = vector.shape_cast %mul3A_84 : vector<2048x8xf32> to vector<1x2048x8xf32>
    tpu.vector_store %arg12[%swap3A_85, %swap3A_86, %swap3A_87], %swap3A_90 {strides = array<i32>} : memref<1x2048x8xf32, #tpu.memory_space<vmem>>, vector<1x2048x8xf32>,
    return
  }
  func.func @transform_0(%arg0: i32, %arg1: i32) -> (i32, i32, i32) {
    %c0_i32 = arith.constant 0 : i32
    %c0_i32_0 = arith.constant 0 : i32
    return %arg0, %arg1, %c0_i32 : i32, i32, i32
  }
  func.func @transform_1(%arg0: i32, %arg1: i32) -> (i32, i32, i32) {
    %c0_i32 = arith.constant 0 : i32
    %c0_i32_0 = arith.constant 0 : i32
    return %arg0, %c0_i32, %arg1 : i32, i32, i32
  }
  func.func @transform_2(%arg0: i32, %arg1: i32) -> (i32, i32, i32) {
    %c0_i32 = arith.constant 0 : i32
    %c0_i32_0 = arith.constant 0 : i32
    return %arg0, %arg1, %c0_i32 : i32, i32, i32
  }
  func.func @transform_3(%arg0: i32, %arg1: i32) -> (i32, i32, i32) {
    %c0_i32 = arith.constant 0 : i32
    %c0_i32_0 = arith.constant 0 : i32
    %c0_i32_1 = arith.constant 0 : i32
    return %arg0, %c0_i32, %c0_i32_0 : i32, i32, i32
  }
  func.func @transform_4(%arg0: i32, %arg1: i32) -> (i32, i32, i32) {
    %c0_i32 = arith.constant 0 : i32
    %c0_i32_0 = arith.constant 0 : i32
    %c0_i32_1 = arith.constant 0 : i32
    return %arg0, %c0_i32, %c0_i32_0 : i32, i32, i32
  }
  func.func @transform_5(%arg0: i32, %arg1: i32) -> (i32, i32, i32) {
    %c0_i32 = arith.constant 0 : i32
    %c0_i32_0 = arith.constant 0 : i32
    %c0_i32_1 = arith.constant 0 : i32
    return %arg0, %c0_i32, %c0_i32_0 : i32, i32, i32
  }
  func.func @transform_6(%arg0: i32, %arg1: i32) -> (i32, i32, i32) {
    %c0_i32 = arith.constant 0 : i32
    %c0_i32_0 = arith.constant 0 : i32
    %c0_i32_1 = arith.constant 0 : i32
    return %arg0, %c0_i32, %c0_i32_0 : i32, i32, i32
  }
  func.func @transform_7(%arg0: i32, %arg1: i32) -> (i32, i32, i32) {
    %c0_i32 = arith.constant 0 : i32
    %c0_i32_0 = arith.constant 0 : i32
    %c0_i32_1 = arith.constant 0 : i32
    return %arg0, %c0_i32, %c0_i32_0 : i32, i32, i32
  }
  func.func @transform_8(%arg0: i32, %arg1: i32) -> (i32, i32, i32) {
    %c0_i32 = arith.constant 0 : i32
    %c0_i32_0 = arith.constant 0 : i32
    %c0_i32_1 = arith.constant 0 : i32
    return %arg0, %c0_i32, %c0_i32_0 : i32, i32, i32
  }
  func.func @transform_9(%arg0: i32, %arg1: i32) -> (i32, i32, i32) {
    %c0_i32 = arith.constant 0 : i32
    %c0_i32_0 = arith.constant 0 : i32
    return %arg0, %arg1, %c0_i32 : i32, i32, i32
  }
  func.func @transform_10(%arg0: i32, %arg1: i32) -> (i32, i32, i32) {
    %c0_i32 = arith.constant 0 : i32
    %c0_i32_0 = arith.constant 0 : i32
    return %arg0, %arg1, %c0_i32 : i32, i32, i32
  }
}

module attributes {stable_mosaic.version = 14 : i64} {
  func.func @_tc_d_body(%arg0: memref<4x16x10240xf32, #tpu.memory_space<vmem>>, %arg1: memref<4x10240xf32, #tpu.memory_space<vmem>>, %arg2: memref<4x10240xf32, #tpu.memory_space<vmem>>, %arg3: memref<4x1xf32, #tpu.memory_space<vmem>>, %arg4: memref<128x10240xf32, #tpu.memory_space<vmem>>, %arg5: memref<8x128xf32, #tpu.memory_space<vmem>>, %arg6: memref<8x1xf32, #tpu.memory_space<vmem>>, %arg7: memref<8x10240xf32, #tpu.memory_space<vmem>>) attributes {dimension_semantics = [], scalar_prefetch = 0 : i64, scratch_operands = 0 : i64, tpu.core_type = #tpu.core_type<tc>} {
    %get3A = arith.constant 0 : index
    %get3A_0 = arith.constant 0 : index
    %get3A_1 = arith.constant 0 : index
    %get3A_2 = vector.load %arg0[%get3A, %get3A_0, %get3A_1] : memref<4x16x10240xf32, #tpu.memory_space<vmem>>, vector<4x16x10240xf32>
    %reduce_sum3A = arith.constant dense<0.000000e+00> : vector<4x10240xf32>
    %reduce_sum3A_3 = vector.multi_reduction <add>, %get3A_2, %reduce_sum3A [1] : vector<4x16x10240xf32> to vector<4x10240xf32>
    %get3A_4 = arith.constant 0 : index
    %get3A_5 = arith.constant 0 : index
    %get3A_6 = vector.load %arg5[%get3A_4, %get3A_5] : memref<8x128xf32, #tpu.memory_space<vmem>>, vector<8x128xf32>
    %get3A_7 = arith.constant 0 : index
    %get3A_8 = arith.constant 0 : index
    %get3A_9 = vector.load %arg4[%get3A_7, %get3A_8] : memref<128x10240xf32, #tpu.memory_space<vmem>>, vector<128x10240xf32>
    %dot_general3A = arith.constant dense<0.000000e+00> : vector<8x10240xf32>
    %dot_general3A_10 = tpu.matmul %get3A_6, %get3A_9, %dot_general3A {dimension_numbers = #tpu.dot_dimension_numbers<[1], [0], [0], [1], [0, 0, 1, 1], [], []>, transpose_lhs_hint = false} : vector<8x128xf32>, vector<128x10240xf32>, vector<8x10240xf32> -> vector<8x10240xf32>
    %get3A_11 = arith.constant 0 : index
    %get3A_12 = arith.constant 0 : index
    %get3A_13 = vector.load %arg6[%get3A_11, %get3A_12] : memref<8x1xf32, #tpu.memory_space<vmem>>, vector<8x1xf32>
    %add3A = vector.broadcast %get3A_13 : vector<8x1xf32> to vector<8x10240xf32>
    %add3A_14 = arith.addf %dot_general3A_10, %add3A : vector<8x10240xf32>
    %iota3A = tpu.iota {dimensions = array<i32: 0>} : vector<8x1xi32>
    %lt3A = arith.constant 4 : i32
    %lt3A_15 = vector.broadcast %lt3A : i32 to vector<8x1xi32>
    %lt3A_16 = arith.cmpi slt, %iota3A, %lt3A_15 : vector<8x1xi32>
    %jit3A = arith.constant -1.000000e+30 : f32
    %broadcast_in_dim3A = vector.shape_cast %lt3A_16 : vector<8x1xi1> to vector<8x1xi1>
    %broadcast_in_dim3A_17 = vector.broadcast %broadcast_in_dim3A : vector<8x1xi1> to vector<8x10240xi1>
    %broadcast_in_dim3A_18 = vector.broadcast %jit3A : f32 to vector<8x10240xf32>
    %select_n3A = arith.select %broadcast_in_dim3A_17, %add3A_14, %broadcast_in_dim3A_18 : vector<8x10240xi1>, vector<8x10240xf32>
    %reduce_max3A = arith.constant dense<0xFF800000> : vector<10240xf32>
    %reduce_max3A_19 = vector.multi_reduction <maximumf>, %select_n3A, %reduce_max3A [0] : vector<8x10240xf32> to vector<10240xf32>
    %broadcast_in_dim3A_20 = vector.shape_cast %reduce_max3A_19 : vector<10240xf32> to vector<1x10240xf32>
    %sub3A = vector.broadcast %broadcast_in_dim3A_20 : vector<1x10240xf32> to vector<8x10240xf32>
    %sub3A_21 = arith.subf %select_n3A, %sub3A : vector<8x10240xf32>
    %exp3A = math.exp %sub3A_21 : vector<8x10240xf32>
    %reduce_sum3A_22 = arith.constant dense<0.000000e+00> : vector<10240xf32>
    %reduce_sum3A_23 = vector.multi_reduction <add>, %exp3A, %reduce_sum3A_22 [0] : vector<8x10240xf32> to vector<10240xf32>
    %broadcast_in_dim3A_24 = vector.shape_cast %reduce_sum3A_23 : vector<10240xf32> to vector<1x10240xf32>
    %div3A = vector.broadcast %broadcast_in_dim3A_24 : vector<1x10240xf32> to vector<8x10240xf32>
    %div3A_25 = arith.divf %exp3A, %div3A : vector<8x10240xf32>
    %slice3A = vector.extract_strided_slice %div3A_25 {offsets = [0, 0], sizes = [4, 10240], strides = [1, 1]} : vector<8x10240xf32> to vector<4x10240xf32>
    %get3A_26 = arith.constant 0 : index
    %get3A_27 = arith.constant 0 : index
    %get3A_28 = vector.load %arg2[%get3A_26, %get3A_27] : memref<4x10240xf32, #tpu.memory_space<vmem>>, vector<4x10240xf32>
    %mul3A = arith.mulf %get3A_28, %reduce_sum3A_3 : vector<4x10240xf32>
    %get3A_29 = arith.constant 0 : index
    %get3A_30 = arith.constant 0 : index
    %get3A_31 = vector.load %arg1[%get3A_29, %get3A_30] : memref<4x10240xf32, #tpu.memory_space<vmem>>, vector<4x10240xf32>
    %add3A_32 = arith.addf %mul3A, %get3A_31 : vector<4x10240xf32>
    %get3A_33 = arith.constant 0 : index
    %get3A_34 = arith.constant 0 : index
    %get3A_35 = vector.load %arg3[%get3A_33, %get3A_34] : memref<4x1xf32, #tpu.memory_space<vmem>>, vector<4x1xf32>
    %add3A_36 = vector.broadcast %get3A_35 : vector<4x1xf32> to vector<4x10240xf32>
    %add3A_37 = arith.addf %add3A_32, %add3A_36 : vector<4x10240xf32>
    %abs3A = math.absf %add3A_37 : vector<4x10240xf32>
    %neg3A = arith.constant 0.000000e+00 : f32
    %neg3A_38 = vector.broadcast %neg3A : f32 to vector<4x10240xf32>
    %neg3A_39 = arith.subf %neg3A_38, %abs3A : vector<4x10240xf32>
    %exp3A_40 = math.exp %neg3A_39 : vector<4x10240xf32>
    %add3A_41 = arith.constant 1.000000e+00 : f32
    %add3A_42 = vector.broadcast %add3A_41 : f32 to vector<4x10240xf32>
    %add3A_43 = arith.addf %add3A_42, %exp3A_40 : vector<4x10240xf32>
    %log3A = math.log %add3A_43 : vector<4x10240xf32>
    %min3A = arith.constant 0.000000e+00 : f32
    %min3A_44 = vector.broadcast %min3A : f32 to vector<4x10240xf32>
    %min3A_45 = arith.minimumf %add3A_37, %min3A_44 : vector<4x10240xf32>
    %sub3A_46 = arith.subf %min3A_45, %log3A : vector<4x10240xf32>
    %max3A = arith.constant 0.000000e+00 : f32
    %max3A_47 = vector.broadcast %max3A : f32 to vector<4x10240xf32>
    %max3A_48 = arith.maximumf %add3A_37, %max3A_47 : vector<4x10240xf32>
    %neg3A_49 = arith.constant 0.000000e+00 : f32
    %neg3A_50 = vector.broadcast %neg3A_49 : f32 to vector<4x10240xf32>
    %neg3A_51 = arith.subf %neg3A_50, %max3A_48 : vector<4x10240xf32>
    %sub3A_52 = arith.subf %neg3A_51, %log3A : vector<4x10240xf32>
    %mul3A_53 = arith.mulf %slice3A, %sub3A_52 : vector<4x10240xf32>
    %reduce_sum3A_54 = arith.constant dense<0.000000e+00> : vector<10240xf32>
    %reduce_sum3A_55 = vector.multi_reduction <add>, %mul3A_53, %reduce_sum3A_54 [0] : vector<4x10240xf32> to vector<10240xf32>
    %broadcast_in_dim3A_56 = vector.shape_cast %reduce_sum3A_55 : vector<10240xf32> to vector<1x10240xf32>
    %mul3A_57 = arith.mulf %slice3A, %sub3A_46 : vector<4x10240xf32>
    %reduce_sum3A_58 = arith.constant dense<0.000000e+00> : vector<10240xf32>
    %reduce_sum3A_59 = vector.multi_reduction <add>, %mul3A_57, %reduce_sum3A_58 [0] : vector<4x10240xf32> to vector<10240xf32>
    %broadcast_in_dim3A_60 = vector.shape_cast %reduce_sum3A_59 : vector<10240xf32> to vector<1x10240xf32>
    %exp3A_61 = math.exp %sub3A_52 : vector<4x10240xf32>
    %mul3A_62 = arith.mulf %slice3A, %exp3A_61 : vector<4x10240xf32>
    %reduce_sum3A_63 = arith.constant dense<0.000000e+00> : vector<10240xf32>
    %reduce_sum3A_64 = vector.multi_reduction <add>, %mul3A_62, %reduce_sum3A_63 [0] : vector<4x10240xf32> to vector<10240xf32>
    %broadcast_in_dim3A_65 = vector.shape_cast %reduce_sum3A_64 : vector<10240xf32> to vector<1x10240xf32>
    %exp3A_66 = math.exp %sub3A_46 : vector<4x10240xf32>
    %mul3A_67 = arith.mulf %slice3A, %exp3A_66 : vector<4x10240xf32>
    %reduce_sum3A_68 = arith.constant dense<0.000000e+00> : vector<10240xf32>
    %reduce_sum3A_69 = vector.multi_reduction <add>, %mul3A_67, %reduce_sum3A_68 [0] : vector<4x10240xf32> to vector<10240xf32>
    %broadcast_in_dim3A_70 = vector.shape_cast %reduce_sum3A_69 : vector<10240xf32> to vector<1x10240xf32>
    %broadcast_in_dim3A_71 = arith.constant 0.000000e+00 : f32
    %broadcast_in_dim3A_72 = vector.broadcast %broadcast_in_dim3A_71 : f32 to vector<4x10240xf32>
    %concatenate3A = tpu.concatenate %broadcast_in_dim3A_56, %broadcast_in_dim3A_60, %broadcast_in_dim3A_65, %broadcast_in_dim3A_70, %broadcast_in_dim3A_72 in 0 : vector<1x10240xf32>, vector<1x10240xf32>, vector<1x10240xf32>, vector<1x10240xf32>, vector<4x10240xf32> -> vector<8x10240xf32>
    %swap3A = arith.constant 0 : index
    %swap3A_73 = arith.constant 0 : index
    %swap3A_74 = vector.load %arg7[%swap3A, %swap3A_73] : memref<8x10240xf32, #tpu.memory_space<vmem>>, vector<8x10240xf32>
    tpu.vector_store %arg7[%swap3A, %swap3A_73], %concatenate3A {strides = array<i32>} : memref<8x10240xf32, #tpu.memory_space<vmem>>, vector<8x10240xf32>,
    return
  }
}

</mosaic_0001>

<sc_bundles>
// kernel: kernel.10.cloned.1.call-start
scs
__scs_entry_jumppad:
0x0: {  	(pc) =	sbr.rel $0x88, $3  }
0x1: {  	(tag) =	ssettag $0x0;
	lr =	simm.s32 $0x1  }
0x2: {  	[smem:$0x3F96] =	sst lr;
	_ =	strace $0xD0000000  }
0x3: {  	_ = 	snop  }
0x4: {  	_ = 	snop  }
0x5: {  	_ = 	snop  }
0x6: {  	_ = 	snop  }
0x7: {  	_ = 	snop  }
__scs_overlays_trampoline_lowered:
0x8: {  	[smem:$0x3FA5] =	sst s0  }
0x9: {  	[smem:$0x3FA6] =	sst s1  }
0xa: {  	[smem:$0x3FA7] =	sst s2  }
0xb: {  	[smem:$0x3FA8] =	sst s3  }
0xc: {  	[smem:$0x3FA9] =	sst s4  }
0xd: {  	[smem:$0x3FAA] =	sst s5  }
0xe: {  	[smem:$0x3FAB] =	sst s6  }
0xf: {  	[smem:$0x3FAC] =	sst s7  }
0x10: {  	[smem:$0x3FAD] =	sst s8  }
0x11: {  	[smem:$0x3FAE] =	sst s9;
	s0 =	simm.s32 @!p0 $0x0  }
0x12: {  	s1 =	sld [smem:$0x3F94];
	s0 =	simm.s32 @p0 $0x1  }
0x13: {  	[smem:$0x3FAF] =	sst s0;
	s0 =	simm.s32 @!p1 $0x0  }
0x14: {  	s2 =	sld [smem:$0x3F93];
	s0 =	simm.s32 @p1 $0x1  }
0x15: {  	[smem:$0x3FB0] =	sst s0;
	s0 =	simm.s32 @!p2 $0x0  }
0x16: {  	s3 =	sld [smem:$0x3FDB];
	s0 =	simm.s32 @p2 $0x1  }
0x17: {  	s4 =	simm.s32 $0x1BF5;
	[smem:$0x3FB2] =	sst s0  }
0x18: {  	s0 =	sld [smem:$0x3F95];
	_ =	swait.ge [sflag:s4], $0x0  }
0x19: {  	s7 =	sld [smem:$0x3F96]  }
0x1a: {  	s8 =	sadd.s32 $0xFFFFE003, lr  }
0x1b: {  	s9 =	sadd.s32 $0xFFFFFEF7, lr;
	s5 =	simm.s32 $0xFFFFFFFF;
	p2 =	slt.u32 s8, $0xFFFFF086  }
0x1c: {  	p1 =	slt.u32 s9, $0xF7A;
	s5 =	simm.s32 @!p2 $0x0  }
0x1d: {  	s5 =	simm.s32 @p1 $0x1;
	p0 =	seq.s32 s7, s2  }
0x1e: {  	s7 =	smul.u32 @!p0 $0xF7A, s2;
	p2 =	seq.s32 @!p0 s5, $0x0  }
0x1f: {  	s9 =	smul.u32 $0xF7A, s1;
	s8 =	simm.s32 @!p0 $0x1BF5;
	p2 =	por !p2, p0  }
0x20: {  	[sflag:s8] =	ssyncset.s32 @!p0 $0xFFFFF086;
	s6 =	sadd.s32 @!p0 s3, s7;
	s7 =	simm.s32 @!p0 $0x108  }
0x21: {  	s3 =	sadd.s32 s3, s9;
	s6 =	sadd.s32 @!p0 $0x88, s6;
	s7 =	simm.s32 @p2 $0x1082  }
0x22: {  	[simem:s7], [sflag:s8] =	dma.local @!p0 [hbm:s6], $0xF7A  }
0x23: {  	s9 =	sor.u32 $0xD0000000, s2;
	s6 =	simm.s32 $0x108;
	_ =	swait.ge @!p0 [sflag:s8], $0x0  }
0x24: {  	s3 =	sadd.s32 $0x88, s3;
	s6 =	simm.s32 @!p1 $0x1082;
	[sflag:s4] =	ssyncset.s32 $0xFFFFF086  }
0x25: {  	[simem:s6], [sflag:s4] =	dma.local [hbm:s3], $0xF7A  }
0x26: {  	[smem:$0x3F96] =	sst s1;
	(tag) =	ssettag s2;
	_ =	strace s9  }
0x27: {  	s1 =	sld [smem:$0x3FA6]  }
0x28: {  	s2 =	sld [smem:$0x3FA7]  }
0x29: {  	s4 =	sld [smem:$0x3FA9]  }
0x2a: {  	p0 =	seq.s32 s5, $0x0;
	s5 =	sld [smem:$0x3FAA]  }
0x2b: {  	s6 =	sld [smem:$0x3FAB]  }
0x2c: {  	s7 =	sld [smem:$0x3FAC]  }
0x2d: {  	s3 =	simm.s32 $0x108;
	s8 =	sld [smem:$0x3FAD]  }
0x2e: {  	s3 =	simm.s32 @!p0 $0x1082;
	s9 =	sld [smem:$0x3FAE]  }
0x2f: {  	lr =	sadd.s32 s0, s3;
	s0 =	sld [smem:$0x3FA5]  }
0x30: {  	s3 =	sld [smem:$0x3FA8]  }
0x31: {  	[smem:$0x3FB1] =	sst s10  }
0x32: {  	s10 =	sld [smem:$0x3FAF];
	_ =	sdelay $0x3  }
0x33: {  	p0 =	seq.s32 s10, $0x1;
	s10 =	sld [smem:$0x3FB1];
	_ =	sdelay $0x3  }
0x34: {  	[smem:$0x3FB1] =	sst s10  }
0x35: {  	s10 =	sld [smem:$0x3FB0];
	_ =	sdelay $0x3  }
0x36: {  	p1 =	seq.s32 s10, $0x1;
	s10 =	sld [smem:$0x3FB1];
	_ =	sdelay $0x3  }
0x37: {  	[smem:$0x3FB1] =	sst s10  }
0x38: {  	s10 =	sld [smem:$0x3FB2]  }
0x39: {  	_ = 	snop;
	(pc) =	sbr.ind lr, $3  }
0x3a: {  	_ = 	snop  }
0x3b: {  	_ = 	snop  }
0x3c: {  	p2 =	seq.s32 s10, $0x1;
	s10 =	sld [smem:$0x3FB1]  }
0x3d: {  	_ =	shalt  }
0x3e: {  	_ =	shalt  }
0x3f: {  	_ =	shalt  }
0x40: {  	_ =	shalt  }
0x41: {  	_ =	shalt  }
0x42: {  	_ =	shalt  }
0x43: {  	_ =	shalt  }
0x44: {  	_ =	shalt  }
0x45: {  	_ =	shalt  }
0x46: {  	_ =	shalt  }
0x47: {  	_ =	shalt  }
0x48: {  	_ =	shalt  }
0x49: {  	_ =	shalt  }
0x4a: {  	_ =	shalt  }
0x4b: {  	_ =	shalt  }
0x4c: {  	_ =	shalt  }
0x4d: {  	_ =	shalt  }
0x4e: {  	_ =	shalt  }
0x4f: {  	_ =	shalt  }
0x50: {  	_ =	shalt  }
0x51: {  	_ =	shalt  }
0x52: {  	_ =	shalt  }
0x53: {  	_ =	shalt  }
0x54: {  	_ =	shalt  }
0x55: {  	_ =	shalt  }
0x56: {  	_ =	shalt  }
0x57: {  	_ =	shalt  }
0x58: {  	_ =	shalt  }
0x59: {  	_ =	shalt  }
0x5a: {  	_ =	shalt  }
0x5b: {  	_ =	shalt  }
0x5c: {  	_ =	shalt  }
0x5d: {  	_ =	shalt  }
0x5e: {  	_ =	shalt  }
0x5f: {  	_ =	shalt  }
0x60: {  	_ =	shalt  }
0x61: {  	_ =	shalt  }
0x62: {  	_ =	shalt  }
0x63: {  	_ =	shalt  }
0x64: {  	_ =	shalt  }
0x65: {  	_ =	shalt  }
0x66: {  	_ =	shalt  }
0x67: {  	_ =	shalt  }
0x68: {  	_ =	shalt  }
0x69: {  	_ =	shalt  }
0x6a: {  	_ =	shalt  }
0x6b: {  	_ =	shalt  }
0x6c: {  	_ =	shalt  }
0x6d: {  	_ =	shalt  }
0x6e: {  	_ =	shalt  }
0x6f: {  	_ =	shalt  }
0x70: {  	_ =	shalt  }
0x71: {  	_ =	shalt  }
0x72: {  	_ =	shalt  }
0x73: {  	_ =	shalt  }
0x74: {  	_ =	shalt  }
0x75: {  	_ =	shalt  }
0x76: {  	_ =	shalt  }
0x77: {  	_ =	shalt  }
0x78: {  	_ =	shalt  }
0x79: {  	_ =	shalt  }
0x7a: {  	_ =	shalt  }
0x7b: {  	_ =	shalt  }
0x7c: {  	_ =	shalt  }
0x7d: {  	_ =	shalt  }
0x7e: {  	_ =	shalt  }
0x7f: {  	_ =	shalt  }
0x80: {  	_ =	shalt  }
0x81: {  	_ =	shalt  }
0x82: {  	_ =	shalt  }
0x83: {  	_ =	shalt  }
0x84: {  	_ =	shalt  }
0x85: {  	_ =	shalt  }
0x86: {  	_ =	shalt  }
0x87: {  	_ =	shalt  }
.Lfunc_end0:
.L_simem_size_0:
called_computation_lowered:
.L_overlay_start_0:
0x88: {  	s2 =	sld [smem:$0x3FD9]  }
0x89: {  	s3 =	sld [smem:$0x3FFE];
	_ =	sdelay $0x1  }
0x8a: {  	s1 =	srdreg.scid  }
0x8b: {  	s0 =	sand.u32 $0x1, s1  }
0x8c: {  	s16 =	sshll.u32 s0, $0xA;
	s2 =	sadd.s32 s3, s2  }
0x8d: {  	s2 =	sadd.s32 s2, s16  }
0x8e: {  	[smem:$0x3FBD] =	sst s2  }
0x8f: {  	_ = 	snop  }
0x90: {  	(tm) =	ssettm $0x1  }
0x91: {  	s17 =	sld [smem:$0x3FFB];
	_ =	sdelay $0x3  }
0x92: {  	_ =	strace s17  }
0x93: {  	s2 =	sld [smem:$0x3FFC];
	_ =	sdelay $0x3  }
0x94: {  	_ =	strace s2  }
0x95: {  	s2 =	sld [smem:$0x3FFD];
	_ =	sdelay $0x3  }
0x96: {  	_ =	strace s2  }
0x97: {  	_ =	strace $0x8FFFFFFF  }
0x98: {  	s18 =	sld [smem:$0x3FDB];
	_ =	sdelay $0x1  }
0x99: {  	s19 =	simm.s32 $_scs_section_size  }
0x9a: {  	s4 =	simm.s32 $_size__tile_overlayer_lowered;
	s5 =	simm.s32 $_tile_overlayer_lowered  }
0x9b: {  	s22 =	simm.s32 $0x1BFF;
	s21 =	sshll.u32 s5, $0x1;
	s2 =	sadd.s32 s19, s18  }
0x9c: {  	s6 =	simm.s32 $0x0;
	s20 =	sshll.u32 s4, $0x1;
	s4 =	sadd.s32 s21, s2  }
0x9d: {  	[timem:s6], [sflag:s22] =	dma.local [hbm:s4], s20  }
0x9e: {  	_ =	swait.ge [sflag:s22], s20  }
0x9f: {  	s3 =	ssub.s32 $0x0, s20;
	[sflag:s22] =	ssyncset.done $0x0  }
0xa0: {  	[sflag:s22] =	ssyncadd.s32 s3;
	_ =	sdelay $0x1  }
0xa1: {  	s23 =	simm.s32 $0x1B8B  }
0xa2: {  	_ =	swait.ge [sflag:s23], $0x1  }
0xa3: {  	[sflag:s23] =	ssyncset.done $0x0  }
0xa4: {  	s25 =	simm.s32 $0x1B8E;
	s24 =	sld [smem:$0x3FFE];
	[sflag:s23] =	ssyncadd.s32 $0xFFFFFFFF  }
0xa5: {  	s26 =	simm.s32 $execute0_lowered;
	[smem:$0x3FD2] =	sst s25  }
0xa6: {  	s4 =	sshll.u32 s26, $0x1;
	_ =	strace $0x80000046;
	[dreg:$0x1] =	wrdreg $0xFFFFFFFF  }
0xa7: {  	s28 =	simm.s32 $_size_execute0_lowered;
	s2 =	sadd.s32 s2, s4;
	[dreg:$0x0] =	wrdreg $0x0  }
0xa8: {  	s4 =	sshll.u32 s28, $0x1;
	[dreg:$0x2] =	wrdreg s2  }
0xa9: {  	[dreg:$0x3] =	wrdreg s4  }
0xaa: {  	[dreg:$0x4] =	wrdreg $0xC0  }
0xab: {  	_ =	task [dreg:s6], $0x5FFFF  }
0xac: {  	[dreg:$0x1] =	wrdreg $0xFFFFFFFF  }
0xad: {  	[dreg:$0x0] =	wrdreg $0x60  }
0xae: {  	[dreg:$0x2] =	wrdreg s24  }
0xaf: {  	[dreg:$0x3] =	wrdreg $0x9  }
0xb0: {  	_ =	task.clear_ibuf [dreg:s6], $0x4FFFF;
	_ =	strace $0x90000046  }
0xb1: {  	s29 =	simm.s32 $0x9;
	_ =	strace $0x80000048  }
0xb2: {  	_ =	swait.ge [sflag:s29], $0x1  }
0xb3: {  	[sflag:s29] =	ssyncadd.s32 $0xFFFFFFFF  }
0xb4: {  	_ =	strace $0x90000048  }
0xb5: {  	_ =	sfence  }
0xb6: {  	s30 =	sld [smem:$0x0];
	_ =	sdelay $0x2  }
0xb7: {  	s31 =	sshll.u32 s1, $0xD;
	s1 =	sshrl.u32 s1, $0x2  }
0xb8: {  	s3 =	sand.u32 $0x4000, s31;
	s1 =	sadd.s32 s1, s30  }
0xb9: {  	s0 =	sor.u32 s3, s0;
	s1 =	sshll.u32 s1, $0x11  }
0xba: {  	s0 =	sor.u32 s1, s0  }
0xbb: {  	s0 =	sadd.s32 $0x8F2B, s0  }
0xbc: {  	[sflag:s0] =	ssyncadd.remote.s32 $0x1  }
0xbd: {  	_ =	sfence.sel $0xFFFF  }
0xbe: {  	[dreg:$0x0] =	wrdreg $0xFFFFFFFF;
	(pc) =	sbr.abs _section_cstart, $3  }
0xbf: {  	[dreg:$0x1] =	wrdreg $0xFFFFFFFF  }
0xc0: {  	_ =	task.clear_ibuf [dreg:s6], $0x2FFFF;
	_ =	strace $0x9FFFFFFF  }
0xc1: {  	(tm) =	ssettm $0x7FFFFFFF  }
tec
execute0_lowered:
.L_overlay_start_1:
0x0: {  	(tag) =	ssettag $0x1  }
0x1: {  	s3 =	rddreg [dreg:$0x0]  }
0x2: {  	s0 =	rddreg [dreg:$0x1];
	s1 =	simm.s32 $0x0  }
0x3: {  	s2 =	srdreg.scid;
	[smem:$0x7FF] =	sst s1  }
0x4: {  	s4 =	sand.u32 $0x1, s2;
	s6 =	sadd.s32 $0x4800, s3;
	s2 =	stileid.u32  }
0x5: {  	s8 =	sadd.s32 $0x2C800, s3;
	_ =	strace $0x80000047;
	s29 =	smul.u32 $0x5000, s2  }
0x6: {  	s5 =	ssub.s32 $0x2, s4;
	s30 =	smul.u32 $0xA0000, s4;
	s9 =	sshll.u32 s4, $0x5  }
0x7: {  	s4 =	sshllo.u32 s4, $0x1;
	s7 =	sshrl.u32 s5, $0x1;
	s9 =	sor.u32 s2, s9  }
0x8: {  	s10 =	smul.u32 $0x50000, s4;
	s4 =	sshll.u32 s4, $0x4;
	s7 =	ssub.s32 s5, s7  }
0x9: {  	s5 =	sadd.s32 s29, s30;
	s9 =	smul.u32 $0x500, s9;
	s4 =	sor.u32 s2, s4  }
0xa: {  	s5 =	sshrl.u32 s5, $0x3;
	s10 =	sadd.s32 s29, s10;
	s11 =	smul.u32 $0x500, s4  }
0xb: {  	s7 =	smax.u32 s7, $0x1;
	s3 =	sadd.s32 s6, s5;
	s4 =	sadd.s32 s8, s9  }
0xc: {  	s31 =	sshrl.u32 s10, $0x3;
	s9 =	simm.s32 $0x5000;
	s10 =	simm.s32 $0x0  }
0xd: {  	v0 =	vimm.f32 $0.0e+00;
	v1 =	vimm.f32 $1.000000000e+00;
	s5 =	sadd.s32 s6, s31;
	s6 =	sadd.s32 s8, s11;
	s8 =	simm.s32 $0x1  }
.LBB2_1:
0xe: {  	[tilespmem:s1], [sflag:$0x1] =	stream.linear.gather [hbm4b:s3+s1], $0x5000, $0x38;
	[tilespmem:$0x7800] =	vst v63  }
0xf: {  	_ =	swait.ge [sflag:s8], $0x5000  }
0x10: {  	[sflag:s8] =	ssyncset.done $0x0  }
0x11: {  	s11 =	simm.s32 $0x0;
	[sflag:s8] =	ssyncadd.s32 $0xFFFFB000  }
.LBB2_2:
0x12: {  	p0 =	sne.s32 s11, $0x9FC0  }
.Ltmp0:
0x13: {  	_ = 	snop;
	(pc) =	sbr.rel @p0 .LBB2_2-.Ltmp0, $3  }
0x14: {  	_ =	sdelay $0x1  }
0x15: {  	s12 =	sshra.s32 s11, $0x2  }
0x16: {  	s11 =	sadd.s32 $0x40, s11;
	[tilespmem:s12+$0x5000] =	vst v0  }
0x17: {  	s12 =	simm.s32 $0x0;
	s11 =	simm.s32 $0x40  }
.LBB2_4:
0x18: {  	p0 =	sne.s32 s11, $0x13FC0;
	v2 =	vld [tilespmem:s12+$0x0];
	_ =	sdelay $0x3  }
.Ltmp1:
0x19: {  	(pc) =	sbr.rel @p0 .LBB2_4-.Ltmp1, $2  }
0x1a: {  	_ =	sdelay $0x2  }
0x1b: {  	s12 =	sshra.s32 s11, $0x2;
	s11 =	sadd.s32 $0x40, s11;
	[tilespmem:v2+s9+$0x0] =	vst.idx.add.f32.msk $0xffff, v1  }
0x1c: {  	v2 =	vld [tilespmem:s12+$0x0];
	_ =	sdelay $0x7  }
0x1d: {  	s11 =	simm.s32 $0x0;
	[tilespmem:v2+s9+$0x0] =	vst.idx.add.f32.msk $0xffff, v1  }
0x1e: {  	[hbm4b:s4+s11] =	stream.linear.scatter [tilespmem:s9], [sflag:$0x1], $0x2800, $0x38;
	[tilespmem:$0x7800] =	vst v63  }
0x1f: {  	_ =	swait.ge [sflag:s8], $0x2800  }
0x20: {  	[sflag:s8] =	ssyncset.done $0x0  }
0x21: {  	[sflag:s8] =	ssyncadd.s32 $0xFFFFD800  }
0x22: {  	[tilespmem:s11], [sflag:$0x1] =	stream.linear.gather [hbm4b:s5+s11], $0x5000, $0x38;
	[tilespmem:$0x7800] =	vst v63  }
0x23: {  	_ =	swait.ge [sflag:s8], $0x5000  }
0x24: {  	[sflag:s8] =	ssyncset.done $0x0  }
0x25: {  	s12 =	simm.s32 $0x0;
	s11 =	simm.s32 $0x40;
	[sflag:s8] =	ssyncadd.s32 $0xFFFFB000  }
.LBB2_6:
0x26: {  	p0 =	sne.s32 s11, $0x9FC0;
	[tilespmem:s12+$0x5000] =	vst v0;
	s12 =	smov.u32 s11;
	s11 =	sadd.s32 $0x40, s11  }
.Ltmp2:
0x27: {  	(pc) =	sbr.rel @p0 .LBB2_6-.Ltmp2, $2  }
0x28: {  	_ =	sdelay $0x2  }
0x29: {  	s12 =	sshra.s32 s12, $0x2  }
0x2a: {  	[tilespmem:s12+$0x5000] =	vst v0;
	s12 =	simm.s32 $0x0;
	s11 =	simm.s32 $0x40  }
.LBB2_8:
0x2b: {  	p0 =	sne.s32 s11, $0x13FC0;
	v2 =	vld [tilespmem:s12+$0x0];
	_ =	sdelay $0x3  }
.Ltmp3:
0x2c: {  	(pc) =	sbr.rel @p0 .LBB2_8-.Ltmp3, $2  }
0x2d: {  	_ =	sdelay $0x2  }
0x2e: {  	s12 =	sshra.s32 s11, $0x2;
	s11 =	sadd.s32 $0x40, s11;
	[tilespmem:v2+s9+$0x0] =	vst.idx.add.f32.msk $0xffff, v1  }
0x2f: {  	v2 =	vld [tilespmem:s12+$0x0];
	_ =	sdelay $0x5  }
0x30: {  	s10 =	sadd.s32 $0x1, s10  }
0x31: {  	p0 =	sne.s32 s10, s7  }
.Ltmp4:
0x32: {  	[tilespmem:v2+s9+$0x0] =	vst.idx.add.f32.msk $0xffff, v1;
	(pc) =	sbr.rel @p0 .LBB2_1-.Ltmp4, $4  }
0x33: {  	[hbm4b:s6+s1] =	stream.linear.scatter [tilespmem:s9], [sflag:$0x1], $0x2800, $0x38;
	[tilespmem:$0x7800] =	vst v63  }
0x34: {  	_ =	swait.ge [sflag:s8], $0x2800  }
0x35: {  	[sflag:s8] =	ssyncset.done $0x0  }
0x36: {  	[sflag:s8] =	ssyncadd.s32 $0xFFFFD800  }
0x37: {  	_ =	sfence.sel $0x180000  }
0x38: {  	[bflag:$0x0] =	sbarrier.arrive $0xFFFF  }
0x39: {  	p0 =	sne.s32 s2, $0x0;
	_ =	strace $0x90000047  }
0x3a: {  	s0 =	sadd.s32 @!p0 $0x100000, s0;
	[bflag:$0x2] =	sbarrier.arrive $0xFFFF  }
0x3b: {  	[sflag:s0] =	ssyncadd.tile.s32 @!p0 $0x1;
	_ =	shalt  }
.Lfunc_end2:
_tile_overlayer_lowered:
.L_overlay_start_2:
0x3c: {  	(tag) =	ssettag $0x2  }
0x3d: {  	s0 =	rddreg [dreg:$0x0];
	s2 =	stileid.u32  }
0x3e: {  	s1 =	rddreg [dreg:$0x1];
	p0 =	sne.s32 s2, $0x0  }
0x3f: {  	s3 =	rddreg [dreg:$0x2];
	[bflag:$0x3] =	sbarrier.arrive $0xFFFF;
	s2 =	simm.s32 @!p0 $0x1C01  }
0x40: {  	[timem:s3], [sflag:s2] =	dma.local @!p0 [hbm:s0], s1  }
0x41: {  	s0 =	simm.s32 @!p0 $0x1  }
0x42: {  	_ =	swait.ge @!p0 [sflag:s0], s1  }
0x43: {  	s1 =	ssub.s32 @!p0 $0x0, s1;
	[sflag:s0] =	ssyncset.done @!p0 $0x0  }
0x44: {  	[sflag:s0] =	ssyncadd.s32 @!p0 s1  }
0x45: {  	[bflag:$0x3] =	sbarrier.arrive $0xFFFF  }
0x46: {  	_ =	shalt  }

// kernel: kernel.13.cloned.1.call-start
scs
__scs_entry_jumppad:
0x0: {  	(pc) =	sbr.rel $0x88, $3  }
0x1: {  	(tag) =	ssettag $0x0;
	lr =	simm.s32 $0x1  }
0x2: {  	[smem:$0x3F96] =	sst lr;
	_ =	strace $0xD0000000  }
0x3: {  	_ = 	snop  }
0x4: {  	_ = 	snop  }
0x5: {  	_ = 	snop  }
0x6: {  	_ = 	snop  }
0x7: {  	_ = 	snop  }
__scs_overlays_trampoline_lowered:
0x8: {  	[smem:$0x3FA5] =	sst s0  }
0x9: {  	[smem:$0x3FA6] =	sst s1  }
0xa: {  	[smem:$0x3FA7] =	sst s2  }
0xb: {  	[smem:$0x3FA8] =	sst s3  }
0xc: {  	[smem:$0x3FA9] =	sst s4  }
0xd: {  	[smem:$0x3FAA] =	sst s5  }
0xe: {  	[smem:$0x3FAB] =	sst s6  }
0xf: {  	[smem:$0x3FAC] =	sst s7  }
0x10: {  	[smem:$0x3FAD] =	sst s8  }
0x11: {  	[smem:$0x3FAE] =	sst s9;
	s0 =	simm.s32 @!p0 $0x0  }
0x12: {  	s1 =	sld [smem:$0x3F94];
	s0 =	simm.s32 @p0 $0x1  }
0x13: {  	[smem:$0x3FAF] =	sst s0;
	s0 =	simm.s32 @!p1 $0x0  }
0x14: {  	s2 =	sld [smem:$0x3F93];
	s0 =	simm.s32 @p1 $0x1  }
0x15: {  	[smem:$0x3FB0] =	sst s0;
	s0 =	simm.s32 @!p2 $0x0  }
0x16: {  	s3 =	sld [smem:$0x3FDB];
	s0 =	simm.s32 @p2 $0x1  }
0x17: {  	s4 =	simm.s32 $0x1BF5;
	[smem:$0x3FB2] =	sst s0  }
0x18: {  	s0 =	sld [smem:$0x3F95];
	_ =	swait.ge [sflag:s4], $0x0  }
0x19: {  	s7 =	sld [smem:$0x3F96]  }
0x1a: {  	s8 =	sadd.s32 $0xFFFFE003, lr  }
0x1b: {  	s9 =	sadd.s32 $0xFFFFFEF7, lr;
	s5 =	simm.s32 $0xFFFFFFFF;
	p2 =	slt.u32 s8, $0xFFFFF086  }
0x1c: {  	p1 =	slt.u32 s9, $0xF7A;
	s5 =	simm.s32 @!p2 $0x0  }
0x1d: {  	s5 =	simm.s32 @p1 $0x1;
	p0 =	seq.s32 s7, s2  }
0x1e: {  	s7 =	smul.u32 @!p0 $0xF7A, s2;
	p2 =	seq.s32 @!p0 s5, $0x0  }
0x1f: {  	s9 =	smul.u32 $0xF7A, s1;
	s8 =	simm.s32 @!p0 $0x1BF5;
	p2 =	por !p2, p0  }
0x20: {  	[sflag:s8] =	ssyncset.s32 @!p0 $0xFFFFF086;
	s6 =	sadd.s32 @!p0 s3, s7;
	s7 =	simm.s32 @!p0 $0x108  }
0x21: {  	s3 =	sadd.s32 s3, s9;
	s6 =	sadd.s32 @!p0 $0x88, s6;
	s7 =	simm.s32 @p2 $0x1082  }
0x22: {  	[simem:s7], [sflag:s8] =	dma.local @!p0 [hbm:s6], $0xF7A  }
0x23: {  	s9 =	sor.u32 $0xD0000000, s2;
	s6 =	simm.s32 $0x108;
	_ =	swait.ge @!p0 [sflag:s8], $0x0  }
0x24: {  	s3 =	sadd.s32 $0x88, s3;
	s6 =	simm.s32 @!p1 $0x1082;
	[sflag:s4] =	ssyncset.s32 $0xFFFFF086  }
0x25: {  	[simem:s6], [sflag:s4] =	dma.local [hbm:s3], $0xF7A  }
0x26: {  	[smem:$0x3F96] =	sst s1;
	(tag) =	ssettag s2;
	_ =	strace s9  }
0x27: {  	s1 =	sld [smem:$0x3FA6]  }
0x28: {  	s2 =	sld [smem:$0x3FA7]  }
0x29: {  	s4 =	sld [smem:$0x3FA9]  }
0x2a: {  	p0 =	seq.s32 s5, $0x0;
	s5 =	sld [smem:$0x3FAA]  }
0x2b: {  	s6 =	sld [smem:$0x3FAB]  }
0x2c: {  	s7 =	sld [smem:$0x3FAC]  }
0x2d: {  	s3 =	simm.s32 $0x108;
	s8 =	sld [smem:$0x3FAD]  }
0x2e: {  	s3 =	simm.s32 @!p0 $0x1082;
	s9 =	sld [smem:$0x3FAE]  }
0x2f: {  	lr =	sadd.s32 s0, s3;
	s0 =	sld [smem:$0x3FA5]  }
0x30: {  	s3 =	sld [smem:$0x3FA8]  }
0x31: {  	[smem:$0x3FB1] =	sst s10  }
0x32: {  	s10 =	sld [smem:$0x3FAF];
	_ =	sdelay $0x3  }
0x33: {  	p0 =	seq.s32 s10, $0x1;
	s10 =	sld [smem:$0x3FB1];
	_ =	sdelay $0x3  }
0x34: {  	[smem:$0x3FB1] =	sst s10  }
0x35: {  	s10 =	sld [smem:$0x3FB0];
	_ =	sdelay $0x3  }
0x36: {  	p1 =	seq.s32 s10, $0x1;
	s10 =	sld [smem:$0x3FB1];
	_ =	sdelay $0x3  }
0x37: {  	[smem:$0x3FB1] =	sst s10  }
0x38: {  	s10 =	sld [smem:$0x3FB2]  }
0x39: {  	_ = 	snop;
	(pc) =	sbr.ind lr, $3  }
0x3a: {  	_ = 	snop  }
0x3b: {  	_ = 	snop  }
0x3c: {  	p2 =	seq.s32 s10, $0x1;
	s10 =	sld [smem:$0x3FB1]  }
0x3d: {  	_ =	shalt  }
0x3e: {  	_ =	shalt  }
0x3f: {  	_ =	shalt  }
0x40: {  	_ =	shalt  }
0x41: {  	_ =	shalt  }
0x42: {  	_ =	shalt  }
0x43: {  	_ =	shalt  }
0x44: {  	_ =	shalt  }
0x45: {  	_ =	shalt  }
0x46: {  	_ =	shalt  }
0x47: {  	_ =	shalt  }
0x48: {  	_ =	shalt  }
0x49: {  	_ =	shalt  }
0x4a: {  	_ =	shalt  }
0x4b: {  	_ =	shalt  }
0x4c: {  	_ =	shalt  }
0x4d: {  	_ =	shalt  }
0x4e: {  	_ =	shalt  }
0x4f: {  	_ =	shalt  }
0x50: {  	_ =	shalt  }
0x51: {  	_ =	shalt  }
0x52: {  	_ =	shalt  }
0x53: {  	_ =	shalt  }
0x54: {  	_ =	shalt  }
0x55: {  	_ =	shalt  }
0x56: {  	_ =	shalt  }
0x57: {  	_ =	shalt  }
0x58: {  	_ =	shalt  }
0x59: {  	_ =	shalt  }
0x5a: {  	_ =	shalt  }
0x5b: {  	_ =	shalt  }
0x5c: {  	_ =	shalt  }
0x5d: {  	_ =	shalt  }
0x5e: {  	_ =	shalt  }
0x5f: {  	_ =	shalt  }
0x60: {  	_ =	shalt  }
0x61: {  	_ =	shalt  }
0x62: {  	_ =	shalt  }
0x63: {  	_ =	shalt  }
0x64: {  	_ =	shalt  }
0x65: {  	_ =	shalt  }
0x66: {  	_ =	shalt  }
0x67: {  	_ =	shalt  }
0x68: {  	_ =	shalt  }
0x69: {  	_ =	shalt  }
0x6a: {  	_ =	shalt  }
0x6b: {  	_ =	shalt  }
0x6c: {  	_ =	shalt  }
0x6d: {  	_ =	shalt  }
0x6e: {  	_ =	shalt  }
0x6f: {  	_ =	shalt  }
0x70: {  	_ =	shalt  }
0x71: {  	_ =	shalt  }
0x72: {  	_ =	shalt  }
0x73: {  	_ =	shalt  }
0x74: {  	_ =	shalt  }
0x75: {  	_ =	shalt  }
0x76: {  	_ =	shalt  }
0x77: {  	_ =	shalt  }
0x78: {  	_ =	shalt  }
0x79: {  	_ =	shalt  }
0x7a: {  	_ =	shalt  }
0x7b: {  	_ =	shalt  }
0x7c: {  	_ =	shalt  }
0x7d: {  	_ =	shalt  }
0x7e: {  	_ =	shalt  }
0x7f: {  	_ =	shalt  }
0x80: {  	_ =	shalt  }
0x81: {  	_ =	shalt  }
0x82: {  	_ =	shalt  }
0x83: {  	_ =	shalt  }
0x84: {  	_ =	shalt  }
0x85: {  	_ =	shalt  }
0x86: {  	_ =	shalt  }
0x87: {  	_ =	shalt  }
.Lfunc_end0:
.L_simem_size_0:
called_computation.1_lowered:
.L_overlay_start_0:
0x88: {  	s2 =	sld [smem:$0x3FD9]  }
0x89: {  	s3 =	sld [smem:$0x3FFE];
	_ =	sdelay $0x1  }
0x8a: {  	s1 =	srdreg.scid  }
0x8b: {  	s0 =	sand.u32 $0x1, s1  }
0x8c: {  	s16 =	sshll.u32 s0, $0xA;
	s2 =	sadd.s32 s3, s2  }
0x8d: {  	s2 =	sadd.s32 s2, s16  }
0x8e: {  	[smem:$0x3FBD] =	sst s2  }
0x8f: {  	_ = 	snop  }
0x90: {  	(tm) =	ssettm $0x1  }
0x91: {  	s17 =	sld [smem:$0x3FFB];
	_ =	sdelay $0x3  }
0x92: {  	_ =	strace s17  }
0x93: {  	s2 =	sld [smem:$0x3FFC];
	_ =	sdelay $0x3  }
0x94: {  	_ =	strace s2  }
0x95: {  	s2 =	sld [smem:$0x3FFD];
	_ =	sdelay $0x3  }
0x96: {  	_ =	strace s2  }
0x97: {  	_ =	strace $0x8FFFFFFF  }
0x98: {  	s18 =	sld [smem:$0x3FDB];
	_ =	sdelay $0x1  }
0x99: {  	s19 =	simm.s32 $_scs_section_size  }
0x9a: {  	s4 =	simm.s32 $_size__tile_overlayer_lowered;
	s5 =	simm.s32 $_tile_overlayer_lowered  }
0x9b: {  	s22 =	simm.s32 $0x1BFF;
	s21 =	sshll.u32 s5, $0x1;
	s2 =	sadd.s32 s19, s18  }
0x9c: {  	s6 =	simm.s32 $0x0;
	s20 =	sshll.u32 s4, $0x1;
	s4 =	sadd.s32 s21, s2  }
0x9d: {  	[timem:s6], [sflag:s22] =	dma.local [hbm:s4], s20  }
0x9e: {  	_ =	swait.ge [sflag:s22], s20  }
0x9f: {  	s3 =	ssub.s32 $0x0, s20;
	[sflag:s22] =	ssyncset.done $0x0  }
0xa0: {  	[sflag:s22] =	ssyncadd.s32 s3;
	_ =	sdelay $0x1  }
0xa1: {  	s23 =	simm.s32 $0x1B8B  }
0xa2: {  	_ =	swait.ge [sflag:s23], $0x1  }
0xa3: {  	[sflag:s23] =	ssyncset.done $0x0  }
0xa4: {  	s25 =	simm.s32 $0x1B8E;
	s24 =	sld [smem:$0x3FFE];
	[sflag:s23] =	ssyncadd.s32 $0xFFFFFFFF  }
0xa5: {  	s26 =	simm.s32 $execute0_lowered;
	[smem:$0x3FD2] =	sst s25  }
0xa6: {  	s4 =	sshll.u32 s26, $0x1;
	_ =	strace $0x80000049;
	[dreg:$0x1] =	wrdreg $0xFFFFFFFF  }
0xa7: {  	s28 =	simm.s32 $_size_execute0_lowered;
	s2 =	sadd.s32 s2, s4;
	[dreg:$0x0] =	wrdreg $0x0  }
0xa8: {  	s4 =	sshll.u32 s28, $0x1;
	[dreg:$0x2] =	wrdreg s2  }
0xa9: {  	[dreg:$0x3] =	wrdreg s4  }
0xaa: {  	[dreg:$0x4] =	wrdreg $0xC0  }
0xab: {  	_ =	task [dreg:s6], $0x5FFFF  }
0xac: {  	[dreg:$0x1] =	wrdreg $0xFFFFFFFF  }
0xad: {  	[dreg:$0x0] =	wrdreg $0x60  }
0xae: {  	[dreg:$0x2] =	wrdreg s24  }
0xaf: {  	[dreg:$0x3] =	wrdreg $0x108000  }
0xb0: {  	[dreg:$0x4] =	wrdreg $0x9  }
0xb1: {  	_ =	task.clear_ibuf [dreg:s6], $0x5FFFF;
	_ =	strace $0x90000049  }
0xb2: {  	s29 =	simm.s32 $0x9;
	_ =	strace $0x8000004B  }
0xb3: {  	_ =	swait.ge [sflag:s29], $0x1  }
0xb4: {  	[sflag:s29] =	ssyncadd.s32 $0xFFFFFFFF  }
0xb5: {  	_ =	strace $0x9000004B  }
0xb6: {  	_ =	sfence  }
0xb7: {  	s30 =	sld [smem:$0x0];
	_ =	sdelay $0x2  }
0xb8: {  	s31 =	sshll.u32 s1, $0xD;
	s1 =	sshrl.u32 s1, $0x2  }
0xb9: {  	s3 =	sand.u32 $0x4000, s31;
	s1 =	sadd.s32 s1, s30  }
0xba: {  	s0 =	sor.u32 s3, s0;
	s1 =	sshll.u32 s1, $0x11  }
0xbb: {  	s0 =	sor.u32 s1, s0  }
0xbc: {  	s0 =	sadd.s32 $0x8F2B, s0  }
0xbd: {  	[sflag:s0] =	ssyncadd.remote.s32 $0x1  }
0xbe: {  	_ =	sfence.sel $0xFFFF  }
0xbf: {  	[dreg:$0x0] =	wrdreg $0xFFFFFFFF;
	(pc) =	sbr.abs _section_cstart, $3  }
0xc0: {  	[dreg:$0x1] =	wrdreg $0xFFFFFFFF  }
0xc1: {  	_ =	task.clear_ibuf [dreg:s6], $0x2FFFF;
	_ =	strace $0x9FFFFFFF  }
0xc2: {  	(tm) =	ssettm $0x7FFFFFFF  }
0xc3: {  	_ =	shalt  }
tec
execute0_lowered:
.L_overlay_start_1:
0x0: {  	(tag) =	ssettag $0x1  }
0x1: {  	s0 =	rddreg [dreg:$0x0]  }
0x2: {  	s1 =	rddreg [dreg:$0x1]  }
0x3: {  	s2 =	simm.s32 $0x0;
	s3 =	srdreg.scid;
	s16 =	stileid.u32  }
0x4: {  	s28 =	simm.s32 $0x2;
	s29 =	simm.s32 $0x600;
	s8 =	smul.u32 $0x280, s16  }
0x5: {  	s30 =	simm.s32 $0x680;
	s31 =	simm.s32 $0xA800;
	s9 =	smul.u32 $0x28000, s16  }
0x6: {  	[smem:$0x7FF] =	sst s2;
	s3 =	sand.u32 $0x1, s3;
	s12 =	smul.u32 $0x5000, s16  }
0x7: {  	s4 =	sadd.s32 $0x1A8800, s0;
	s7 =	sadd.s32 $0x40800, s0;
	s19 =	smul.u32 $0xA00, s16  }
0x8: {  	s10 =	sadd.s32 $0x2C800, s0;
	s23 =	sshll.u32 s16, $0x6;
	s5 =	smul.u32 $0x14000, s3  }
0x9: {  	s16 =	simm.s32 $0x800;
	_ =	strace $0x8000004A;
	s11 =	smul.u32 $0xA0000, s3  }
0xa: {  	s6 =	ssub.s32 $0x2, s3;
	s13 =	smul.u32 $0x5000, s3;
	s3 =	sshllo.u32 s3, $0x1  }
0xb: {  	[dreg:$0x7] =	wrdreg s10;
	s21 =	sshrl.u32 s6, $0x1;
	s26 =	smul.u32 $0x50000, s3  }
0xc: {  	s22 =	sshrl.u32 s9, $0x2;
	s3 =	smul.u32 $0x2800, s3;
	s9 =	simm.s32 $0x0  }
0xd: {  	s5 =	sadd.s32 s5, s0;
	s0 =	sadd.s32 $0x68800, s0;
	s10 =	ssub.s32 s6, s21  }
0xe: {  	s14 =	sadd.s32 s22, s1;
	s24 =	sadd.s32 s12, s11;
	s25 =	sadd.s32 s8, s13  }
0xf: {  	s6 =	sor.u32 $0x1C03, s23;
	s15 =	sshrl.u32 s24, $0x3;
	s11 =	sshll.u32 s25, $0x3  }
0x10: {  	s3 =	sadd.s32 s8, s3;
	s17 =	sor.u32 $0x400, s24;
	s20 =	smax.u32 s10, $0x1  }
0x11: {  	s21 =	sor.u32 $0x200, s24;
	s22 =	sadd.s32 $0x50400, s24;
	s23 =	sadd.s32 $0x50200, s24  }
0x12: {  	s10 =	sshrl.u32 s14, $0x3;
	s14 =	simm.s32 $0x3;
	[dreg:$0x8] =	wrdreg s6  }
0x13: {  	s15 =	sadd.s32 s7, s15;
	s11 =	sadd.s32 s0, s11;
	[dreg:$0xd] =	wrdreg s20  }
0x14: {  	s3 =	sshll.u32 s3, $0x3;
	s8 =	sshrl.u32 s17, $0x3;
	[dreg:$0xe] =	wrdreg s10  }
0x15: {  	s25 =	sshrl.u32 s23, $0x3;
	s17 =	simm.s32 $0x8800;
	[dreg:$0x9] =	wrdreg s15  }
0x16: {  	s20 =	simm.s32 $0x80;
	s23 =	simm.s32 $0x500;
	[dreg:$0xa] =	wrdreg s11  }
0x17: {  	s15 =	sadd.s32 s12, s26;
	s0 =	sadd.s32 s0, s3;
	s18 =	sadd.s32 s8, s7  }
0x18: {  	s3 =	sadd.s32 s19, s5;
	s5 =	sshrl.u32 s22, $0x3;
	s26 =	sadd.s32 s25, s7  }
0x19: {  	s19 =	simm.s32 $0x400;
	s22 =	simm.s32 $0x2800;
	s25 =	simm.s32 $0x580  }
0x1a: {  	s8 =	simm.s32 $0xE800;
	s11 =	sshrl.u32 s15, $0x3;
	[dreg:$0xc] =	wrdreg s0  }
0x1b: {  	[dreg:$0x3] =	wrdreg s18;
	s0 =	sshrl.u32 s21, $0x3;
	s24 =	sadd.s32 s5, s7  }
0x1c: {  	s12 =	sadd.s32 $0x4800, s3;
	[dreg:$0x6] =	wrdreg s26;
	s15 =	simm.s32 $0x200  }
0x1d: {  	s18 =	simm.s32 $0x1;
	s21 =	simm.s32 $0x480;
	s26 =	simm.s32 $0x6800  }
0x1e: {  	s3 =	simm.s32 $0xC800;
	s11 =	sadd.s32 s7, s11;
	[dreg:$0x5] =	wrdreg s24  }
0x1f: {  	s0 =	sadd.s32 s0, s7;
	s24 =	simm.s32 $0x4800;
	[dreg:$0xb] =	wrdreg s11  }
0x20: {  	s7 =	simm.s32 $0x780;
	[dreg:$0x4] =	wrdreg s0;
	s0 =	simm.s32 $0x700  }
.LBB2_1:
0x21: {  	s5 =	rddreg [dreg:$0x7]  }
0x22: {  	[spmem:s10], [sflag:s6] =	dma.local [hbm:s5], $0x1400  }
0x23: {  	_ =	swait.ge [sflag:s14], $0x1400  }
0x24: {  	[sflag:s14] =	ssyncset.done $0x0  }
0x25: {  	[sflag:s14] =	ssyncadd.s32 $0xFFFFEC00  }
0x26: {  	[bflag:$0x0] =	sbarrier.arrive $0xFFFF  }
0x27: {  	s10 =	rddreg [dreg:$0x9]  }
0x28: {  	[tilespmem:s2], [sflag:$0x3] =	stream.linear.gather [hbm4b:s10+s2], $0x200, $0x38;
	[tilespmem:$0x1A800] =	vst v63  }
0x29: {  	_ =	swait.ge [sflag:s14], $0x200  }
0x2a: {  	[sflag:s14] =	ssyncset.done $0x0  }
0x2b: {  	s11 =	rddreg [dreg:$0x4];
	[sflag:s14] =	ssyncadd.s32 $0xFFFFFE00  }
0x2c: {  	[tilespmem:s16], [sflag:$0x1] =	stream.indirect.gather [hbm4b:s4+s15], $0x40, s2, s15, $0xb8;
	[tilespmem:$0x1A800] =	vst v63  }
0x2d: {  	s5 =	sadd.s32 $0x0, s11  }
0x2e: {  	[tilespmem:s15], [sflag:$0x3] =	stream.linear.gather [hbm4b:s5+s2], $0x200, $0x38;
	[tilespmem:$0x1A800] =	vst v63  }
0x2f: {  	_ =	swait.ge [sflag:s14], $0x200  }
0x30: {  	[sflag:s14] =	ssyncset.done $0x0  }
0x31: {  	[sflag:s14] =	ssyncadd.s32 $0xFFFFFE00  }
0x32: {  	[tilespmem:s17], [sflag:$0x2] =	stream.indirect.gather [hbm4b:s4+s15], $0x40, s15, s15, $0xb8;
	[tilespmem:$0x1A800] =	vst v63  }
0x33: {  	_ =	swait.ge [sflag:s18], $0x8000  }
0x34: {  	[sflag:s18] =	ssyncset.done $0x0  }
0x35: {  	s13 =	sadd.s32 $0x0, s12;
	[sflag:s18] =	ssyncadd.s32 $0xFFFF8000  }
0x36: {  	[tilespmem:s19], [sflag:$0x3] =	stream.linear.gather [hbm4b:s13+s2], $0x200, $0x38;
	[tilespmem:$0x1A800] =	vst v63  }
0x37: {  	_ =	swait.ge [sflag:s14], $0x200  }
0x38: {  	[sflag:s14] =	ssyncset.done $0x0  }
0x39: {  	[sflag:s14] =	ssyncadd.s32 $0xFFFFFE00  }
0x3a: {  	[spmem:s1] =	stream.indirect.scatter.add.f32 [tilespmem:s16], [sflag:$0x3], $0x40, s19, s20, $0xb8;
	[tilespmem:$0x1A800] =	vst v63  }
0x3b: {  	_ =	swait.ge [sflag:s14], $0x2000  }
0x3c: {  	[sflag:s14] =	ssyncset.done $0x0  }
0x3d: {  	[sflag:s14] =	ssyncadd.s32 $0xFFFFE000  }
0x3e: {  	[spmem:s1] =	stream.indirect.scatter.add.f32 [tilespmem:s22], [sflag:$0x3], $0x40, s21, s20, $0xb8;
	[tilespmem:$0x1A800] =	vst v63  }
0x3f: {  	_ =	swait.ge [sflag:s14], $0x2000  }
0x40: {  	[sflag:s14] =	ssyncset.done $0x0  }
0x41: {  	[sflag:s14] =	ssyncadd.s32 $0xFFFFE000  }
0x42: {  	[spmem:s1] =	stream.indirect.scatter.add.f32 [tilespmem:s24], [sflag:$0x3], $0x40, s23, s20, $0xb8;
	[tilespmem:$0x1A800] =	vst v63  }
0x43: {  	_ =	swait.ge [sflag:s14], $0x2000  }
0x44: {  	[sflag:s14] =	ssyncset.done $0x0  }
0x45: {  	[sflag:s14] =	ssyncadd.s32 $0xFFFFE000  }
0x46: {  	[spmem:s1] =	stream.indirect.scatter.add.f32 [tilespmem:s26], [sflag:$0x3], $0x40, s25, s20, $0xb8;
	[tilespmem:$0x1A800] =	vst v63  }
0x47: {  	_ =	swait.ge [sflag:s14], $0x2000  }
0x48: {  	p0 =	por $0x0, $0x0;
	s10 =	rddreg [dreg:$0x3];
	[sflag:s14] =	ssyncset.done $0x0  }
0x49: {  	s11 =	simm.s32 @!p0 $0x0;
	[sflag:s14] =	ssyncadd.s32 $0xFFFFE000;
	s10 =	sadd.s32 @!p0 $0x0, s10  }
0x4a: {  	[tilespmem:s11], [sflag:$0x3] =	stream.linear.gather @!p0 [hbm4b:s10+s11], $0x200, $0x38;
	[tilespmem:$0x1A800] =	vst v63  }
0x4b: {  	s10 =	simm.s32 @!p0 $0x3  }
0x4c: {  	_ =	swait.ge @!p0 [sflag:s10], $0x200  }
0x4d: {  	[sflag:s10] =	ssyncset.done @!p0 $0x0  }
0x4e: {  	s6 =	simm.s32 @!p0 $0x800;
	[sflag:s10] =	ssyncadd.s32 @!p0 $0xFFFFFE00;
	s10 =	simm.s32 @!p0 $0x200  }
0x4f: {  	[tilespmem:s6], [sflag:$0x1] =	stream.indirect.gather @!p0 [hbm4b:s4+s10], $0x40, s11, s10, $0xb8;
	[tilespmem:$0x1A800] =	vst v63  }
0x50: {  	_ =	swait.ge [sflag:s28], $0x8000  }
0x51: {  	[sflag:s28] =	ssyncset.done $0x0  }
0x52: {  	s5 =	sadd.s32 $0x40, s13;
	[sflag:s28] =	ssyncadd.s32 $0xFFFF8000  }
0x53: {  	[tilespmem:s29], [sflag:$0x3] =	stream.linear.gather [hbm4b:s5+s2], $0x200, $0x38;
	[tilespmem:$0x1A800] =	vst v63  }
0x54: {  	_ =	swait.ge [sflag:s14], $0x200  }
0x55: {  	[sflag:s14] =	ssyncset.done $0x0  }
0x56: {  	[sflag:s14] =	ssyncadd.s32 $0xFFFFFE00  }
0x57: {  	[spmem:s1] =	stream.indirect.scatter.add.f32 [tilespmem:s17], [sflag:$0x3], $0x40, s29, s20, $0xb8;
	[tilespmem:$0x1A800] =	vst v63  }
0x58: {  	_ =	swait.ge [sflag:s14], $0x2000  }
0x59: {  	[sflag:s14] =	ssyncset.done $0x0  }
0x5a: {  	[sflag:s14] =	ssyncadd.s32 $0xFFFFE000  }
0x5b: {  	[spmem:s1] =	stream.indirect.scatter.add.f32 [tilespmem:s31], [sflag:$0x3], $0x40, s30, s20, $0xb8;
	[tilespmem:$0x1A800] =	vst v63  }
0x5c: {  	_ =	swait.ge [sflag:s14], $0x2000  }
0x5d: {  	[sflag:s14] =	ssyncset.done $0x0  }
0x5e: {  	[sflag:s14] =	ssyncadd.s32 $0xFFFFE000  }
0x5f: {  	[spmem:s1] =	stream.indirect.scatter.add.f32 [tilespmem:s3], [sflag:$0x3], $0x40, s0, s20, $0xb8;
	[tilespmem:$0x1A800] =	vst v63  }
0x60: {  	_ =	swait.ge [sflag:s14], $0x2000  }
0x61: {  	[sflag:s14] =	ssyncset.done $0x0  }
0x62: {  	[sflag:s14] =	ssyncadd.s32 $0xFFFFE000  }
0x63: {  	[spmem:s1] =	stream.indirect.scatter.add.f32 [tilespmem:s8], [sflag:$0x3], $0x40, s7, s20, $0xb8;
	[tilespmem:$0x1A800] =	vst v63  }
0x64: {  	s10 =	simm.s32 $0x80;
	_ =	swait.ge [sflag:s14], $0x2000  }
.LBB2_2:
0x65: {  	s5 =	rddreg [dreg:$0x4];
	s11 =	smov.u32 s10;
	[sflag:s14] =	ssyncset.done $0x0  }
0x66: {  	s5 =	sadd.s32 s11, s5;
	[sflag:s14] =	ssyncadd.s32 $0xFFFFE000  }
0x67: {  	[tilespmem:s15], [sflag:$0x3] =	stream.linear.gather [hbm4b:s5+s2], $0x200, $0x38;
	[tilespmem:$0x1A800] =	vst v63  }
0x68: {  	_ =	swait.ge [sflag:s14], $0x200  }
0x69: {  	[sflag:s14] =	ssyncset.done $0x0  }
0x6a: {  	[sflag:s14] =	ssyncadd.s32 $0xFFFFFE00  }
0x6b: {  	[tilespmem:s17], [sflag:$0x2] =	stream.indirect.gather [hbm4b:s4+s15], $0x40, s15, s15, $0xb8;
	[tilespmem:$0x1A800] =	vst v63  }
0x6c: {  	_ =	swait.ge [sflag:s18], $0x8000  }
0x6d: {  	[sflag:s18] =	ssyncset.done $0x0  }
0x6e: {  	s5 =	sadd.s32 s11, s12;
	[sflag:s18] =	ssyncadd.s32 $0xFFFF8000  }
0x6f: {  	[tilespmem:s19], [sflag:$0x3] =	stream.linear.gather [hbm4b:s5+s2], $0x200, $0x38;
	[tilespmem:$0x1A800] =	vst v63  }
0x70: {  	_ =	swait.ge [sflag:s14], $0x200  }
0x71: {  	[sflag:s14] =	ssyncset.done $0x0  }
0x72: {  	[sflag:s14] =	ssyncadd.s32 $0xFFFFFE00  }
0x73: {  	[spmem:s1] =	stream.indirect.scatter.add.f32 [tilespmem:s16], [sflag:$0x3], $0x40, s19, s20, $0xb8;
	[tilespmem:$0x1A800] =	vst v63  }
0x74: {  	_ =	swait.ge [sflag:s14], $0x2000  }
0x75: {  	[sflag:s14] =	ssyncset.done $0x0  }
0x76: {  	[sflag:s14] =	ssyncadd.s32 $0xFFFFE000  }
0x77: {  	[spmem:s1] =	stream.indirect.scatter.add.f32 [tilespmem:s22], [sflag:$0x3], $0x40, s21, s20, $0xb8;
	[tilespmem:$0x1A800] =	vst v63  }
0x78: {  	_ =	swait.ge [sflag:s14], $0x2000  }
0x79: {  	[sflag:s14] =	ssyncset.done $0x0  }
0x7a: {  	[sflag:s14] =	ssyncadd.s32 $0xFFFFE000  }
0x7b: {  	[spmem:s1] =	stream.indirect.scatter.add.f32 [tilespmem:s24], [sflag:$0x3], $0x40, s23, s20, $0xb8;
	[tilespmem:$0x1A800] =	vst v63  }
0x7c: {  	_ =	swait.ge [sflag:s14], $0x2000  }
0x7d: {  	[sflag:s14] =	ssyncset.done $0x0  }
0x7e: {  	[sflag:s14] =	ssyncadd.s32 $0xFFFFE000  }
0x7f: {  	[spmem:s1] =	stream.indirect.scatter.add.f32 [tilespmem:s26], [sflag:$0x3], $0x40, s25, s20, $0xb8;
	[tilespmem:$0x1A800] =	vst v63  }
0x80: {  	_ =	swait.ge [sflag:s14], $0x2000  }
0x81: {  	p1 =	seq.s32 s11, $0x980;
	s6 =	rddreg [dreg:$0x3];
	[sflag:s14] =	ssyncset.done $0x0  }
0x82: {  	[sflag:s14] =	ssyncadd.s32 $0xFFFFE000;
	s6 =	sadd.s32 @!p1 s11, s6;
	s11 =	simm.s32 @!p1 $0x0  }
0x83: {  	[tilespmem:s11], [sflag:$0x3] =	stream.linear.gather @!p1 [hbm4b:s6+s11], $0x200, $0x38;
	[tilespmem:$0x1A800] =	vst v63  }
0x84: {  	s6 =	simm.s32 @!p1 $0x3  }
0x85: {  	_ =	swait.ge @!p1 [sflag:s6], $0x200  }
0x86: {  	[sflag:s6] =	ssyncset.done @!p1 $0x0  }
0x87: {  	s13 =	simm.s32 @!p1 $0x800;
	[sflag:s6] =	ssyncadd.s32 @!p1 $0xFFFFFE00;
	s6 =	simm.s32 @!p1 $0x200  }
0x88: {  	[tilespmem:s13], [sflag:$0x1] =	stream.indirect.gather @!p1 [hbm4b:s4+s6], $0x40, s11, s6, $0xb8;
	[tilespmem:$0x1A800] =	vst v63  }
0x89: {  	_ =	swait.ge [sflag:s28], $0x8000  }
0x8a: {  	[sflag:s28] =	ssyncset.done $0x0  }
0x8b: {  	s5 =	sadd.s32 $0x40, s5;
	[sflag:s28] =	ssyncadd.s32 $0xFFFF8000  }
0x8c: {  	[tilespmem:s29], [sflag:$0x3] =	stream.linear.gather [hbm4b:s5+s2], $0x200, $0x38;
	[tilespmem:$0x1A800] =	vst v63  }
0x8d: {  	_ =	swait.ge [sflag:s14], $0x200  }
0x8e: {  	[sflag:s14] =	ssyncset.done $0x0  }
0x8f: {  	[sflag:s14] =	ssyncadd.s32 $0xFFFFFE00  }
0x90: {  	[spmem:s1] =	stream.indirect.scatter.add.f32 [tilespmem:s17], [sflag:$0x3], $0x40, s29, s20, $0xb8;
	[tilespmem:$0x1A800] =	vst v63  }
0x91: {  	_ =	swait.ge [sflag:s14], $0x2000  }
0x92: {  	[sflag:s14] =	ssyncset.done $0x0  }
0x93: {  	[sflag:s14] =	ssyncadd.s32 $0xFFFFE000  }
0x94: {  	[spmem:s1] =	stream.indirect.scatter.add.f32 [tilespmem:s31], [sflag:$0x3], $0x40, s30, s20, $0xb8;
	[tilespmem:$0x1A800] =	vst v63  }
0x95: {  	_ =	swait.ge [sflag:s14], $0x2000  }
0x96: {  	s10 =	sadd.s32 $0x80, s10;
	[sflag:s14] =	ssyncset.done $0x0  }
0x97: {  	p0 =	sne.s32 s10, $0xA00;
	[sflag:s14] =	ssyncadd.s32 $0xFFFFE000  }
0x98: {  	[spmem:s1] =	stream.indirect.scatter.add.f32 [tilespmem:s3], [sflag:$0x3], $0x40, s0, s20, $0xb8;
	[tilespmem:$0x1A800] =	vst v63  }
.Ltmp0:
0x99: {  	_ =	swait.ge [sflag:s14], $0x2000;
	(pc) =	sbr.rel @p0 .LBB2_2-.Ltmp0, $4  }
0x9a: {  	[sflag:s14] =	ssyncset.done $0x0  }
0x9b: {  	[sflag:s14] =	ssyncadd.s32 $0xFFFFE000  }
0x9c: {  	[spmem:s1] =	stream.indirect.scatter.add.f32 [tilespmem:s8], [sflag:$0x3], $0x40, s7, s20, $0xb8;
	[tilespmem:$0x1A800] =	vst v63  }
0x9d: {  	_ =	swait.ge [sflag:s14], $0x2000  }
0x9e: {  	[sflag:s14] =	ssyncset.done $0x0  }
0x9f: {  	[sflag:s14] =	ssyncadd.s32 $0xFFFFE000  }
0xa0: {  	[bflag:$0x0] =	sbarrier.arrive $0xFFFF  }
0xa1: {  	s6 =	rddreg [dreg:$0x8]  }
0xa2: {  	s5 =	rddreg [dreg:$0xa]  }
0xa3: {  	s10 =	rddreg [dreg:$0xe]  }
0xa4: {  	[hbm:s5], [sflag:s6] =	dma.local [spmem:s10], $0x1400  }
0xa5: {  	_ =	swait.ge [sflag:s14], $0x1400  }
0xa6: {  	[sflag:s14] =	ssyncset.done $0x0  }
0xa7: {  	[sflag:s14] =	ssyncadd.s32 $0xFFFFEC00  }
0xa8: {  	[bflag:$0x0] =	sbarrier.arrive $0xFFFF  }
0xa9: {  	s13 =	rddreg [dreg:$0x7]  }
0xaa: {  	[spmem:s10], [sflag:s6] =	dma.local [hbm:s13], $0x1400  }
0xab: {  	_ =	swait.ge [sflag:s14], $0x1400  }
0xac: {  	[sflag:s14] =	ssyncset.done $0x0  }
0xad: {  	[sflag:s14] =	ssyncadd.s32 $0xFFFFEC00  }
0xae: {  	[bflag:$0x0] =	sbarrier.arrive $0xFFFF  }
0xaf: {  	s11 =	simm.s32 $0x0;
	s13 =	rddreg [dreg:$0xb]  }
0xb0: {  	[tilespmem:s11], [sflag:$0x3] =	stream.linear.gather [hbm4b:s13+s11], $0x200, $0x38;
	[tilespmem:$0x1A800] =	vst v63  }
0xb1: {  	_ =	swait.ge [sflag:s14], $0x200  }
0xb2: {  	[sflag:s14] =	ssyncset.done $0x0  }
0xb3: {  	s10 =	rddreg [dreg:$0x6];
	[sflag:s14] =	ssyncadd.s32 $0xFFFFFE00  }
0xb4: {  	[tilespmem:s16], [sflag:$0x1] =	stream.indirect.gather [hbm4b:s4+s15], $0x40, s11, s15, $0xb8;
	[tilespmem:$0x1A800] =	vst v63  }
0xb5: {  	s11 =	sadd.s32 $0x0, s10  }
0xb6: {  	[tilespmem:s15], [sflag:$0x3] =	stream.linear.gather [hbm4b:s11+s2], $0x200, $0x38;
	[tilespmem:$0x1A800] =	vst v63  }
0xb7: {  	_ =	swait.ge [sflag:s14], $0x200  }
0xb8: {  	[sflag:s14] =	ssyncset.done $0x0  }
0xb9: {  	[sflag:s14] =	ssyncadd.s32 $0xFFFFFE00  }
0xba: {  	[tilespmem:s17], [sflag:$0x2] =	stream.indirect.gather [hbm4b:s4+s15], $0x40, s15, s15, $0xb8;
	[tilespmem:$0x1A800] =	vst v63  }
0xbb: {  	_ =	swait.ge [sflag:s18], $0x8000  }
0xbc: {  	s5 =	sadd.s32 $0x0, s12;
	[sflag:s18] =	ssyncset.done $0x0  }
0xbd: {  	s13 =	sadd.s32 $0xA000, s5;
	[sflag:s18] =	ssyncadd.s32 $0xFFFF8000  }
0xbe: {  	[tilespmem:s19], [sflag:$0x3] =	stream.linear.gather [hbm4b:s13+s2], $0x200, $0x38;
	[tilespmem:$0x1A800] =	vst v63  }
0xbf: {  	_ =	swait.ge [sflag:s14], $0x200  }
0xc0: {  	[sflag:s14] =	ssyncset.done $0x0  }
0xc1: {  	[sflag:s14] =	ssyncadd.s32 $0xFFFFFE00  }
0xc2: {  	[spmem:s1] =	stream.indirect.scatter.add.f32 [tilespmem:s16], [sflag:$0x3], $0x40, s19, s20, $0xb8;
	[tilespmem:$0x1A800] =	vst v63  }
0xc3: {  	_ =	swait.ge [sflag:s14], $0x2000  }
0xc4: {  	[sflag:s14] =	ssyncset.done $0x0  }
0xc5: {  	[sflag:s14] =	ssyncadd.s32 $0xFFFFE000  }
0xc6: {  	[spmem:s1] =	stream.indirect.scatter.add.f32 [tilespmem:s22], [sflag:$0x3], $0x40, s21, s20, $0xb8;
	[tilespmem:$0x1A800] =	vst v63  }
0xc7: {  	_ =	swait.ge [sflag:s14], $0x2000  }
0xc8: {  	[sflag:s14] =	ssyncset.done $0x0  }
0xc9: {  	[sflag:s14] =	ssyncadd.s32 $0xFFFFE000  }
0xca: {  	[spmem:s1] =	stream.indirect.scatter.add.f32 [tilespmem:s24], [sflag:$0x3], $0x40, s23, s20, $0xb8;
	[tilespmem:$0x1A800] =	vst v63  }
0xcb: {  	_ =	swait.ge [sflag:s14], $0x2000  }
0xcc: {  	[sflag:s14] =	ssyncset.done $0x0  }
0xcd: {  	[sflag:s14] =	ssyncadd.s32 $0xFFFFE000  }
0xce: {  	[spmem:s1] =	stream.indirect.scatter.add.f32 [tilespmem:s26], [sflag:$0x3], $0x40, s25, s20, $0xb8;
	[tilespmem:$0x1A800] =	vst v63  }
0xcf: {  	_ =	swait.ge [sflag:s14], $0x2000  }
0xd0: {  	p0 =	por $0x0, $0x0;
	s6 =	rddreg [dreg:$0x5];
	[sflag:s14] =	ssyncset.done $0x0  }
0xd1: {  	s10 =	simm.s32 @!p0 $0x0;
	[sflag:s14] =	ssyncadd.s32 $0xFFFFE000;
	s6 =	sadd.s32 @!p0 $0x0, s6  }
0xd2: {  	[tilespmem:s10], [sflag:$0x3] =	stream.linear.gather @!p0 [hbm4b:s6+s10], $0x200, $0x38;
	[tilespmem:$0x1A800] =	vst v63  }
0xd3: {  	s6 =	simm.s32 @!p0 $0x3  }
0xd4: {  	_ =	swait.ge @!p0 [sflag:s6], $0x200  }
0xd5: {  	[sflag:s6] =	ssyncset.done @!p0 $0x0  }
0xd6: {  	s11 =	simm.s32 @!p0 $0x800;
	[sflag:s6] =	ssyncadd.s32 @!p0 $0xFFFFFE00;
	s6 =	simm.s32 @!p0 $0x200  }
0xd7: {  	[tilespmem:s11], [sflag:$0x1] =	stream.indirect.gather @!p0 [hbm4b:s4+s6], $0x40, s10, s6, $0xb8;
	[tilespmem:$0x1A800] =	vst v63  }
0xd8: {  	_ =	swait.ge [sflag:s28], $0x8000  }
0xd9: {  	[sflag:s28] =	ssyncset.done $0x0  }
0xda: {  	s5 =	sadd.s32 $0xA040, s5;
	[sflag:s28] =	ssyncadd.s32 $0xFFFF8000  }
0xdb: {  	[tilespmem:s29], [sflag:$0x3] =	stream.linear.gather [hbm4b:s5+s2], $0x200, $0x38;
	[tilespmem:$0x1A800] =	vst v63  }
0xdc: {  	_ =	swait.ge [sflag:s14], $0x200  }
0xdd: {  	[sflag:s14] =	ssyncset.done $0x0  }
0xde: {  	[sflag:s14] =	ssyncadd.s32 $0xFFFFFE00  }
0xdf: {  	[spmem:s1] =	stream.indirect.scatter.add.f32 [tilespmem:s17], [sflag:$0x3], $0x40, s29, s20, $0xb8;
	[tilespmem:$0x1A800] =	vst v63  }
0xe0: {  	_ =	swait.ge [sflag:s14], $0x2000  }
0xe1: {  	[sflag:s14] =	ssyncset.done $0x0  }
0xe2: {  	[sflag:s14] =	ssyncadd.s32 $0xFFFFE000  }
0xe3: {  	[spmem:s1] =	stream.indirect.scatter.add.f32 [tilespmem:s31], [sflag:$0x3], $0x40, s30, s20, $0xb8;
	[tilespmem:$0x1A800] =	vst v63  }
0xe4: {  	_ =	swait.ge [sflag:s14], $0x2000  }
0xe5: {  	[sflag:s14] =	ssyncset.done $0x0  }
0xe6: {  	[sflag:s14] =	ssyncadd.s32 $0xFFFFE000  }
0xe7: {  	[spmem:s1] =	stream.indirect.scatter.add.f32 [tilespmem:s3], [sflag:$0x3], $0x40, s0, s20, $0xb8;
	[tilespmem:$0x1A800] =	vst v63  }
0xe8: {  	_ =	swait.ge [sflag:s14], $0x2000  }
0xe9: {  	[sflag:s14] =	ssyncset.done $0x0  }
0xea: {  	[sflag:s14] =	ssyncadd.s32 $0xFFFFE000  }
0xeb: {  	[spmem:s1] =	stream.indirect.scatter.add.f32 [tilespmem:s8], [sflag:$0x3], $0x40, s7, s20, $0xb8;
	[tilespmem:$0x1A800] =	vst v63  }
0xec: {  	s10 =	simm.s32 $0x80;
	_ =	swait.ge [sflag:s14], $0x2000  }
.LBB2_4:
0xed: {  	s5 =	rddreg [dreg:$0x6];
	s11 =	smov.u32 s10;
	[sflag:s14] =	ssyncset.done $0x0  }
0xee: {  	s5 =	sadd.s32 s11, s5;
	[sflag:s14] =	ssyncadd.s32 $0xFFFFE000  }
0xef: {  	[tilespmem:s15], [sflag:$0x3] =	stream.linear.gather [hbm4b:s5+s2], $0x200, $0x38;
	[tilespmem:$0x1A800] =	vst v63  }
0xf0: {  	_ =	swait.ge [sflag:s14], $0x200  }
0xf1: {  	[sflag:s14] =	ssyncset.done $0x0  }
0xf2: {  	[sflag:s14] =	ssyncadd.s32 $0xFFFFFE00  }
0xf3: {  	[tilespmem:s17], [sflag:$0x2] =	stream.indirect.gather [hbm4b:s4+s15], $0x40, s15, s15, $0xb8;
	[tilespmem:$0x1A800] =	vst v63  }
0xf4: {  	_ =	swait.ge [sflag:s18], $0x8000  }
0xf5: {  	s5 =	sadd.s32 s11, s12;
	[sflag:s18] =	ssyncset.done $0x0  }
0xf6: {  	s6 =	sadd.s32 $0xA000, s5;
	[sflag:s18] =	ssyncadd.s32 $0xFFFF8000  }
0xf7: {  	[tilespmem:s19], [sflag:$0x3] =	stream.linear.gather [hbm4b:s6+s2], $0x200, $0x38;
	[tilespmem:$0x1A800] =	vst v63  }
0xf8: {  	_ =	swait.ge [sflag:s14], $0x200  }
0xf9: {  	[sflag:s14] =	ssyncset.done $0x0  }
0xfa: {  	[sflag:s14] =	ssyncadd.s32 $0xFFFFFE00  }
0xfb: {  	[spmem:s1] =	stream.indirect.scatter.add.f32 [tilespmem:s16], [sflag:$0x3], $0x40, s19, s20, $0xb8;
	[tilespmem:$0x1A800] =	vst v63  }
0xfc: {  	_ =	swait.ge [sflag:s14], $0x2000  }
0xfd: {  	[sflag:s14] =	ssyncset.done $0x0  }
0xfe: {  	[sflag:s14] =	ssyncadd.s32 $0xFFFFE000  }
0xff: {  	[spmem:s1] =	stream.indirect.scatter.add.f32 [tilespmem:s22], [sflag:$0x3], $0x40, s21, s20, $0xb8;
	[tilespmem:$0x1A800] =	vst v63  }
0x100: {  	_ =	swait.ge [sflag:s14], $0x2000  }
0x101: {  	[sflag:s14] =	ssyncset.done $0x0  }
0x102: {  	[sflag:s14] =	ssyncadd.s32 $0xFFFFE000  }
0x103: {  	[spmem:s1] =	stream.indirect.scatter.add.f32 [tilespmem:s24], [sflag:$0x3], $0x40, s23, s20, $0xb8;
	[tilespmem:$0x1A800] =	vst v63  }
0x104: {  	_ =	swait.ge [sflag:s14], $0x2000  }
0x105: {  	[sflag:s14] =	ssyncset.done $0x0  }
0x106: {  	[sflag:s14] =	ssyncadd.s32 $0xFFFFE000  }
0x107: {  	[spmem:s1] =	stream.indirect.scatter.add.f32 [tilespmem:s26], [sflag:$0x3], $0x40, s25, s20, $0xb8;
	[tilespmem:$0x1A800] =	vst v63  }
0x108: {  	_ =	swait.ge [sflag:s14], $0x2000  }
0x109: {  	p1 =	seq.s32 s11, $0x980;
	s6 =	rddreg [dreg:$0x5];
	[sflag:s14] =	ssyncset.done $0x0  }
0x10a: {  	[sflag:s14] =	ssyncadd.s32 $0xFFFFE000;
	s6 =	sadd.s32 @!p1 s11, s6;
	s11 =	simm.s32 @!p1 $0x0  }
0x10b: {  	[tilespmem:s11], [sflag:$0x3] =	stream.linear.gather @!p1 [hbm4b:s6+s11], $0x200, $0x38;
	[tilespmem:$0x1A800] =	vst v63  }
0x10c: {  	s6 =	simm.s32 @!p1 $0x3  }
0x10d: {  	_ =	swait.ge @!p1 [sflag:s6], $0x200  }
0x10e: {  	[sflag:s6] =	ssyncset.done @!p1 $0x0  }
0x10f: {  	s13 =	simm.s32 @!p1 $0x800;
	[sflag:s6] =	ssyncadd.s32 @!p1 $0xFFFFFE00;
	s6 =	simm.s32 @!p1 $0x200  }
0x110: {  	[tilespmem:s13], [sflag:$0x1] =	stream.indirect.gather @!p1 [hbm4b:s4+s6], $0x40, s11, s6, $0xb8;
	[tilespmem:$0x1A800] =	vst v63  }
0x111: {  	_ =	swait.ge [sflag:s28], $0x8000  }
0x112: {  	[sflag:s28] =	ssyncset.done $0x0  }
0x113: {  	s5 =	sadd.s32 $0xA040, s5;
	[sflag:s28] =	ssyncadd.s32 $0xFFFF8000  }
0x114: {  	[tilespmem:s29], [sflag:$0x3] =	stream.linear.gather [hbm4b:s5+s2], $0x200, $0x38;
	[tilespmem:$0x1A800] =	vst v63  }
0x115: {  	_ =	swait.ge [sflag:s14], $0x200  }
0x116: {  	[sflag:s14] =	ssyncset.done $0x0  }
0x117: {  	[sflag:s14] =	ssyncadd.s32 $0xFFFFFE00  }
0x118: {  	[spmem:s1] =	stream.indirect.scatter.add.f32 [tilespmem:s17], [sflag:$0x3], $0x40, s29, s20, $0xb8;
	[tilespmem:$0x1A800] =	vst v63  }
0x119: {  	_ =	swait.ge [sflag:s14], $0x2000  }
0x11a: {  	[sflag:s14] =	ssyncset.done $0x0  }
0x11b: {  	[sflag:s14] =	ssyncadd.s32 $0xFFFFE000  }
0x11c: {  	[spmem:s1] =	stream.indirect.scatter.add.f32 [tilespmem:s31], [sflag:$0x3], $0x40, s30, s20, $0xb8;
	[tilespmem:$0x1A800] =	vst v63  }
0x11d: {  	_ =	swait.ge [sflag:s14], $0x2000  }
0x11e: {  	s10 =	sadd.s32 $0x80, s10;
	[sflag:s14] =	ssyncset.done $0x0  }
0x11f: {  	p0 =	sne.s32 s10, $0xA00;
	[sflag:s14] =	ssyncadd.s32 $0xFFFFE000  }
0x120: {  	[spmem:s1] =	stream.indirect.scatter.add.f32 [tilespmem:s3], [sflag:$0x3], $0x40, s0, s20, $0xb8;
	[tilespmem:$0x1A800] =	vst v63  }
.Ltmp1:
0x121: {  	_ =	swait.ge [sflag:s14], $0x2000;
	(pc) =	sbr.rel @p0 .LBB2_4-.Ltmp1, $4  }
0x122: {  	[sflag:s14] =	ssyncset.done $0x0  }
0x123: {  	[sflag:s14] =	ssyncadd.s32 $0xFFFFE000  }
0x124: {  	[spmem:s1] =	stream.indirect.scatter.add.f32 [tilespmem:s8], [sflag:$0x3], $0x40, s7, s20, $0xb8;
	[tilespmem:$0x1A800] =	vst v63  }
0x125: {  	_ =	swait.ge [sflag:s14], $0x2000  }
0x126: {  	[sflag:s14] =	ssyncset.done $0x0  }
0x127: {  	[sflag:s14] =	ssyncadd.s32 $0xFFFFE000  }
0x128: {  	[bflag:$0x0] =	sbarrier.arrive $0xFFFF  }
0x129: {  	s6 =	rddreg [dreg:$0x8]  }
0x12a: {  	s5 =	rddreg [dreg:$0xc]  }
0x12b: {  	s10 =	rddreg [dreg:$0xe]  }
0x12c: {  	[hbm:s5], [sflag:s6] =	dma.local [spmem:s10], $0x1400  }
0x12d: {  	_ =	swait.ge [sflag:s14], $0x1400  }
0x12e: {  	s9 =	sadd.s32 $0x1, s9;
	s13 =	rddreg [dreg:$0xd]  }
0x12f: {  	p0 =	sne.s32 s9, s13  }
.Ltmp2:
0x130: {  	_ = 	snop;
	(pc) =	sbr.rel @p0 .LBB2_1-.Ltmp2, $3  }
0x131: {  	[sflag:s14] =	ssyncset.done $0x0  }
0x132: {  	[sflag:s14] =	ssyncadd.s32 $0xFFFFEC00  }
0x133: {  	[bflag:$0x0] =	sbarrier.arrive $0xFFFF;
	_ =	sdelay $0x1  }
0x134: {  	_ =	sfence.sel $0x180000  }
0x135: {  	[bflag:$0x0] =	sbarrier.arrive $0xFFFF  }
0x136: {  	_ =	strace $0x9000004A  }
0x137: {  	s0 =	stileid.u32;
	[bflag:$0x2] =	sbarrier.arrive $0xFFFF  }
0x138: {  	p0 =	sne.s32 s0, $0x0;
	s0 =	rddreg [dreg:$0x2]  }
0x139: {  	s0 =	sadd.s32 @!p0 $0x100000, s0  }
0x13a: {  	[sflag:s0] =	ssyncadd.tile.s32 @!p0 $0x1;
	_ =	shalt  }
.Lfunc_end2:
_tile_overlayer_lowered:
.L_overlay_start_2:
0x13b: {  	(tag) =	ssettag $0x2  }
0x13c: {  	s0 =	rddreg [dreg:$0x0];
	s2 =	stileid.u32  }
0x13d: {  	s1 =	rddreg [dreg:$0x1];
	p0 =	sne.s32 s2, $0x0  }
0x13e: {  	s3 =	rddreg [dreg:$0x2];
	[bflag:$0x3] =	sbarrier.arrive $0xFFFF;
	s2 =	simm.s32 @!p0 $0x1C03  }
0x13f: {  	[timem:s3], [sflag:s2] =	dma.local @!p0 [hbm:s0], s1  }
0x140: {  	s0 =	simm.s32 @!p0 $0x3  }
0x141: {  	_ =	swait.ge @!p0 [sflag:s0], s1  }
0x142: {  	s1 =	ssub.s32 @!p0 $0x0, s1;
	[sflag:s0] =	ssyncset.done @!p0 $0x0  }
0x143: {  	[sflag:s0] =	ssyncadd.s32 @!p0 s1  }
0x144: {  	[bflag:$0x3] =	sbarrier.arrive $0xFFFF  }
0x145: {  	_ =	shalt  }

// kernel: kernel.16.cloned.1.call-start
scs
__scs_entry_jumppad:
0x0: {  	(pc) =	sbr.rel $0x88, $3  }
0x1: {  	(tag) =	ssettag $0x0;
	lr =	simm.s32 $0x1  }
0x2: {  	[smem:$0x3F96] =	sst lr;
	_ =	strace $0xD0000000  }
0x3: {  	_ = 	snop  }
0x4: {  	_ = 	snop  }
0x5: {  	_ = 	snop  }
0x6: {  	_ = 	snop  }
0x7: {  	_ = 	snop  }
__scs_overlays_trampoline_lowered:
0x8: {  	[smem:$0x3FA5] =	sst s0  }
0x9: {  	[smem:$0x3FA6] =	sst s1  }
0xa: {  	[smem:$0x3FA7] =	sst s2  }
0xb: {  	[smem:$0x3FA8] =	sst s3  }
0xc: {  	[smem:$0x3FA9] =	sst s4  }
0xd: {  	[smem:$0x3FAA] =	sst s5  }
0xe: {  	[smem:$0x3FAB] =	sst s6  }
0xf: {  	[smem:$0x3FAC] =	sst s7  }
0x10: {  	[smem:$0x3FAD] =	sst s8  }
0x11: {  	[smem:$0x3FAE] =	sst s9;
	s0 =	simm.s32 @!p0 $0x0  }
0x12: {  	s1 =	sld [smem:$0x3F94];
	s0 =	simm.s32 @p0 $0x1  }
0x13: {  	[smem:$0x3FAF] =	sst s0;
	s0 =	simm.s32 @!p1 $0x0  }
0x14: {  	s2 =	sld [smem:$0x3F93];
	s0 =	simm.s32 @p1 $0x1  }
0x15: {  	[smem:$0x3FB0] =	sst s0;
	s0 =	simm.s32 @!p2 $0x0  }
0x16: {  	s3 =	sld [smem:$0x3FDB];
	s0 =	simm.s32 @p2 $0x1  }
0x17: {  	s4 =	simm.s32 $0x1BF5;
	[smem:$0x3FB2] =	sst s0  }
0x18: {  	s0 =	sld [smem:$0x3F95];
	_ =	swait.ge [sflag:s4], $0x0  }
0x19: {  	s7 =	sld [smem:$0x3F96]  }
0x1a: {  	s8 =	sadd.s32 $0xFFFFE003, lr  }
0x1b: {  	s9 =	sadd.s32 $0xFFFFFEF7, lr;
	s5 =	simm.s32 $0xFFFFFFFF;
	p2 =	slt.u32 s8, $0xFFFFF086  }
0x1c: {  	p1 =	slt.u32 s9, $0xF7A;
	s5 =	simm.s32 @!p2 $0x0  }
0x1d: {  	s5 =	simm.s32 @p1 $0x1;
	p0 =	seq.s32 s7, s2  }
0x1e: {  	s7 =	smul.u32 @!p0 $0xF7A, s2;
	p2 =	seq.s32 @!p0 s5, $0x0  }
0x1f: {  	s9 =	smul.u32 $0xF7A, s1;
	s8 =	simm.s32 @!p0 $0x1BF5;
	p2 =	por !p2, p0  }
0x20: {  	[sflag:s8] =	ssyncset.s32 @!p0 $0xFFFFF086;
	s6 =	sadd.s32 @!p0 s3, s7;
	s7 =	simm.s32 @!p0 $0x108  }
0x21: {  	s3 =	sadd.s32 s3, s9;
	s6 =	sadd.s32 @!p0 $0x88, s6;
	s7 =	simm.s32 @p2 $0x1082  }
0x22: {  	[simem:s7], [sflag:s8] =	dma.local @!p0 [hbm:s6], $0xF7A  }
0x23: {  	s9 =	sor.u32 $0xD0000000, s2;
	s6 =	simm.s32 $0x108;
	_ =	swait.ge @!p0 [sflag:s8], $0x0  }
0x24: {  	s3 =	sadd.s32 $0x88, s3;
	s6 =	simm.s32 @!p1 $0x1082;
	[sflag:s4] =	ssyncset.s32 $0xFFFFF086  }
0x25: {  	[simem:s6], [sflag:s4] =	dma.local [hbm:s3], $0xF7A  }
0x26: {  	[smem:$0x3F96] =	sst s1;
	(tag) =	ssettag s2;
	_ =	strace s9  }
0x27: {  	s1 =	sld [smem:$0x3FA6]  }
0x28: {  	s2 =	sld [smem:$0x3FA7]  }
0x29: {  	s4 =	sld [smem:$0x3FA9]  }
0x2a: {  	p0 =	seq.s32 s5, $0x0;
	s5 =	sld [smem:$0x3FAA]  }
0x2b: {  	s6 =	sld [smem:$0x3FAB]  }
0x2c: {  	s7 =	sld [smem:$0x3FAC]  }
0x2d: {  	s3 =	simm.s32 $0x108;
	s8 =	sld [smem:$0x3FAD]  }
0x2e: {  	s3 =	simm.s32 @!p0 $0x1082;
	s9 =	sld [smem:$0x3FAE]  }
0x2f: {  	lr =	sadd.s32 s0, s3;
	s0 =	sld [smem:$0x3FA5]  }
0x30: {  	s3 =	sld [smem:$0x3FA8]  }
0x31: {  	[smem:$0x3FB1] =	sst s10  }
0x32: {  	s10 =	sld [smem:$0x3FAF];
	_ =	sdelay $0x3  }
0x33: {  	p0 =	seq.s32 s10, $0x1;
	s10 =	sld [smem:$0x3FB1];
	_ =	sdelay $0x3  }
0x34: {  	[smem:$0x3FB1] =	sst s10  }
0x35: {  	s10 =	sld [smem:$0x3FB0];
	_ =	sdelay $0x3  }
0x36: {  	p1 =	seq.s32 s10, $0x1;
	s10 =	sld [smem:$0x3FB1];
	_ =	sdelay $0x3  }
0x37: {  	[smem:$0x3FB1] =	sst s10  }
0x38: {  	s10 =	sld [smem:$0x3FB2]  }
0x39: {  	_ = 	snop;
	(pc) =	sbr.ind lr, $3  }
0x3a: {  	_ = 	snop  }
0x3b: {  	_ = 	snop  }
0x3c: {  	p2 =	seq.s32 s10, $0x1;
	s10 =	sld [smem:$0x3FB1]  }
0x3d: {  	_ =	shalt  }
0x3e: {  	_ =	shalt  }
0x3f: {  	_ =	shalt  }
0x40: {  	_ =	shalt  }
0x41: {  	_ =	shalt  }
0x42: {  	_ =	shalt  }
0x43: {  	_ =	shalt  }
0x44: {  	_ =	shalt  }
0x45: {  	_ =	shalt  }
0x46: {  	_ =	shalt  }
0x47: {  	_ =	shalt  }
0x48: {  	_ =	shalt  }
0x49: {  	_ =	shalt  }
0x4a: {  	_ =	shalt  }
0x4b: {  	_ =	shalt  }
0x4c: {  	_ =	shalt  }
0x4d: {  	_ =	shalt  }
0x4e: {  	_ =	shalt  }
0x4f: {  	_ =	shalt  }
0x50: {  	_ =	shalt  }
0x51: {  	_ =	shalt  }
0x52: {  	_ =	shalt  }
0x53: {  	_ =	shalt  }
0x54: {  	_ =	shalt  }
0x55: {  	_ =	shalt  }
0x56: {  	_ =	shalt  }
0x57: {  	_ =	shalt  }
0x58: {  	_ =	shalt  }
0x59: {  	_ =	shalt  }
0x5a: {  	_ =	shalt  }
0x5b: {  	_ =	shalt  }
0x5c: {  	_ =	shalt  }
0x5d: {  	_ =	shalt  }
0x5e: {  	_ =	shalt  }
0x5f: {  	_ =	shalt  }
0x60: {  	_ =	shalt  }
0x61: {  	_ =	shalt  }
0x62: {  	_ =	shalt  }
0x63: {  	_ =	shalt  }
0x64: {  	_ =	shalt  }
0x65: {  	_ =	shalt  }
0x66: {  	_ =	shalt  }
0x67: {  	_ =	shalt  }
0x68: {  	_ =	shalt  }
0x69: {  	_ =	shalt  }
0x6a: {  	_ =	shalt  }
0x6b: {  	_ =	shalt  }
0x6c: {  	_ =	shalt  }
0x6d: {  	_ =	shalt  }
0x6e: {  	_ =	shalt  }
0x6f: {  	_ =	shalt  }
0x70: {  	_ =	shalt  }
0x71: {  	_ =	shalt  }
0x72: {  	_ =	shalt  }
0x73: {  	_ =	shalt  }
0x74: {  	_ =	shalt  }
0x75: {  	_ =	shalt  }
0x76: {  	_ =	shalt  }
0x77: {  	_ =	shalt  }
0x78: {  	_ =	shalt  }
0x79: {  	_ =	shalt  }
0x7a: {  	_ =	shalt  }
0x7b: {  	_ =	shalt  }
0x7c: {  	_ =	shalt  }
0x7d: {  	_ =	shalt  }
0x7e: {  	_ =	shalt  }
0x7f: {  	_ =	shalt  }
0x80: {  	_ =	shalt  }
0x81: {  	_ =	shalt  }
0x82: {  	_ =	shalt  }
0x83: {  	_ =	shalt  }
0x84: {  	_ =	shalt  }
0x85: {  	_ =	shalt  }
0x86: {  	_ =	shalt  }
0x87: {  	_ =	shalt  }
.Lfunc_end0:
.L_simem_size_0:
called_computation.2_lowered:
.L_overlay_start_0:
0x88: {  	s2 =	sld [smem:$0x3FD9]  }
0x89: {  	s3 =	sld [smem:$0x3FFE];
	_ =	sdelay $0x1  }
0x8a: {  	s1 =	srdreg.scid  }
0x8b: {  	s0 =	sand.u32 $0x1, s1  }
0x8c: {  	s16 =	sshll.u32 s0, $0xA;
	s2 =	sadd.s32 s3, s2  }
0x8d: {  	s2 =	sadd.s32 s2, s16  }
0x8e: {  	[smem:$0x3FBD] =	sst s2  }
0x8f: {  	_ = 	snop  }
0x90: {  	(tm) =	ssettm $0x1  }
0x91: {  	s17 =	sld [smem:$0x3FFB];
	_ =	sdelay $0x3  }
0x92: {  	_ =	strace s17  }
0x93: {  	s2 =	sld [smem:$0x3FFC];
	_ =	sdelay $0x3  }
0x94: {  	_ =	strace s2  }
0x95: {  	s2 =	sld [smem:$0x3FFD];
	_ =	sdelay $0x3  }
0x96: {  	_ =	strace s2  }
0x97: {  	_ =	strace $0x8FFFFFFF  }
0x98: {  	s18 =	sld [smem:$0x3FDB];
	_ =	sdelay $0x1  }
0x99: {  	s19 =	simm.s32 $_scs_section_size  }
0x9a: {  	s4 =	simm.s32 $_size__tile_overlayer_lowered;
	s5 =	simm.s32 $_tile_overlayer_lowered  }
0x9b: {  	s22 =	simm.s32 $0x1BFF;
	s21 =	sshll.u32 s5, $0x1;
	s2 =	sadd.s32 s19, s18  }
0x9c: {  	s6 =	simm.s32 $0x0;
	s20 =	sshll.u32 s4, $0x1;
	s4 =	sadd.s32 s21, s2  }
0x9d: {  	[timem:s6], [sflag:s22] =	dma.local [hbm:s4], s20  }
0x9e: {  	_ =	swait.ge [sflag:s22], s20  }
0x9f: {  	s3 =	ssub.s32 $0x0, s20;
	[sflag:s22] =	ssyncset.done $0x0  }
0xa0: {  	[sflag:s22] =	ssyncadd.s32 s3;
	_ =	sdelay $0x1  }
0xa1: {  	s23 =	simm.s32 $0x1B8B  }
0xa2: {  	_ =	swait.ge [sflag:s23], $0x1  }
0xa3: {  	[sflag:s23] =	ssyncset.done $0x0  }
0xa4: {  	s25 =	simm.s32 $0x1B8E;
	s24 =	sld [smem:$0x3FFE];
	[sflag:s23] =	ssyncadd.s32 $0xFFFFFFFF  }
0xa5: {  	s26 =	simm.s32 $execute0_lowered;
	[smem:$0x3FD2] =	sst s25  }
0xa6: {  	s4 =	sshll.u32 s26, $0x1;
	_ =	strace $0x8000004C;
	[dreg:$0x1] =	wrdreg $0xFFFFFFFF  }
0xa7: {  	s28 =	simm.s32 $_size_execute0_lowered;
	s2 =	sadd.s32 s2, s4;
	[dreg:$0x0] =	wrdreg $0x0  }
0xa8: {  	s4 =	sshll.u32 s28, $0x1;
	[dreg:$0x2] =	wrdreg s2  }
0xa9: {  	[dreg:$0x3] =	wrdreg s4  }
0xaa: {  	[dreg:$0x4] =	wrdreg $0xC0  }
0xab: {  	_ =	task [dreg:s6], $0x5FFFF  }
0xac: {  	[dreg:$0x1] =	wrdreg $0xFFFFFFFF  }
0xad: {  	[dreg:$0x0] =	wrdreg $0x60  }
0xae: {  	[dreg:$0x2] =	wrdreg s24  }
0xaf: {  	[dreg:$0x3] =	wrdreg $0x9  }
0xb0: {  	_ =	task.clear_ibuf [dreg:s6], $0x4FFFF;
	_ =	strace $0x9000004C  }
0xb1: {  	s29 =	simm.s32 $0x9;
	_ =	strace $0x8000004E  }
0xb2: {  	_ =	swait.ge [sflag:s29], $0x1  }
0xb3: {  	[sflag:s29] =	ssyncadd.s32 $0xFFFFFFFF  }
0xb4: {  	_ =	strace $0x9000004E  }
0xb5: {  	_ =	sfence  }
0xb6: {  	s30 =	sld [smem:$0x0];
	_ =	sdelay $0x2  }
0xb7: {  	s31 =	sshll.u32 s1, $0xD;
	s1 =	sshrl.u32 s1, $0x2  }
0xb8: {  	s3 =	sand.u32 $0x4000, s31;
	s1 =	sadd.s32 s1, s30  }
0xb9: {  	s0 =	sor.u32 s3, s0;
	s1 =	sshll.u32 s1, $0x11  }
0xba: {  	s0 =	sor.u32 s1, s0  }
0xbb: {  	s0 =	sadd.s32 $0x8F2B, s0  }
0xbc: {  	[sflag:s0] =	ssyncadd.remote.s32 $0x1  }
0xbd: {  	_ =	sfence.sel $0xFFFF  }
0xbe: {  	[dreg:$0x0] =	wrdreg $0xFFFFFFFF;
	(pc) =	sbr.abs _section_cstart, $3  }
0xbf: {  	[dreg:$0x1] =	wrdreg $0xFFFFFFFF  }
0xc0: {  	_ =	task.clear_ibuf [dreg:s6], $0x2FFFF;
	_ =	strace $0x9FFFFFFF  }
0xc1: {  	(tm) =	ssettm $0x7FFFFFFF  }
tec
execute0_lowered:
.L_overlay_start_1:
0x0: {  	(tag) =	ssettag $0x1  }
0x1: {  	s3 =	rddreg [dreg:$0x0]  }
0x2: {  	s0 =	rddreg [dreg:$0x1];
	s2 =	simm.s32 $0x0  }
0x3: {  	s4 =	srdreg.scid;
	s1 =	stileid.u32;
	s16 =	simm.s32 $0x0  }
0x4: {  	[smem:$0x7FF] =	sst s2;
	s4 =	sand.u32 $0x1, s4;
	s5 =	smul.u32 $0x5000, s1  }
0x5: {  	s9 =	sadd.s32 $0x2C800, s3;
	s8 =	sadd.s32 $0xB8800, s3;
	s10 =	sadd.s32 $0x4800, s3  }
0x6: {  	s12 =	sadd.s32 $0x2DC00, s3;
	s6 =	ssub.s32 $0x2, s4;
	s7 =	smul.u32 $0xA0000, s4  }
0x7: {  	s28 =	smul.u32 $0xA00, s4;
	s29 =	sshll.u32 s4, $0x5;
	s4 =	sshllo.u32 s4, $0x1  }
0x8: {  	_ =	strace $0x8000004D;
	s11 =	sshrl.u32 s6, $0x1;
	s14 =	smul.u32 $0x50000, s4  }
0x9: {  	s15 =	sshll.u32 s4, $0x4;
	s30 =	smul.u32 $0x500, s4;
	s11 =	ssub.s32 s6, s11  }
0xa: {  	s26 =	sadd.s32 s5, s7;
	s7 =	sor.u32 s1, s29;
	s15 =	sor.u32 s1, s15  }
0xb: {  	s13 =	sshrl.u32 s26, $0x3;
	s7 =	smul.u32 $0x500, s7;
	s5 =	sadd.s32 s5, s14  }
0xc: {  	s15 =	smul.u32 $0x500, s15;
	s11 =	smax.u32 s11, $0x1;
	s14 =	simm.s32 $0xC800  }
0xd: {  	s3 =	sadd.s32 s10, s13;
	s4 =	sadd.s32 s8, s13;
	s31 =	sshrl.u32 s5, $0x3  }
0xe: {  	s5 =	sadd.s32 s9, s28;
	s9 =	sadd.s32 s9, s30;
	s13 =	simm.s32 $0x7800  }
0xf: {  	s6 =	sadd.s32 s12, s7;
	s7 =	sadd.s32 s10, s31;
	s8 =	sadd.s32 s8, s31  }
0x10: {  	v0 =	vimm.f32 $0.0e+00;
	s10 =	sadd.s32 s12, s15;
	s12 =	simm.s32 $0x1;
	s15 =	simm.s32 $0x5000  }
.LBB2_1:
0x11: {  	[tilespmem:s2], [sflag:$0x1] =	stream.linear.gather [hbm4b:s3+s2], $0x5000, $0x38;
	[tilespmem:$0xF000] =	vst v63  }
0x12: {  	_ =	swait.ge [sflag:s12], $0x5000  }
0x13: {  	[sflag:s12] =	ssyncset.done $0x0  }
0x14: {  	[sflag:s12] =	ssyncadd.s32 $0xFFFFB000  }
0x15: {  	[tilespmem:s13], [sflag:$0x1] =	stream.linear.gather [hbm4b:s4+s2], $0x5000, $0x38;
	[tilespmem:$0xF000] =	vst v63  }
0x16: {  	_ =	swait.ge [sflag:s12], $0x5000  }
0x17: {  	[sflag:s12] =	ssyncset.done $0x0  }
0x18: {  	[sflag:s12] =	ssyncadd.s32 $0xFFFFB000  }
0x19: {  	[tilespmem:s14], [sflag:$0x1] =	stream.linear.gather [hbm4b:s5+s2], $0x2800, $0x38;
	[tilespmem:$0xF000] =	vst v63  }
0x1a: {  	_ =	swait.ge [sflag:s12], $0x2800  }
0x1b: {  	[sflag:s12] =	ssyncset.done $0x0  }
0x1c: {  	s17 =	simm.s32 $0x0;
	[sflag:s12] =	ssyncadd.s32 $0xFFFFD800  }
.LBB2_2:
0x1d: {  	p0 =	sne.s32 s17, $0x9FC0  }
.Ltmp0:
0x1e: {  	_ = 	snop;
	(pc) =	sbr.rel @p0 .LBB2_2-.Ltmp0, $3  }
0x1f: {  	_ =	sdelay $0x1  }
0x20: {  	s18 =	sshra.s32 s17, $0x2  }
0x21: {  	s17 =	sadd.s32 $0x40, s17;
	[tilespmem:s18+$0x5000] =	vst v0  }
0x22: {  	s18 =	simm.s32 $0x0;
	s17 =	simm.s32 $0x40  }
.LBB2_4:
0x23: {  	p0 =	sne.s32 s17, $0x13FC0;
	v1 =	vld [tilespmem:s18+$0x7800];
	_ =	sdelay $0x5  }
0x24: {  	v2 =	vld [tilespmem:s18+$0x0];
	_ =	sdelay $0x1  }
0x25: {  	v1 =	vld.idx.msk [tilespmem:v1+s14+$0x0], $0xffff;
	_ =	sdelay $0x1  }
.Ltmp1:
0x26: {  	(pc) =	sbr.rel @p0 .LBB2_4-.Ltmp1, $2  }
0x27: {  	_ =	sdelay $0x2  }
0x28: {  	s18 =	sshra.s32 s17, $0x2;
	s17 =	sadd.s32 $0x40, s17;
	[tilespmem:v2+s15+$0x0] =	vst.idx.add.f32.msk $0xffff, v1  }
0x29: {  	v1 =	vld [tilespmem:s18+$0x7800];
	_ =	sdelay $0x4  }
0x2a: {  	v2 =	vld [tilespmem:s18+$0x0];
	_ =	sdelay $0x2  }
0x2b: {  	v1 =	vld.idx.msk [tilespmem:v1+s14+$0x0], $0xffff;
	_ =	sdelay $0x4  }
0x2c: {  	s17 =	simm.s32 $0x0;
	[tilespmem:v2+s15+$0x0] =	vst.idx.add.f32.msk $0xffff, v1  }
0x2d: {  	[hbm4b:s6+s17] =	stream.linear.scatter [tilespmem:s15], [sflag:$0x1], $0x2800, $0x38;
	[tilespmem:$0xF000] =	vst v63  }
0x2e: {  	_ =	swait.ge [sflag:s12], $0x2800  }
0x2f: {  	[sflag:s12] =	ssyncset.done $0x0  }
0x30: {  	[sflag:s12] =	ssyncadd.s32 $0xFFFFD800  }
0x31: {  	[tilespmem:s17], [sflag:$0x1] =	stream.linear.gather [hbm4b:s7+s17], $0x5000, $0x38;
	[tilespmem:$0xF000] =	vst v63  }
0x32: {  	_ =	swait.ge [sflag:s12], $0x5000  }
0x33: {  	[sflag:s12] =	ssyncset.done $0x0  }
0x34: {  	[sflag:s12] =	ssyncadd.s32 $0xFFFFB000  }
0x35: {  	[tilespmem:s13], [sflag:$0x1] =	stream.linear.gather [hbm4b:s8+s17], $0x5000, $0x38;
	[tilespmem:$0xF000] =	vst v63  }
0x36: {  	_ =	swait.ge [sflag:s12], $0x5000  }
0x37: {  	[sflag:s12] =	ssyncset.done $0x0  }
0x38: {  	[sflag:s12] =	ssyncadd.s32 $0xFFFFB000  }
0x39: {  	[tilespmem:s14], [sflag:$0x1] =	stream.linear.gather [hbm4b:s9+s17], $0x2800, $0x38;
	[tilespmem:$0xF000] =	vst v63  }
0x3a: {  	_ =	swait.ge [sflag:s12], $0x2800  }
0x3b: {  	[sflag:s12] =	ssyncset.done $0x0  }
0x3c: {  	s18 =	simm.s32 $0x0;
	s17 =	simm.s32 $0x40;
	[sflag:s12] =	ssyncadd.s32 $0xFFFFD800  }
.LBB2_6:
0x3d: {  	p0 =	sne.s32 s17, $0x9FC0;
	[tilespmem:s18+$0x5000] =	vst v0;
	s18 =	smov.u32 s17;
	s17 =	sadd.s32 $0x40, s17  }
.Ltmp2:
0x3e: {  	(pc) =	sbr.rel @p0 .LBB2_6-.Ltmp2, $2  }
0x3f: {  	_ =	sdelay $0x2  }
0x40: {  	s18 =	sshra.s32 s18, $0x2  }
0x41: {  	[tilespmem:s18+$0x5000] =	vst v0;
	s18 =	simm.s32 $0x0;
	s17 =	simm.s32 $0x40  }
.LBB2_8:
0x42: {  	p0 =	sne.s32 s17, $0x13FC0;
	v1 =	vld [tilespmem:s18+$0x7800];
	_ =	sdelay $0x5  }
0x43: {  	v2 =	vld [tilespmem:s18+$0x0];
	_ =	sdelay $0x1  }
0x44: {  	v1 =	vld.idx.msk [tilespmem:v1+s14+$0x0], $0xffff;
	_ =	sdelay $0x1  }
.Ltmp3:
0x45: {  	(pc) =	sbr.rel @p0 .LBB2_8-.Ltmp3, $2  }
0x46: {  	_ =	sdelay $0x2  }
0x47: {  	s18 =	sshra.s32 s17, $0x2;
	s17 =	sadd.s32 $0x40, s17;
	[tilespmem:v2+s15+$0x0] =	vst.idx.add.f32.msk $0xffff, v1  }
0x48: {  	v1 =	vld [tilespmem:s18+$0x7800];
	_ =	sdelay $0x4  }
0x49: {  	v2 =	vld [tilespmem:s18+$0x0];
	_ =	sdelay $0x2  }
0x4a: {  	v1 =	vld.idx.msk [tilespmem:v1+s14+$0x0], $0xffff;
	_ =	sdelay $0x2  }
0x4b: {  	s16 =	sadd.s32 $0x1, s16  }
0x4c: {  	p0 =	sne.s32 s16, s11  }
.Ltmp4:
0x4d: {  	[tilespmem:v2+s15+$0x0] =	vst.idx.add.f32.msk $0xffff, v1;
	(pc) =	sbr.rel @p0 .LBB2_1-.Ltmp4, $4  }
0x4e: {  	[hbm4b:s10+s2] =	stream.linear.scatter [tilespmem:s15], [sflag:$0x1], $0x2800, $0x38;
	[tilespmem:$0xF000] =	vst v63  }
0x4f: {  	_ =	swait.ge [sflag:s12], $0x2800  }
0x50: {  	[sflag:s12] =	ssyncset.done $0x0  }
0x51: {  	[sflag:s12] =	ssyncadd.s32 $0xFFFFD800  }
0x52: {  	_ =	sfence.sel $0x180000  }
0x53: {  	[bflag:$0x0] =	sbarrier.arrive $0xFFFF  }
0x54: {  	p0 =	sne.s32 s1, $0x0;
	_ =	strace $0x9000004D  }
0x55: {  	s0 =	sadd.s32 @!p0 $0x100000, s0;
	[bflag:$0x2] =	sbarrier.arrive $0xFFFF  }
0x56: {  	[sflag:s0] =	ssyncadd.tile.s32 @!p0 $0x1;
	_ =	shalt  }
.Lfunc_end2:
_tile_overlayer_lowered:
.L_overlay_start_2:
0x57: {  	(tag) =	ssettag $0x2  }
0x58: {  	s0 =	rddreg [dreg:$0x0];
	s2 =	stileid.u32  }
0x59: {  	s1 =	rddreg [dreg:$0x1];
	p0 =	sne.s32 s2, $0x0  }
0x5a: {  	s3 =	rddreg [dreg:$0x2];
	[bflag:$0x3] =	sbarrier.arrive $0xFFFF;
	s2 =	simm.s32 @!p0 $0x1C01  }
0x5b: {  	[timem:s3], [sflag:s2] =	dma.local @!p0 [hbm:s0], s1  }
0x5c: {  	s0 =	simm.s32 @!p0 $0x1  }
0x5d: {  	_ =	swait.ge @!p0 [sflag:s0], s1  }
0x5e: {  	s1 =	ssub.s32 @!p0 $0x0, s1;
	[sflag:s0] =	ssyncset.done @!p0 $0x0  }
0x5f: {  	[sflag:s0] =	ssyncadd.s32 @!p0 s1  }
0x60: {  	[bflag:$0x3] =	sbarrier.arrive $0xFFFF  }
0x61: {  	_ =	shalt  }

</sc_bundles>
